<compile_context>
chip_gen: v7x
topology: tpu7x:2x2x1
jax: 0.10.2.dev20260603
libtpu: 0.0.44.dev20260713+nightly
codegen_flags: <defaults>
</compile_context>

<pallas_src>
import functools

import jax
import jax.numpy as jnp
import numpy as np
from jax import lax
from jax.experimental import pallas as pl
from jax.experimental.pallas import tpu as pltpu
from jax.experimental.pallas import tpu_sc as plsc

N = 10000
K = 32
CIN = 128
CMID = 32
COUT = 128
KP = 15
G = 8
SIGMA = 0.75
TW = 48

_NW = 32
_CH = 80
_CPW = 125
_RPW = _CH * _CPW
_NPAD = _NW * _RPW

_EPS = 1e-5


def _leaky(x):
    return jnp.where(x >= 0, x, 0.1 * x)


def _gn(x, gamma, beta, mask, n_per_group):
    s = jnp.sum(x, axis=0, keepdims=True)
    ss = jnp.sum(x * x, axis=0, keepdims=True)
    sg = jnp.dot(s, mask, preferred_element_type=jnp.float32)
    ssg = jnp.dot(ss, mask, preferred_element_type=jnp.float32)
    mean = sg / n_per_group
    var = ssg / n_per_group - mean * mean
    inv = lax.rsqrt(var + _EPS)
    return (x - mean) * inv * gamma + beta


def _k1_body(s_feats_ref, s_points_ref, w1_ref, b1_ref, g1_ref, be1_ref,
             m32_ref, out_ref):
    x = jnp.dot(s_feats_ref[...], w1_ref[...], preferred_element_type=jnp.float32)
    x = x + b1_ref[...]
    x = _gn(x, g1_ref[...], be1_ref[...], m32_ref[...], float((CMID // G) * N))
    x = _leaky(x)
    pad = jnp.zeros((N, TW - CMID - 3), jnp.float32)
    out_ref[...] = jnp.concatenate([x, s_points_ref[...], pad], axis=1)


def _sc_gather(table, idx2d):
    mesh = plsc.VectorSubcoreMesh(core_axis_name="c", subcore_axis_name="s")

    @functools.partial(
        pl.kernel,
        mesh=mesh,
        compiler_params=pltpu.CompilerParams(use_tc_tiling_on_sc=False),
        out_type=jax.ShapeDtypeStruct((K, N, 128), jnp.float32),
        scratch_types=[
            pltpu.VMEM((_CPW, _CH), jnp.int32),
            pltpu.VMEM((_CH, TW), jnp.float32),
            pltpu.SemaphoreType.DMA,
        ],
    )
    def gather_kernel(table_hbm, idx_hbm, out_hbm, idx_v, rows_v, sem):
        wid = lax.axis_index("s") * 2 + lax.axis_index("c")
        pltpu.sync_copy(idx_hbm.at[wid], idx_v)

        def body(i, carry):
            pltpu.async_copy(table_hbm.at[idx_v.at[i]], rows_v, sem).wait()
            pltpu.sync_copy(
                rows_v, out_hbm.at[wid, pl.ds(i * _CH, _CH), pl.ds(0, TW)])
            return carry

        lax.fori_loop(0, _CPW, body, 0)

    return gather_kernel(table, idx2d)


def _k2_body(g_ref, q_ref, kpt_ref, e_ref, t_ref, wkp_ref, bias_ref, out_ref,
             *, bm):
    qx = q_ref[:, 0:1]
    qy = q_ref[:, 1:2]
    qz = q_ref[:, 2:3]
    kpx = kpt_ref[0:1, :]
    kpy = kpt_ref[1:2, :]
    kpz = kpt_ref[2:3, :]
    acc = jnp.zeros((bm, KP * CMID), jnp.float32)
    cnt = jnp.zeros((bm, 1), jnp.float32)
    for k in range(K):
        feats = g_ref[k, :, 0:CMID]
        dx = g_ref[k, :, CMID:CMID + 1] - qx
        dy = g_ref[k, :, CMID + 1:CMID + 2] - qy
        dz = g_ref[k, :, CMID + 2:CMID + 3] - qz
        ddx = dx - kpx
        ddy = dy - kpy
        ddz = dz - kpz
        sq_d = ddx * ddx + ddy * ddy + ddz * ddz
        nw = jnp.maximum(1.0 - jnp.sqrt(sq_d) * (1.0 / SIGMA), 0.0)
        nw_full = jnp.dot(nw, e_ref[...], preferred_element_type=jnp.float32)
        f_full = jnp.dot(feats, t_ref[...], preferred_element_type=jnp.float32)
        acc = acc + nw_full * f_full
        nfs = jnp.sum(feats, axis=1, keepdims=True)
        cnt = cnt + jnp.where(nfs > 0.0, 1.0, 0.0)
    nnum = jnp.maximum(cnt, 1.0)
    out = jnp.dot(acc, wkp_ref[...], preferred_element_type=jnp.float32)
    out_ref[...] = out / nnum + bias_ref[...]


def _k3_body(xm_ref, s_feats_ref, gc_ref, bc_ref, w2_ref, b2_ref, g2_ref,
             be2_ref, m32_ref, m128_ref, out_ref):
    x = _gn(xm_ref[...], gc_ref[...], bc_ref[...], m32_ref[...],
            float((CMID // G) * N))
    x = _leaky(x)
    x = jnp.dot(x, w2_ref[...], preferred_element_type=jnp.float32)
    x = x + b2_ref[...]
    x = _gn(x, g2_ref[...], be2_ref[...], m128_ref[...], float((COUT // G) * N))
    x = x + s_feats_ref[...]
    out_ref[...] = _leaky(x)


def kernel(s_feats, q_points, s_points, neighbor_indices, W1, b1, g1, be1,
           kernel_points, kp_weights, kp_bias, gc, bc, W2, b2, g2, be2):
    m32 = jnp.asarray(np.kron(np.eye(G), np.ones((CMID // G, CMID // G))),
                      jnp.float32)
    m128 = jnp.asarray(np.kron(np.eye(G), np.ones((COUT // G, COUT // G))),
                       jnp.float32)
    e_np = np.zeros((KP, KP * CMID), np.float32)
    for p in range(KP):
        e_np[p, p * CMID:(p + 1) * CMID] = 1.0
    t_np = np.zeros((CMID, KP * CMID), np.float32)
    for p in range(KP):
        t_np[:, p * CMID:(p + 1) * CMID] = np.eye(CMID, dtype=np.float32)
    e_c = jnp.asarray(e_np)
    t_c = jnp.asarray(t_np)
    wkp = kp_weights.reshape(KP * CMID, CMID)

    table = pl.pallas_call(
        _k1_body,
        out_shape=jax.ShapeDtypeStruct((N, TW), jnp.float32),
    )(s_feats, s_points, W1, b1.reshape(1, CMID), g1.reshape(1, CMID),
      be1.reshape(1, CMID), m32)

    idx = neighbor_indices.astype(jnp.int32).T.reshape(_NW, _CPW, _CH)
    g3 = _sc_gather(table, idx)

    bm = 400
    nblk = N // bm
    out_mid = pl.pallas_call(
        functools.partial(_k2_body, bm=bm),
        grid=(nblk,),
        in_specs=[
            pl.BlockSpec((K, bm, 128), lambda i: (0, i, 0)),
            pl.BlockSpec((bm, 3), lambda i: (i, 0)),
            pl.BlockSpec((3, KP), lambda i: (0, 0)),
            pl.BlockSpec((KP, KP * CMID), lambda i: (0, 0)),
            pl.BlockSpec((CMID, KP * CMID), lambda i: (0, 0)),
            pl.BlockSpec((KP * CMID, CMID), lambda i: (0, 0)),
            pl.BlockSpec((1, CMID), lambda i: (0, 0)),
        ],
        out_specs=pl.BlockSpec((bm, CMID), lambda i: (i, 0)),
        out_shape=jax.ShapeDtypeStruct((N, CMID), jnp.float32),
    )(g3, q_points, kernel_points.T, e_c, t_c, wkp,
      kp_bias.reshape(1, CMID))

    out = pl.pallas_call(
        _k3_body,
        out_shape=jax.ShapeDtypeStruct((N, COUT), jnp.float32),
    )(out_mid, s_feats, gc.reshape(1, CMID), bc.reshape(1, CMID), W2,
      b2.reshape(1, COUT), g2.reshape(1, COUT), be2.reshape(1, COUT), m32,
      m128)
    return out[:, None, :]

# --- scband reference (transcript-rebuilt; emitter-appended) ---
"""Pipeline reference for scband-residual-block-42090679501106 (READ-ONLY COPY).

The authoritative reference and input builder live on the scoring server;
editing this copy changes nothing except your own understanding.
"""

import jax, jax.numpy as jnp
import numpy as np

N = 10000
K = 32
CIN = 128
CMID = 32
COUT = 128
KP = 15
G = 8
RADIUS = 1.0
SIGMA = 0.75


def _group_norm(x, gamma, beta, num_groups, eps=1e-5):
    n, c = x.shape
    xt = x.T.reshape(num_groups, (c // num_groups) * n)
    mean = xt.mean(axis=1, keepdims=True)
    var = xt.var(axis=1, keepdims=True)
    xt = (xt - mean) / jnp.sqrt(var + eps)
    xn = xt.reshape(c, n).T
    return xn * gamma[None, :] + beta[None, :]


def _leaky(x):
    return jnp.where(x >= 0, x, 0.1 * x)


def _kpconv(x, q_points, s_points, neighbor_indices, kernel_points, weights, bias, sigma):
    s_pts = jnp.concatenate([s_points, jnp.full((1, 3), 1e6, s_points.dtype)], axis=0)
    x_pad = jnp.concatenate([x, jnp.zeros((1, x.shape[1]), x.dtype)], axis=0)
    neighbors = s_pts[neighbor_indices] - q_points[:, None, :]
    diff = neighbors[:, :, None, :] - kernel_points[None, None, :, :]
    sq_d = jnp.sum(diff * diff, axis=3)
    nw = jnp.maximum(1.0 - jnp.sqrt(sq_d) / sigma, 0.0)
    nw = jnp.transpose(nw, (0, 2, 1))
    nf = x_pad[neighbor_indices]
    wf = jnp.matmul(nw, nf)
    out = jnp.einsum('mkc,kcd->md', wf, weights)
    nfs = jnp.sum(nf, axis=-1)
    nnum = jnp.maximum(jnp.sum((nfs > 0.0).astype(x.dtype), axis=-1), 1.0)
    out = out / nnum[:, None]
    return out + bias[None, :]


def setup_inputs(seed: int = 0):
    key = jax.random.key(seed)
    ks = jax.random.split(key, 8)
    s_feats = jax.random.normal(ks[0], (N, CIN), jnp.float32)
    q_points = jax.random.uniform(ks[1], (N, 3), dtype=jnp.float32)
    s_points = jax.random.uniform(ks[2], (N, 3), dtype=jnp.float32)
    neighbor_indices = jax.random.randint(ks[3], (N, K), 0, N)
    W1 = jax.random.normal(ks[4], (CIN, CMID), jnp.float32) * 0.05
    b1 = jnp.zeros((CMID,), jnp.float32)
    g1 = jnp.ones((CMID,), jnp.float32)
    be1 = jnp.zeros((CMID,), jnp.float32)
    rng = np.random.RandomState(42)
    kernel_points = jnp.asarray(rng.uniform(-1.0, 1.0, (KP, 3)) * RADIUS * 0.66, jnp.float32)
    kp_weights = jax.random.normal(ks[5], (KP, CMID, CMID), jnp.float32) * 0.05
    kp_bias = jnp.zeros((CMID,), jnp.float32)
    gc = jnp.ones((CMID,), jnp.float32)
    bc = jnp.zeros((CMID,), jnp.float32)
    W2 = jax.random.normal(ks[6], (CMID, COUT), jnp.float32) * 0.05
    b2 = jnp.zeros((COUT,), jnp.float32)
    g2 = jnp.ones((COUT,), jnp.float32)
    be2 = jnp.zeros((COUT,), jnp.float32)
    return {"s_feats": s_feats, "q_points": q_points, "s_points": s_points, "neighbor_indices": neighbor_indices, "W1": W1, "b1": b1, "g1": g1, "be1": be1, "kernel_points": kernel_points, "kp_weights": kp_weights, "kp_bias": kp_bias, "gc": gc, "bc": bc, "W2": W2, "b2": b2, "g2": g2, "be2": be2}


def reference(s_feats, q_points, s_points, neighbor_indices, W1, b1, g1, be1, kernel_points, kp_weights, kp_bias, gc, bc, W2, b2, g2, be2):
    # unary1: Linear -> GroupNorm -> LeakyReLU
    x = s_feats @ W1 + b1[None, :]
    x = _group_norm(x, g1, be1, G)
    x = _leaky(x)
    # KPConv (kernel point convolution, GeoTransformer-style)
    x = _kpconv(x, q_points, s_points, neighbor_indices, kernel_points, kp_weights, kp_bias, SIGMA)
    x = _group_norm(x, gc, bc, G)
    x = _leaky(x)
    # unary2: Linear -> GroupNorm (no relu)
    x = x @ W2 + b2[None, :]
    x = _group_norm(x, g2, be2, G)
    # shortcut: identity (in_channels == out_channels, not strided)
    x = x + s_feats
    x = _leaky(x)
    return x[:, None, :]

if __name__ == "__main__":
    import jax
    _d = setup_inputs()
    print(jax.jit(kernel)(*tuple(_d.values())))

</pallas_src>

<mosaic_0001>
#map = affine_map<(d0, d1) -> (0, 0)>
#map1 = affine_map<(d0, d1) -> (0, 0, 0)>
module attributes {stable_mosaic.version = 14 : i64} {
  func.func @gather_kernel(%arg0: i32, %arg1: i32, %arg2: memref<10000x48xf32, #tpu.memory_space<hbm>>, %arg3: memref<32x125x80xi32, #tpu.memory_space<hbm>>, %arg4: memref<32x10000x128xf32, #tpu.memory_space<hbm>>, %arg5: memref<125x80xi32, #tpu.memory_space<vmem>>, %arg6: memref<80x48xf32, #tpu.memory_space<vmem>>, %arg7: memref<!tpu.dma_semaphore, #tpu.memory_space<semaphore_mem>>) attributes {dimension_semantics = [#tpu.dimension_semantics<core_parallel>, #tpu.dimension_semantics<subcore_parallel>], iteration_bounds = array<i64: 2, 16>, scalar_prefetch = 0 : i64, scratch_operands = 3 : i64, tpu.core_type = #tpu.core_type<sc_vector_subcore>, window_params = [{transform_indices = #map}, {transform_indices = #map1}, {transform_indices = #map1}]} {
    %mul3A = arith.constant 2 : i32
    %mul3A_0 = arith.muli %arg1, %mul3A : i32
    %add3A = arith.addi %mul3A_0, %arg0 : i32
    "tpu.region"() ({
      %run_scoped3A = tpu.sem_alloc : memref<!tpu.dma_semaphore, #tpu.memory_space<semaphore_mem>>
      %dma_start3A = arith.constant 0 : i32
      %dma_start3A_6 = arith.constant 0 : i32
      %dma_start3A_7 = tpu.memref_slice %arg3[%add3A, %dma_start3A, %dma_start3A_6] : memref<32x125x80xi32, #tpu.memory_space<hbm>> -> memref<1x125x80xi32, #tpu.memory_space<hbm>>
      %dma_start3A_8 = tpu.memref_squeeze %dma_start3A_7 : memref<1x125x80xi32, #tpu.memory_space<hbm>> -> memref<125x80xi32, #tpu.memory_space<hbm>>
      %dma_start3A_9 = arith.constant 0 : i32
      %dma_start3A_10 = arith.constant 0 : i32
      %dma_start3A_11 = tpu.memref_slice %arg3[%add3A, %dma_start3A_9, %dma_start3A_10] : memref<32x125x80xi32, #tpu.memory_space<hbm>> -> memref<1x125x80xi32, #tpu.memory_space<hbm>>
      %dma_start3A_12 = tpu.memref_squeeze %dma_start3A_11 : memref<1x125x80xi32, #tpu.memory_space<hbm>> -> memref<125x80xi32, #tpu.memory_space<hbm>>
      tpu.enqueue_dma source(%dma_start3A_12 : memref<125x80xi32, #tpu.memory_space<hbm>>) target(%arg5 : memref<125x80xi32, #tpu.memory_space<vmem>>) target_semaphore(%run_scoped3A : memref<!tpu.dma_semaphore, #tpu.memory_space<semaphore_mem>>)
      %dma_wait3A = arith.constant 0 : i32
      %dma_wait3A_13 = arith.constant 0 : i32
      %dma_wait3A_14 = tpu.memref_slice %arg3[%add3A, %dma_wait3A, %dma_wait3A_13] : memref<32x125x80xi32, #tpu.memory_space<hbm>> -> memref<1x125x80xi32, #tpu.memory_space<hbm>>
      %dma_wait3A_15 = tpu.memref_squeeze %dma_wait3A_14 : memref<1x125x80xi32, #tpu.memory_space<hbm>> -> memref<125x80xi32, #tpu.memory_space<hbm>>
      %dma_wait3A_16 = arith.constant 0 : i32
      %dma_wait3A_17 = arith.constant 0 : i32
      %dma_wait3A_18 = tpu.memref_slice %arg3[%add3A, %dma_wait3A_16, %dma_wait3A_17] : memref<32x125x80xi32, #tpu.memory_space<hbm>> -> memref<1x125x80xi32, #tpu.memory_space<hbm>>
      %dma_wait3A_19 = tpu.memref_squeeze %dma_wait3A_18 : memref<1x125x80xi32, #tpu.memory_space<hbm>> -> memref<125x80xi32, #tpu.memory_space<hbm>>
      tpu.wait_dma2 semaphore(%run_scoped3A : memref<!tpu.dma_semaphore, #tpu.memory_space<semaphore_mem>>) src(%dma_wait3A_19 : memref<125x80xi32, #tpu.memory_space<hbm>>) dst(%arg5 : memref<125x80xi32, #tpu.memory_space<vmem>>)
      tpu.yield
    }) : () -> ()
    %scan3A = arith.constant 0 : i32
    %scan3A_1 = arith.constant 0 : i32
    %scan3A_2 = arith.constant 125 : i32
    %scan3A_3 = arith.addi %scan3A_1, %scan3A_2 : i32
    %scan3A_4 = arith.constant 1 : i32
    scf.for %scan3A_6 = %scan3A_1 to %scan3A_3 step %scan3A_4  : i32 {
      %dma_start3A = arith.constant 0 : i32
      %dma_start3A_7 = tpu.memref_slice %arg5[%scan3A_6, %dma_start3A] : memref<125x80xi32, #tpu.memory_space<vmem>> -> memref<1x80xi32, #tpu.memory_space<vmem>>
      %dma_start3A_8 = tpu.memref_squeeze %dma_start3A_7 : memref<1x80xi32, #tpu.memory_space<vmem>> -> memref<80xi32, #tpu.memory_space<vmem>>
      %dma_start3A_9 = arith.constant 0 : i32
      %dma_start3A_10 = arith.constant 0 : i32
      %dma_start3A_11 = tpu.memref_slice %arg2[%dma_start3A_9, %dma_start3A_10] : memref<10000x48xf32, #tpu.memory_space<hbm>> -> memref<10000x48xf32, #tpu.memory_space<hbm>>
      tpu.enqueue_indirect_dma source(%dma_start3A_11 : memref<10000x48xf32, #tpu.memory_space<hbm>>) target(%arg6 : memref<80x48xf32, #tpu.memory_space<vmem>>) offsets(%dma_start3A_8 : memref<80xi32, #tpu.memory_space<vmem>>) semaphore(%arg7 : memref<!tpu.dma_semaphore, #tpu.memory_space<semaphore_mem>>)
      %dma_wait3A = arith.constant 0 : i32
      %dma_wait3A_12 = tpu.memref_slice %arg5[%scan3A_6, %dma_wait3A] : memref<125x80xi32, #tpu.memory_space<vmem>> -> memref<1x80xi32, #tpu.memory_space<vmem>>
      %dma_wait3A_13 = tpu.memref_squeeze %dma_wait3A_12 : memref<1x80xi32, #tpu.memory_space<vmem>> -> memref<80xi32, #tpu.memory_space<vmem>>
      %dma_wait3A_14 = arith.constant 0 : i32
      %dma_wait3A_15 = arith.constant 0 : i32
      %dma_wait3A_16 = tpu.memref_slice %arg2[%dma_wait3A_14, %dma_wait3A_15] : memref<10000x48xf32, #tpu.memory_space<hbm>> -> memref<10000x48xf32, #tpu.memory_space<hbm>>
      tpu.wait_indirect_dma semaphore(%arg7 : memref<!tpu.dma_semaphore, #tpu.memory_space<semaphore_mem>>) src(%dma_wait3A_16 : memref<10000x48xf32, #tpu.memory_space<hbm>>) dst(%arg6 : memref<80x48xf32, #tpu.memory_space<vmem>>)
      %mul3A_17 = arith.constant 80 : i32
      %mul3A_18 = arith.muli %scan3A_6, %mul3A_17 : i32
      "tpu.region"() ({
        %run_scoped3A = tpu.sem_alloc : memref<!tpu.dma_semaphore, #tpu.memory_space<semaphore_mem>>
        %dma_start3A_19 = arith.constant 0 : i32
        %dma_start3A_20 = tpu.memref_slice %arg4[%add3A, %mul3A_18, %dma_start3A_19] : memref<32x10000x128xf32, #tpu.memory_space<hbm>> -> memref<1x80x48xf32, #tpu.memory_space<hbm>>
        %dma_start3A_21 = tpu.memref_squeeze %dma_start3A_20 : memref<1x80x48xf32, #tpu.memory_space<hbm>> -> memref<80x48xf32, #tpu.memory_space<hbm>>
        %dma_start3A_22 = arith.constant 0 : i32
        %dma_start3A_23 = tpu.memref_slice %arg4[%add3A, %mul3A_18, %dma_start3A_22] : memref<32x10000x128xf32, #tpu.memory_space<hbm>> -> memref<1x80x48xf32, #tpu.memory_space<hbm>>
        %dma_start3A_24 = tpu.memref_squeeze %dma_start3A_23 : memref<1x80x48xf32, #tpu.memory_space<hbm>> -> memref<80x48xf32, #tpu.memory_space<hbm>>
        tpu.enqueue_dma source(%arg6 : memref<80x48xf32, #tpu.memory_space<vmem>>) target(%dma_start3A_24 : memref<80x48xf32, #tpu.memory_space<hbm>>) target_semaphore(%run_scoped3A : memref<!tpu.dma_semaphore, #tpu.memory_space<semaphore_mem>>)
        %dma_wait3A_25 = arith.constant 0 : i32
        %dma_wait3A_26 = tpu.memref_slice %arg4[%add3A, %mul3A_18, %dma_wait3A_25] : memref<32x10000x128xf32, #tpu.memory_space<hbm>> -> memref<1x80x48xf32, #tpu.memory_space<hbm>>
        %dma_wait3A_27 = tpu.memref_squeeze %dma_wait3A_26 : memref<1x80x48xf32, #tpu.memory_space<hbm>> -> memref<80x48xf32, #tpu.memory_space<hbm>>
        %dma_wait3A_28 = arith.constant 0 : i32
        %dma_wait3A_29 = tpu.memref_slice %arg4[%add3A, %mul3A_18, %dma_wait3A_28] : memref<32x10000x128xf32, #tpu.memory_space<hbm>> -> memref<1x80x48xf32, #tpu.memory_space<hbm>>
        %dma_wait3A_30 = tpu.memref_squeeze %dma_wait3A_29 : memref<1x80x48xf32, #tpu.memory_space<hbm>> -> memref<80x48xf32, #tpu.memory_space<hbm>>
        tpu.wait_dma2 semaphore(%run_scoped3A : memref<!tpu.dma_semaphore, #tpu.memory_space<semaphore_mem>>) src(%arg6 : memref<80x48xf32, #tpu.memory_space<vmem>>) dst(%dma_wait3A_30 : memref<80x48xf32, #tpu.memory_space<hbm>>)
        tpu.yield
      }) : () -> ()
    }
    %scan3A_5 = arith.constant 125 : i32
    return
  }
}

module attributes {stable_mosaic.version = 14 : i64} {
  func.func @_k1_body(%arg0: memref<10000x128xf32, #tpu.memory_space<vmem>>, %arg1: memref<10000x3xf32, #tpu.memory_space<vmem>>, %arg2: memref<128x32xf32, #tpu.memory_space<vmem>>, %arg3: memref<1x32xf32, #tpu.memory_space<vmem>>, %arg4: memref<1x32xf32, #tpu.memory_space<vmem>>, %arg5: memref<1x32xf32, #tpu.memory_space<vmem>>, %arg6: memref<32x32xf32, #tpu.memory_space<vmem>>, %arg7: memref<10000x48xf32, #tpu.memory_space<vmem>>) attributes {dimension_semantics = [], scalar_prefetch = 0 : i64, scratch_operands = 0 : i64, tpu.core_type = #tpu.core_type<tc>} {
    %get3A = arith.constant 0 : index
    %get3A_0 = arith.constant 0 : index
    %get3A_1 = vector.load %arg0[%get3A, %get3A_0] : memref<10000x128xf32, #tpu.memory_space<vmem>>, vector<10000x128xf32>
    %get3A_2 = arith.constant 0 : index
    %get3A_3 = arith.constant 0 : index
    %get3A_4 = vector.load %arg2[%get3A_2, %get3A_3] : memref<128x32xf32, #tpu.memory_space<vmem>>, vector<128x32xf32>
    %dot_general3A = arith.constant dense<0.000000e+00> : vector<10000x32xf32>
    %dot_general3A_5 = tpu.matmul %get3A_1, %get3A_4, %dot_general3A {dimension_numbers = #tpu.dot_dimension_numbers<[1], [0], [0], [1], [0, 0, 1, 1], [], []>, transpose_lhs_hint = false} : vector<10000x128xf32>, vector<128x32xf32>, vector<10000x32xf32> -> vector<10000x32xf32>
    %get3A_6 = arith.constant 0 : index
    %get3A_7 = arith.constant 0 : index
    %get3A_8 = vector.load %arg3[%get3A_6, %get3A_7] : memref<1x32xf32, #tpu.memory_space<vmem>>, vector<1x32xf32>
    %add3A = vector.broadcast %get3A_8 : vector<1x32xf32> to vector<10000x32xf32>
    %add3A_9 = arith.addf %dot_general3A_5, %add3A : vector<10000x32xf32>
    %get3A_10 = arith.constant 0 : index
    %get3A_11 = arith.constant 0 : index
    %get3A_12 = vector.load %arg4[%get3A_10, %get3A_11] : memref<1x32xf32, #tpu.memory_space<vmem>>, vector<1x32xf32>
    %get3A_13 = arith.constant 0 : index
    %get3A_14 = arith.constant 0 : index
    %get3A_15 = vector.load %arg5[%get3A_13, %get3A_14] : memref<1x32xf32, #tpu.memory_space<vmem>>, vector<1x32xf32>
    %get3A_16 = arith.constant 0 : index
    %get3A_17 = arith.constant 0 : index
    %get3A_18 = vector.load %arg6[%get3A_16, %get3A_17] : memref<32x32xf32, #tpu.memory_space<vmem>>, vector<32x32xf32>
    %reduce_sum3A = arith.constant dense<0.000000e+00> : vector<32xf32>
    %reduce_sum3A_19 = vector.multi_reduction <add>, %add3A_9, %reduce_sum3A [0] : vector<10000x32xf32> to vector<32xf32>
    %broadcast_in_dim3A = vector.shape_cast %reduce_sum3A_19 : vector<32xf32> to vector<1x32xf32>
    %mul3A = arith.mulf %add3A_9, %add3A_9 : vector<10000x32xf32>
    %reduce_sum3A_20 = arith.constant dense<0.000000e+00> : vector<32xf32>
    %reduce_sum3A_21 = vector.multi_reduction <add>, %mul3A, %reduce_sum3A_20 [0] : vector<10000x32xf32> to vector<32xf32>
    %broadcast_in_dim3A_22 = vector.shape_cast %reduce_sum3A_21 : vector<32xf32> to vector<1x32xf32>
    %dot_general3A_23 = arith.constant dense<0.000000e+00> : vector<1x32xf32>
    %dot_general3A_24 = tpu.matmul %broadcast_in_dim3A, %get3A_18, %dot_general3A_23 {dimension_numbers = #tpu.dot_dimension_numbers<[1], [0], [0], [1], [0, 0, 1, 1], [], []>, transpose_lhs_hint = false} : vector<1x32xf32>, vector<32x32xf32>, vector<1x32xf32> -> vector<1x32xf32>
    %dot_general3A_25 = arith.constant dense<0.000000e+00> : vector<1x32xf32>
    %dot_general3A_26 = tpu.matmul %broadcast_in_dim3A_22, %get3A_18, %dot_general3A_25 {dimension_numbers = #tpu.dot_dimension_numbers<[1], [0], [0], [1], [0, 0, 1, 1], [], []>, transpose_lhs_hint = false} : vector<1x32xf32>, vector<32x32xf32>, vector<1x32xf32> -> vector<1x32xf32>
    %div3A = arith.constant 4.000000e+04 : f32
    %div3A_27 = vector.broadcast %div3A : f32 to vector<1x32xf32>
    %div3A_28 = arith.divf %dot_general3A_24, %div3A_27 : vector<1x32xf32>
    %div3A_29 = arith.constant 4.000000e+04 : f32
    %div3A_30 = vector.broadcast %div3A_29 : f32 to vector<1x32xf32>
    %div3A_31 = arith.divf %dot_general3A_26, %div3A_30 : vector<1x32xf32>
    %mul3A_32 = arith.mulf %div3A_28, %div3A_28 : vector<1x32xf32>
    %sub3A = arith.subf %div3A_31, %mul3A_32 : vector<1x32xf32>
    %add3A_33 = arith.constant 9.99999974E-6 : f32
    %add3A_34 = vector.broadcast %add3A_33 : f32 to vector<1x32xf32>
    %add3A_35 = arith.addf %sub3A, %add3A_34 : vector<1x32xf32>
    %rsqrt3A = math.rsqrt %add3A_35 : vector<1x32xf32>
    %sub3A_36 = vector.broadcast %div3A_28 : vector<1x32xf32> to vector<10000x32xf32>
    %sub3A_37 = arith.subf %add3A_9, %sub3A_36 : vector<10000x32xf32>
    %mul3A_38 = vector.broadcast %rsqrt3A : vector<1x32xf32> to vector<10000x32xf32>
    %mul3A_39 = arith.mulf %sub3A_37, %mul3A_38 : vector<10000x32xf32>
    %mul3A_40 = vector.broadcast %get3A_12 : vector<1x32xf32> to vector<10000x32xf32>
    %mul3A_41 = arith.mulf %mul3A_39, %mul3A_40 : vector<10000x32xf32>
    %add3A_42 = vector.broadcast %get3A_15 : vector<1x32xf32> to vector<10000x32xf32>
    %add3A_43 = arith.addf %mul3A_41, %add3A_42 : vector<10000x32xf32>
    %ge3A = arith.constant 0.000000e+00 : f32
    %ge3A_44 = vector.broadcast %ge3A : f32 to vector<10000x32xf32>
    %ge3A_45 = arith.cmpf oge, %add3A_43, %ge3A_44 : vector<10000x32xf32>
    %mul3A_46 = arith.constant 1.000000e-01 : f32
    %mul3A_47 = vector.broadcast %mul3A_46 : f32 to vector<10000x32xf32>
    %mul3A_48 = arith.mulf %mul3A_47, %add3A_43 : vector<10000x32xf32>
    %select_n3A = arith.select %ge3A_45, %add3A_43, %mul3A_48 : vector<10000x32xi1>, vector<10000x32xf32>
    %broadcast_in_dim3A_49 = arith.constant 0.000000e+00 : f32
    %broadcast_in_dim3A_50 = vector.broadcast %broadcast_in_dim3A_49 : f32 to vector<10000x13xf32>
    %get3A_51 = arith.constant 0 : index
    %get3A_52 = arith.constant 0 : index
    %get3A_53 = vector.load %arg1[%get3A_51, %get3A_52] : memref<10000x3xf32, #tpu.memory_space<vmem>>, vector<10000x3xf32>
    %concatenate3A = tpu.concatenate %select_n3A, %get3A_53, %broadcast_in_dim3A_50 in 1 : vector<10000x32xf32>, vector<10000x3xf32>, vector<10000x13xf32> -> vector<10000x48xf32>
    %swap3A = arith.constant 0 : index
    %swap3A_54 = arith.constant 0 : index
    %swap3A_55 = vector.load %arg7[%swap3A, %swap3A_54] : memref<10000x48xf32, #tpu.memory_space<vmem>>, vector<10000x48xf32>
    tpu.vector_store %arg7[%swap3A, %swap3A_54], %concatenate3A {strides = array<i32>} : memref<10000x48xf32, #tpu.memory_space<vmem>>, vector<10000x48xf32>,
    return
  }
}

module attributes {stable_mosaic.version = 14 : i64} {
  func.func @_k2_body(%arg0: i32, %arg1: memref<32x400x128xf32, #tpu.memory_space<vmem>>, %arg2: memref<400x3xf32, #tpu.memory_space<vmem>>, %arg3: memref<3x15xf32, #tpu.memory_space<vmem>>, %arg4: memref<15x480xf32, #tpu.memory_space<vmem>>, %arg5: memref<32x480xf32, #tpu.memory_space<vmem>>, %arg6: memref<480x32xf32, #tpu.memory_space<vmem>>, %arg7: memref<1x32xf32, #tpu.memory_space<vmem>>, %arg8: memref<400x32xf32, #tpu.memory_space<vmem>>) attributes {dimension_semantics = [#tpu.dimension_semantics<arbitrary>], iteration_bounds = array<i64: 25>, scalar_prefetch = 0 : i64, scratch_operands = 0 : i64, tpu.core_type = #tpu.core_type<tc>, window_params = [{transform_indices = @transform_0, window_bounds = array<i64: 32, 400, 128>}, {transform_indices = @transform_1, window_bounds = array<i64: 400, 3>}, {pipeline_mode = #tpu.pipeline_mode<synchronous>, transform_indices = @transform_2, window_bounds = array<i64: 3, 15>}, {pipeline_mode = #tpu.pipeline_mode<synchronous>, transform_indices = @transform_3, window_bounds = array<i64: 15, 480>}, {pipeline_mode = #tpu.pipeline_mode<synchronous>, transform_indices = @transform_4, window_bounds = array<i64: 32, 480>}, {pipeline_mode = #tpu.pipeline_mode<synchronous>, transform_indices = @transform_5, window_bounds = array<i64: 480, 32>}, {pipeline_mode = #tpu.pipeline_mode<synchronous>, transform_indices = @transform_6, window_bounds = array<i64: 1, 32>}, {transform_indices = @transform_7, window_bounds = array<i64: 400, 32>}]} {
    %get3A = arith.constant 0 : index
    %get3A_0 = arith.constant 0 : index
    %get3A_1 = vector.load %arg2[%get3A, %get3A_0] : memref<400x3xf32, #tpu.memory_space<vmem>>, vector<400x1xf32>
    %get3A_2 = arith.constant 0 : index
    %get3A_3 = arith.constant 1 : index
    %get3A_4 = vector.load %arg2[%get3A_2, %get3A_3] : memref<400x3xf32, #tpu.memory_space<vmem>>, vector<400x1xf32>
    %get3A_5 = arith.constant 0 : index
    %get3A_6 = arith.constant 2 : index
    %get3A_7 = vector.load %arg2[%get3A_5, %get3A_6] : memref<400x3xf32, #tpu.memory_space<vmem>>, vector<400x1xf32>
    %get3A_8 = arith.constant 0 : index
    %get3A_9 = arith.constant 0 : index
    %get3A_10 = vector.load %arg3[%get3A_8, %get3A_9] : memref<3x15xf32, #tpu.memory_space<vmem>>, vector<1x15xf32>
    %get3A_11 = arith.constant 1 : index
    %get3A_12 = arith.constant 0 : index
    %get3A_13 = vector.load %arg3[%get3A_11, %get3A_12] : memref<3x15xf32, #tpu.memory_space<vmem>>, vector<1x15xf32>
    %get3A_14 = arith.constant 2 : index
    %get3A_15 = arith.constant 0 : index
    %get3A_16 = vector.load %arg3[%get3A_14, %get3A_15] : memref<3x15xf32, #tpu.memory_space<vmem>>, vector<1x15xf32>
    %broadcast_in_dim3A = arith.constant 0.000000e+00 : f32
    %broadcast_in_dim3A_17 = vector.broadcast %broadcast_in_dim3A : f32 to vector<400x480xf32>
    %broadcast_in_dim3A_18 = arith.constant 0.000000e+00 : f32
    %broadcast_in_dim3A_19 = vector.broadcast %broadcast_in_dim3A_18 : f32 to vector<400x1xf32>
    %get3A_20 = arith.constant 0 : index
    %get3A_21 = arith.constant 0 : index
    %get3A_22 = arith.constant 0 : index
    %get3A_23 = vector.load %arg1[%get3A_20, %get3A_21, %get3A_22] : memref<32x400x128xf32, #tpu.memory_space<vmem>>, vector<1x400x32xf32>
    %get3A_24 = vector.shape_cast %get3A_23 : vector<1x400x32xf32> to vector<400x32xf32>
    %get3A_25 = arith.constant 0 : index
    %get3A_26 = arith.constant 0 : index
    %get3A_27 = arith.constant 32 : index
    %get3A_28 = vector.load %arg1[%get3A_25, %get3A_26, %get3A_27] : memref<32x400x128xf32, #tpu.memory_space<vmem>>, vector<1x400x1xf32>
    %get3A_29 = vector.shape_cast %get3A_28 : vector<1x400x1xf32> to vector<400x1xf32>
    %sub3A = arith.subf %get3A_29, %get3A_1 : vector<400x1xf32>
    %get3A_30 = arith.constant 0 : index
    %get3A_31 = arith.constant 0 : index
    %get3A_32 = arith.constant 33 : index
    %get3A_33 = vector.load %arg1[%get3A_30, %get3A_31, %get3A_32] : memref<32x400x128xf32, #tpu.memory_space<vmem>>, vector<1x400x1xf32>
    %get3A_34 = vector.shape_cast %get3A_33 : vector<1x400x1xf32> to vector<400x1xf32>
    %sub3A_35 = arith.subf %get3A_34, %get3A_4 : vector<400x1xf32>
    %get3A_36 = arith.constant 0 : index
    %get3A_37 = arith.constant 0 : index
    %get3A_38 = arith.constant 34 : index
    %get3A_39 = vector.load %arg1[%get3A_36, %get3A_37, %get3A_38] : memref<32x400x128xf32, #tpu.memory_space<vmem>>, vector<1x400x1xf32>
    %get3A_40 = vector.shape_cast %get3A_39 : vector<1x400x1xf32> to vector<400x1xf32>
    %sub3A_41 = arith.subf %get3A_40, %get3A_7 : vector<400x1xf32>
    %sub3A_42 = vector.broadcast %sub3A : vector<400x1xf32> to vector<400x15xf32>
    %sub3A_43 = vector.broadcast %get3A_10 : vector<1x15xf32> to vector<400x15xf32>
    %sub3A_44 = arith.subf %sub3A_42, %sub3A_43 : vector<400x15xf32>
    %sub3A_45 = vector.broadcast %sub3A_35 : vector<400x1xf32> to vector<400x15xf32>
    %sub3A_46 = vector.broadcast %get3A_13 : vector<1x15xf32> to vector<400x15xf32>
    %sub3A_47 = arith.subf %sub3A_45, %sub3A_46 : vector<400x15xf32>
    %sub3A_48 = vector.broadcast %sub3A_41 : vector<400x1xf32> to vector<400x15xf32>
    %sub3A_49 = vector.broadcast %get3A_16 : vector<1x15xf32> to vector<400x15xf32>
    %sub3A_50 = arith.subf %sub3A_48, %sub3A_49 : vector<400x15xf32>
    %mul3A = arith.mulf %sub3A_44, %sub3A_44 : vector<400x15xf32>
    %mul3A_51 = arith.mulf %sub3A_47, %sub3A_47 : vector<400x15xf32>
    %add3A = arith.addf %mul3A, %mul3A_51 : vector<400x15xf32>
    %mul3A_52 = arith.mulf %sub3A_50, %sub3A_50 : vector<400x15xf32>
    %add3A_53 = arith.addf %add3A, %mul3A_52 : vector<400x15xf32>
    %sqrt3A = math.sqrt %add3A_53 : vector<400x15xf32>
    %mul3A_54 = arith.constant 1.33333337 : f32
    %mul3A_55 = vector.broadcast %mul3A_54 : f32 to vector<400x15xf32>
    %mul3A_56 = arith.mulf %sqrt3A, %mul3A_55 : vector<400x15xf32>
    %sub3A_57 = arith.constant 1.000000e+00 : f32
    %sub3A_58 = vector.broadcast %sub3A_57 : f32 to vector<400x15xf32>
    %sub3A_59 = arith.subf %sub3A_58, %mul3A_56 : vector<400x15xf32>
    %max3A = arith.constant 0.000000e+00 : f32
    %max3A_60 = vector.broadcast %max3A : f32 to vector<400x15xf32>
    %max3A_61 = arith.maximumf %sub3A_59, %max3A_60 : vector<400x15xf32>
    %get3A_62 = arith.constant 0 : index
    %get3A_63 = arith.constant 0 : index
    %get3A_64 = vector.load %arg4[%get3A_62, %get3A_63] : memref<15x480xf32, #tpu.memory_space<vmem>>, vector<15x480xf32>
    %dot_general3A = arith.constant dense<0.000000e+00> : vector<400x480xf32>
    %dot_general3A_65 = tpu.matmul %max3A_61, %get3A_64, %dot_general3A {dimension_numbers = #tpu.dot_dimension_numbers<[1], [0], [0], [1], [0, 0, 1, 1], [], []>, transpose_lhs_hint = false} : vector<400x15xf32>, vector<15x480xf32>, vector<400x480xf32> -> vector<400x480xf32>
    %get3A_66 = arith.constant 0 : index
    %get3A_67 = arith.constant 0 : index
    %get3A_68 = vector.load %arg5[%get3A_66, %get3A_67] : memref<32x480xf32, #tpu.memory_space<vmem>>, vector<32x480xf32>
    %dot_general3A_69 = arith.constant dense<0.000000e+00> : vector<400x480xf32>
    %dot_general3A_70 = tpu.matmul %get3A_24, %get3A_68, %dot_general3A_69 {dimension_numbers = #tpu.dot_dimension_numbers<[1], [0], [0], [1], [0, 0, 1, 1], [], []>, transpose_lhs_hint = false} : vector<400x32xf32>, vector<32x480xf32>, vector<400x480xf32> -> vector<400x480xf32>
    %mul3A_71 = arith.mulf %dot_general3A_65, %dot_general3A_70 : vector<400x480xf32>
    %add3A_72 = arith.addf %broadcast_in_dim3A_17, %mul3A_71 : vector<400x480xf32>
    %reduce_sum3A = arith.constant dense<0.000000e+00> : vector<400xf32>
    %reduce_sum3A_73 = vector.multi_reduction <add>, %get3A_24, %reduce_sum3A [1] : vector<400x32xf32> to vector<400xf32>
    %broadcast_in_dim3A_74 = vector.shape_cast %reduce_sum3A_73 : vector<400xf32> to vector<400x1xf32>
    %gt3A = arith.constant 0.000000e+00 : f32
    %gt3A_75 = vector.broadcast %gt3A : f32 to vector<400x1xf32>
    %gt3A_76 = arith.cmpf ogt, %broadcast_in_dim3A_74, %gt3A_75 : vector<400x1xf32>
    %jit3A = arith.constant 1.000000e+00 : f32
    %jit3A_77 = arith.constant 0.000000e+00 : f32
    %broadcast_in_dim3A_78 = vector.broadcast %jit3A : f32 to vector<400x1xf32>
    %broadcast_in_dim3A_79 = vector.broadcast %jit3A_77 : f32 to vector<400x1xf32>
    %select_n3A = arith.select %gt3A_76, %broadcast_in_dim3A_78, %broadcast_in_dim3A_79 : vector<400x1xi1>, vector<400x1xf32>
    %add3A_80 = arith.addf %broadcast_in_dim3A_19, %select_n3A : vector<400x1xf32>
    %get3A_81 = arith.constant 1 : index
    %get3A_82 = arith.constant 0 : index
    %get3A_83 = arith.constant 0 : index
    %get3A_84 = vector.load %arg1[%get3A_81, %get3A_82, %get3A_83] : memref<32x400x128xf32, #tpu.memory_space<vmem>>, vector<1x400x32xf32>
    %get3A_85 = vector.shape_cast %get3A_84 : vector<1x400x32xf32> to vector<400x32xf32>
    %get3A_86 = arith.constant 1 : index
    %get3A_87 = arith.constant 0 : index
    %get3A_88 = arith.constant 32 : index
    %get3A_89 = vector.load %arg1[%get3A_86, %get3A_87, %get3A_88] : memref<32x400x128xf32, #tpu.memory_space<vmem>>, vector<1x400x1xf32>
    %get3A_90 = vector.shape_cast %get3A_89 : vector<1x400x1xf32> to vector<400x1xf32>
    %sub3A_91 = arith.subf %get3A_90, %get3A_1 : vector<400x1xf32>
    %get3A_92 = arith.constant 1 : index
    %get3A_93 = arith.constant 0 : index
    %get3A_94 = arith.constant 33 : index
    %get3A_95 = vector.load %arg1[%get3A_92, %get3A_93, %get3A_94] : memref<32x400x128xf32, #tpu.memory_space<vmem>>, vector<1x400x1xf32>
    %get3A_96 = vector.shape_cast %get3A_95 : vector<1x400x1xf32> to vector<400x1xf32>
    %sub3A_97 = arith.subf %get3A_96, %get3A_4 : vector<400x1xf32>
    %get3A_98 = arith.constant 1 : index
    %get3A_99 = arith.constant 0 : index
    %get3A_100 = arith.constant 34 : index
    %get3A_101 = vector.load %arg1[%get3A_98, %get3A_99, %get3A_100] : memref<32x400x128xf32, #tpu.memory_space<vmem>>, vector<1x400x1xf32>
    %get3A_102 = vector.shape_cast %get3A_101 : vector<1x400x1xf32> to vector<400x1xf32>
    %sub3A_103 = arith.subf %get3A_102, %get3A_7 : vector<400x1xf32>
    %sub3A_104 = vector.broadcast %sub3A_91 : vector<400x1xf32> to vector<400x15xf32>
    %sub3A_105 = vector.broadcast %get3A_10 : vector<1x15xf32> to vector<400x15xf32>
    %sub3A_106 = arith.subf %sub3A_104, %sub3A_105 : vector<400x15xf32>
    %sub3A_107 = vector.broadcast %sub3A_97 : vector<400x1xf32> to vector<400x15xf32>
    %sub3A_108 = vector.broadcast %get3A_13 : vector<1x15xf32> to vector<400x15xf32>
    %sub3A_109 = arith.subf %sub3A_107, %sub3A_108 : vector<400x15xf32>
    %sub3A_110 = vector.broadcast %sub3A_103 : vector<400x1xf32> to vector<400x15xf32>
    %sub3A_111 = vector.broadcast %get3A_16 : vector<1x15xf32> to vector<400x15xf32>
    %sub3A_112 = arith.subf %sub3A_110, %sub3A_111 : vector<400x15xf32>
    %mul3A_113 = arith.mulf %sub3A_106, %sub3A_106 : vector<400x15xf32>
    %mul3A_114 = arith.mulf %sub3A_109, %sub3A_109 : vector<400x15xf32>
    %add3A_115 = arith.addf %mul3A_113, %mul3A_114 : vector<400x15xf32>
    %mul3A_116 = arith.mulf %sub3A_112, %sub3A_112 : vector<400x15xf32>
    %add3A_117 = arith.addf %add3A_115, %mul3A_116 : vector<400x15xf32>
    %sqrt3A_118 = math.sqrt %add3A_117 : vector<400x15xf32>
    %mul3A_119 = arith.constant 1.33333337 : f32
    %mul3A_120 = vector.broadcast %mul3A_119 : f32 to vector<400x15xf32>
    %mul3A_121 = arith.mulf %sqrt3A_118, %mul3A_120 : vector<400x15xf32>
    %sub3A_122 = arith.constant 1.000000e+00 : f32
    %sub3A_123 = vector.broadcast %sub3A_122 : f32 to vector<400x15xf32>
    %sub3A_124 = arith.subf %sub3A_123, %mul3A_121 : vector<400x15xf32>
    %max3A_125 = arith.constant 0.000000e+00 : f32
    %max3A_126 = vector.broadcast %max3A_125 : f32 to vector<400x15xf32>
    %max3A_127 = arith.maximumf %sub3A_124, %max3A_126 : vector<400x15xf32>
    %get3A_128 = arith.constant 0 : index
    %get3A_129 = arith.constant 0 : index
    %get3A_130 = vector.load %arg4[%get3A_128, %get3A_129] : memref<15x480xf32, #tpu.memory_space<vmem>>, vector<15x480xf32>
    %dot_general3A_131 = arith.constant dense<0.000000e+00> : vector<400x480xf32>
    %dot_general3A_132 = tpu.matmul %max3A_127, %get3A_130, %dot_general3A_131 {dimension_numbers = #tpu.dot_dimension_numbers<[1], [0], [0], [1], [0, 0, 1, 1], [], []>, transpose_lhs_hint = false} : vector<400x15xf32>, vector<15x480xf32>, vector<400x480xf32> -> vector<400x480xf32>
    %get3A_133 = arith.constant 0 : index
    %get3A_134 = arith.constant 0 : index
    %get3A_135 = vector.load %arg5[%get3A_133, %get3A_134] : memref<32x480xf32, #tpu.memory_space<vmem>>, vector<32x480xf32>
    %dot_general3A_136 = arith.constant dense<0.000000e+00> : vector<400x480xf32>
    %dot_general3A_137 = tpu.matmul %get3A_85, %get3A_135, %dot_general3A_136 {dimension_numbers = #tpu.dot_dimension_numbers<[1], [0], [0], [1], [0, 0, 1, 1], [], []>, transpose_lhs_hint = false} : vector<400x32xf32>, vector<32x480xf32>, vector<400x480xf32> -> vector<400x480xf32>
    %mul3A_138 = arith.mulf %dot_general3A_132, %dot_general3A_137 : vector<400x480xf32>
    %add3A_139 = arith.addf %add3A_72, %mul3A_138 : vector<400x480xf32>
    %reduce_sum3A_140 = arith.constant dense<0.000000e+00> : vector<400xf32>
    %reduce_sum3A_141 = vector.multi_reduction <add>, %get3A_85, %reduce_sum3A_140 [1] : vector<400x32xf32> to vector<400xf32>
    %broadcast_in_dim3A_142 = vector.shape_cast %reduce_sum3A_141 : vector<400xf32> to vector<400x1xf32>
    %gt3A_143 = arith.constant 0.000000e+00 : f32
    %gt3A_144 = vector.broadcast %gt3A_143 : f32 to vector<400x1xf32>
    %gt3A_145 = arith.cmpf ogt, %broadcast_in_dim3A_142, %gt3A_144 : vector<400x1xf32>
    %jit3A_146 = arith.constant 1.000000e+00 : f32
    %jit3A_147 = arith.constant 0.000000e+00 : f32
    %broadcast_in_dim3A_148 = vector.broadcast %jit3A_146 : f32 to vector<400x1xf32>
    %broadcast_in_dim3A_149 = vector.broadcast %jit3A_147 : f32 to vector<400x1xf32>
    %select_n3A_150 = arith.select %gt3A_145, %broadcast_in_dim3A_148, %broadcast_in_dim3A_149 : vector<400x1xi1>, vector<400x1xf32>
    %add3A_151 = arith.addf %add3A_80, %select_n3A_150 : vector<400x1xf32>
    %get3A_152 = arith.constant 2 : index
    %get3A_153 = arith.constant 0 : index
    %get3A_154 = arith.constant 0 : index
    %get3A_155 = vector.load %arg1[%get3A_152, %get3A_153, %get3A_154] : memref<32x400x128xf32, #tpu.memory_space<vmem>>, vector<1x400x32xf32>
    %get3A_156 = vector.shape_cast %get3A_155 : vector<1x400x32xf32> to vector<400x32xf32>
    %get3A_157 = arith.constant 2 : index
    %get3A_158 = arith.constant 0 : index
    %get3A_159 = arith.constant 32 : index
    %get3A_160 = vector.load %arg1[%get3A_157, %get3A_158, %get3A_159] : memref<32x400x128xf32, #tpu.memory_space<vmem>>, vector<1x400x1xf32>
    %get3A_161 = vector.shape_cast %get3A_160 : vector<1x400x1xf32> to vector<400x1xf32>
    %sub3A_162 = arith.subf %get3A_161, %get3A_1 : vector<400x1xf32>
    %get3A_163 = arith.constant 2 : index
    %get3A_164 = arith.constant 0 : index
    %get3A_165 = arith.constant 33 : index
    %get3A_166 = vector.load %arg1[%get3A_163, %get3A_164, %get3A_165] : memref<32x400x128xf32, #tpu.memory_space<vmem>>, vector<1x400x1xf32>
    %get3A_167 = vector.shape_cast %get3A_166 : vector<1x400x1xf32> to vector<400x1xf32>
    %sub3A_168 = arith.subf %get3A_167, %get3A_4 : vector<400x1xf32>
    %get3A_169 = arith.constant 2 : index
    %get3A_170 = arith.constant 0 : index
    %get3A_171 = arith.constant 34 : index
    %get3A_172 = vector.load %arg1[%get3A_169, %get3A_170, %get3A_171] : memref<32x400x128xf32, #tpu.memory_space<vmem>>, vector<1x400x1xf32>
    %get3A_173 = vector.shape_cast %get3A_172 : vector<1x400x1xf32> to vector<400x1xf32>
    %sub3A_174 = arith.subf %get3A_173, %get3A_7 : vector<400x1xf32>
    %sub3A_175 = vector.broadcast %sub3A_162 : vector<400x1xf32> to vector<400x15xf32>
    %sub3A_176 = vector.broadcast %get3A_10 : vector<1x15xf32> to vector<400x15xf32>
    %sub3A_177 = arith.subf %sub3A_175, %sub3A_176 : vector<400x15xf32>
    %sub3A_178 = vector.broadcast %sub3A_168 : vector<400x1xf32> to vector<400x15xf32>
    %sub3A_179 = vector.broadcast %get3A_13 : vector<1x15xf32> to vector<400x15xf32>
    %sub3A_180 = arith.subf %sub3A_178, %sub3A_179 : vector<400x15xf32>
    %sub3A_181 = vector.broadcast %sub3A_174 : vector<400x1xf32> to vector<400x15xf32>
    %sub3A_182 = vector.broadcast %get3A_16 : vector<1x15xf32> to vector<400x15xf32>
    %sub3A_183 = arith.subf %sub3A_181, %sub3A_182 : vector<400x15xf32>
    %mul3A_184 = arith.mulf %sub3A_177, %sub3A_177 : vector<400x15xf32>
    %mul3A_185 = arith.mulf %sub3A_180, %sub3A_180 : vector<400x15xf32>
    %add3A_186 = arith.addf %mul3A_184, %mul3A_185 : vector<400x15xf32>
    %mul3A_187 = arith.mulf %sub3A_183, %sub3A_183 : vector<400x15xf32>
    %add3A_188 = arith.addf %add3A_186, %mul3A_187 : vector<400x15xf32>
    %sqrt3A_189 = math.sqrt %add3A_188 : vector<400x15xf32>
    %mul3A_190 = arith.constant 1.33333337 : f32
    %mul3A_191 = vector.broadcast %mul3A_190 : f32 to vector<400x15xf32>
    %mul3A_192 = arith.mulf %sqrt3A_189, %mul3A_191 : vector<400x15xf32>
    %sub3A_193 = arith.constant 1.000000e+00 : f32
    %sub3A_194 = vector.broadcast %sub3A_193 : f32 to vector<400x15xf32>
    %sub3A_195 = arith.subf %sub3A_194, %mul3A_192 : vector<400x15xf32>
    %max3A_196 = arith.constant 0.000000e+00 : f32
    %max3A_197 = vector.broadcast %max3A_196 : f32 to vector<400x15xf32>
    %max3A_198 = arith.maximumf %sub3A_195, %max3A_197 : vector<400x15xf32>
    %get3A_199 = arith.constant 0 : index
    %get3A_200 = arith.constant 0 : index
    %get3A_201 = vector.load %arg4[%get3A_199, %get3A_200] : memref<15x480xf32, #tpu.memory_space<vmem>>, vector<15x480xf32>
    %dot_general3A_202 = arith.constant dense<0.000000e+00> : vector<400x480xf32>
    %dot_general3A_203 = tpu.matmul %max3A_198, %get3A_201, %dot_general3A_202 {dimension_numbers = #tpu.dot_dimension_numbers<[1], [0], [0], [1], [0, 0, 1, 1], [], []>, transpose_lhs_hint = false} : vector<400x15xf32>, vector<15x480xf32>, vector<400x480xf32> -> vector<400x480xf32>
    %get3A_204 = arith.constant 0 : index
    %get3A_205 = arith.constant 0 : index
    %get3A_206 = vector.load %arg5[%get3A_204, %get3A_205] : memref<32x480xf32, #tpu.memory_space<vmem>>, vector<32x480xf32>
    %dot_general3A_207 = arith.constant dense<0.000000e+00> : vector<400x480xf32>
    %dot_general3A_208 = tpu.matmul %get3A_156, %get3A_206, %dot_general3A_207 {dimension_numbers = #tpu.dot_dimension_numbers<[1], [0], [0], [1], [0, 0, 1, 1], [], []>, transpose_lhs_hint = false} : vector<400x32xf32>, vector<32x480xf32>, vector<400x480xf32> -> vector<400x480xf32>
    %mul3A_209 = arith.mulf %dot_general3A_203, %dot_general3A_208 : vector<400x480xf32>
    %add3A_210 = arith.addf %add3A_139, %mul3A_209 : vector<400x480xf32>
    %reduce_sum3A_211 = arith.constant dense<0.000000e+00> : vector<400xf32>
    %reduce_sum3A_212 = vector.multi_reduction <add>, %get3A_156, %reduce_sum3A_211 [1] : vector<400x32xf32> to vector<400xf32>
    %broadcast_in_dim3A_213 = vector.shape_cast %reduce_sum3A_212 : vector<400xf32> to vector<400x1xf32>
    %gt3A_214 = arith.constant 0.000000e+00 : f32
    %gt3A_215 = vector.broadcast %gt3A_214 : f32 to vector<400x1xf32>
    %gt3A_216 = arith.cmpf ogt, %broadcast_in_dim3A_213, %gt3A_215 : vector<400x1xf32>
    %jit3A_217 = arith.constant 1.000000e+00 : f32
    %jit3A_218 = arith.constant 0.000000e+00 : f32
    %broadcast_in_dim3A_219 = vector.broadcast %jit3A_217 : f32 to vector<400x1xf32>
    %broadcast_in_dim3A_220 = vector.broadcast %jit3A_218 : f32 to vector<400x1xf32>
    %select_n3A_221 = arith.select %gt3A_216, %broadcast_in_dim3A_219, %broadcast_in_dim3A_220 : vector<400x1xi1>, vector<400x1xf32>
    %add3A_222 = arith.addf %add3A_151, %select_n3A_221 : vector<400x1xf32>
    %get3A_223 = arith.constant 3 : index
    %get3A_224 = arith.constant 0 : index
    %get3A_225 = arith.constant 0 : index
    %get3A_226 = vector.load %arg1[%get3A_223, %get3A_224, %get3A_225] : memref<32x400x128xf32, #tpu.memory_space<vmem>>, vector<1x400x32xf32>
    %get3A_227 = vector.shape_cast %get3A_226 : vector<1x400x32xf32> to vector<400x32xf32>
    %get3A_228 = arith.constant 3 : index
    %get3A_229 = arith.constant 0 : index
    %get3A_230 = arith.constant 32 : index
    %get3A_231 = vector.load %arg1[%get3A_228, %get3A_229, %get3A_230] : memref<32x400x128xf32, #tpu.memory_space<vmem>>, vector<1x400x1xf32>
    %get3A_232 = vector.shape_cast %get3A_231 : vector<1x400x1xf32> to vector<400x1xf32>
    %sub3A_233 = arith.subf %get3A_232, %get3A_1 : vector<400x1xf32>
    %get3A_234 = arith.constant 3 : index
    %get3A_235 = arith.constant 0 : index
    %get3A_236 = arith.constant 33 : index
    %get3A_237 = vector.load %arg1[%get3A_234, %get3A_235, %get3A_236] : memref<32x400x128xf32, #tpu.memory_space<vmem>>, vector<1x400x1xf32>
    %get3A_238 = vector.shape_cast %get3A_237 : vector<1x400x1xf32> to vector<400x1xf32>
    %sub3A_239 = arith.subf %get3A_238, %get3A_4 : vector<400x1xf32>
    %get3A_240 = arith.constant 3 : index
    %get3A_241 = arith.constant 0 : index
    %get3A_242 = arith.constant 34 : index
    %get3A_243 = vector.load %arg1[%get3A_240, %get3A_241, %get3A_242] : memref<32x400x128xf32, #tpu.memory_space<vmem>>, vector<1x400x1xf32>
    %get3A_244 = vector.shape_cast %get3A_243 : vector<1x400x1xf32> to vector<400x1xf32>
    %sub3A_245 = arith.subf %get3A_244, %get3A_7 : vector<400x1xf32>
    %sub3A_246 = vector.broadcast %sub3A_233 : vector<400x1xf32> to vector<400x15xf32>
    %sub3A_247 = vector.broadcast %get3A_10 : vector<1x15xf32> to vector<400x15xf32>
    %sub3A_248 = arith.subf %sub3A_246, %sub3A_247 : vector<400x15xf32>
    %sub3A_249 = vector.broadcast %sub3A_239 : vector<400x1xf32> to vector<400x15xf32>
    %sub3A_250 = vector.broadcast %get3A_13 : vector<1x15xf32> to vector<400x15xf32>
    %sub3A_251 = arith.subf %sub3A_249, %sub3A_250 : vector<400x15xf32>
    %sub3A_252 = vector.broadcast %sub3A_245 : vector<400x1xf32> to vector<400x15xf32>
    %sub3A_253 = vector.broadcast %get3A_16 : vector<1x15xf32> to vector<400x15xf32>
    %sub3A_254 = arith.subf %sub3A_252, %sub3A_253 : vector<400x15xf32>
    %mul3A_255 = arith.mulf %sub3A_248, %sub3A_248 : vector<400x15xf32>
    %mul3A_256 = arith.mulf %sub3A_251, %sub3A_251 : vector<400x15xf32>
    %add3A_257 = arith.addf %mul3A_255, %mul3A_256 : vector<400x15xf32>
    %mul3A_258 = arith.mulf %sub3A_254, %sub3A_254 : vector<400x15xf32>
    %add3A_259 = arith.addf %add3A_257, %mul3A_258 : vector<400x15xf32>
    %sqrt3A_260 = math.sqrt %add3A_259 : vector<400x15xf32>
    %mul3A_261 = arith.constant 1.33333337 : f32
    %mul3A_262 = vector.broadcast %mul3A_261 : f32 to vector<400x15xf32>
    %mul3A_263 = arith.mulf %sqrt3A_260, %mul3A_262 : vector<400x15xf32>
    %sub3A_264 = arith.constant 1.000000e+00 : f32
    %sub3A_265 = vector.broadcast %sub3A_264 : f32 to vector<400x15xf32>
    %sub3A_266 = arith.subf %sub3A_265, %mul3A_263 : vector<400x15xf32>
    %max3A_267 = arith.constant 0.000000e+00 : f32
    %max3A_268 = vector.broadcast %max3A_267 : f32 to vector<400x15xf32>
    %max3A_269 = arith.maximumf %sub3A_266, %max3A_268 : vector<400x15xf32>
    %get3A_270 = arith.constant 0 : index
    %get3A_271 = arith.constant 0 : index
    %get3A_272 = vector.load %arg4[%get3A_270, %get3A_271] : memref<15x480xf32, #tpu.memory_space<vmem>>, vector<15x480xf32>
    %dot_general3A_273 = arith.constant dense<0.000000e+00> : vector<400x480xf32>
    %dot_general3A_274 = tpu.matmul %max3A_269, %get3A_272, %dot_general3A_273 {dimension_numbers = #tpu.dot_dimension_numbers<[1], [0], [0], [1], [0, 0, 1, 1], [], []>, transpose_lhs_hint = false} : vector<400x15xf32>, vector<15x480xf32>, vector<400x480xf32> -> vector<400x480xf32>
    %get3A_275 = arith.constant 0 : index
    %get3A_276 = arith.constant 0 : index
    %get3A_277 = vector.load %arg5[%get3A_275, %get3A_276] : memref<32x480xf32, #tpu.memory_space<vmem>>, vector<32x480xf32>
    %dot_general3A_278 = arith.constant dense<0.000000e+00> : vector<400x480xf32>
    %dot_general3A_279 = tpu.matmul %get3A_227, %get3A_277, %dot_general3A_278 {dimension_numbers = #tpu.dot_dimension_numbers<[1], [0], [0], [1], [0, 0, 1, 1], [], []>, transpose_lhs_hint = false} : vector<400x32xf32>, vector<32x480xf32>, vector<400x480xf32> -> vector<400x480xf32>
    %mul3A_280 = arith.mulf %dot_general3A_274, %dot_general3A_279 : vector<400x480xf32>
    %add3A_281 = arith.addf %add3A_210, %mul3A_280 : vector<400x480xf32>
    %reduce_sum3A_282 = arith.constant dense<0.000000e+00> : vector<400xf32>
    %reduce_sum3A_283 = vector.multi_reduction <add>, %get3A_227, %reduce_sum3A_282 [1] : vector<400x32xf32> to vector<400xf32>
    %broadcast_in_dim3A_284 = vector.shape_cast %reduce_sum3A_283 : vector<400xf32> to vector<400x1xf32>
    %gt3A_285 = arith.constant 0.000000e+00 : f32
    %gt3A_286 = vector.broadcast %gt3A_285 : f32 to vector<400x1xf32>
    %gt3A_287 = arith.cmpf ogt, %broadcast_in_dim3A_284, %gt3A_286 : vector<400x1xf32>
    %jit3A_288 = arith.constant 1.000000e+00 : f32
    %jit3A_289 = arith.constant 0.000000e+00 : f32
    %broadcast_in_dim3A_290 = vector.broadcast %jit3A_288 : f32 to vector<400x1xf32>
    %broadcast_in_dim3A_291 = vector.broadcast %jit3A_289 : f32 to vector<400x1xf32>
    %select_n3A_292 = arith.select %gt3A_287, %broadcast_in_dim3A_290, %broadcast_in_dim3A_291 : vector<400x1xi1>, vector<400x1xf32>
    %add3A_293 = arith.addf %add3A_222, %select_n3A_292 : vector<400x1xf32>
    %get3A_294 = arith.constant 4 : index
    %get3A_295 = arith.constant 0 : index
    %get3A_296 = arith.constant 0 : index
    %get3A_297 = vector.load %arg1[%get3A_294, %get3A_295, %get3A_296] : memref<32x400x128xf32, #tpu.memory_space<vmem>>, vector<1x400x32xf32>
    %get3A_298 = vector.shape_cast %get3A_297 : vector<1x400x32xf32> to vector<400x32xf32>
    %get3A_299 = arith.constant 4 : index
    %get3A_300 = arith.constant 0 : index
    %get3A_301 = arith.constant 32 : index
    %get3A_302 = vector.load %arg1[%get3A_299, %get3A_300, %get3A_301] : memref<32x400x128xf32, #tpu.memory_space<vmem>>, vector<1x400x1xf32>
    %get3A_303 = vector.shape_cast %get3A_302 : vector<1x400x1xf32> to vector<400x1xf32>
    %sub3A_304 = arith.subf %get3A_303, %get3A_1 : vector<400x1xf32>
    %get3A_305 = arith.constant 4 : index
    %get3A_306 = arith.constant 0 : index
    %get3A_307 = arith.constant 33 : index
    %get3A_308 = vector.load %arg1[%get3A_305, %get3A_306, %get3A_307] : memref<32x400x128xf32, #tpu.memory_space<vmem>>, vector<1x400x1xf32>
    %get3A_309 = vector.shape_cast %get3A_308 : vector<1x400x1xf32> to vector<400x1xf32>
    %sub3A_310 = arith.subf %get3A_309, %get3A_4 : vector<400x1xf32>
    %get3A_311 = arith.constant 4 : index
    %get3A_312 = arith.constant 0 : index
    %get3A_313 = arith.constant 34 : index
    %get3A_314 = vector.load %arg1[%get3A_311, %get3A_312, %get3A_313] : memref<32x400x128xf32, #tpu.memory_space<vmem>>, vector<1x400x1xf32>
    %get3A_315 = vector.shape_cast %get3A_314 : vector<1x400x1xf32> to vector<400x1xf32>
    %sub3A_316 = arith.subf %get3A_315, %get3A_7 : vector<400x1xf32>
    %sub3A_317 = vector.broadcast %sub3A_304 : vector<400x1xf32> to vector<400x15xf32>
    %sub3A_318 = vector.broadcast %get3A_10 : vector<1x15xf32> to vector<400x15xf32>
    %sub3A_319 = arith.subf %sub3A_317, %sub3A_318 : vector<400x15xf32>
    %sub3A_320 = vector.broadcast %sub3A_310 : vector<400x1xf32> to vector<400x15xf32>
    %sub3A_321 = vector.broadcast %get3A_13 : vector<1x15xf32> to vector<400x15xf32>
    %sub3A_322 = arith.subf %sub3A_320, %sub3A_321 : vector<400x15xf32>
    %sub3A_323 = vector.broadcast %sub3A_316 : vector<400x1xf32> to vector<400x15xf32>
    %sub3A_324 = vector.broadcast %get3A_16 : vector<1x15xf32> to vector<400x15xf32>
    %sub3A_325 = arith.subf %sub3A_323, %sub3A_324 : vector<400x15xf32>
    %mul3A_326 = arith.mulf %sub3A_319, %sub3A_319 : vector<400x15xf32>
    %mul3A_327 = arith.mulf %sub3A_322, %sub3A_322 : vector<400x15xf32>
    %add3A_328 = arith.addf %mul3A_326, %mul3A_327 : vector<400x15xf32>
    %mul3A_329 = arith.mulf %sub3A_325, %sub3A_325 : vector<400x15xf32>
    %add3A_330 = arith.addf %add3A_328, %mul3A_329 : vector<400x15xf32>
    %sqrt3A_331 = math.sqrt %add3A_330 : vector<400x15xf32>
    %mul3A_332 = arith.constant 1.33333337 : f32
    %mul3A_333 = vector.broadcast %mul3A_332 : f32 to vector<400x15xf32>
    %mul3A_334 = arith.mulf %sqrt3A_331, %mul3A_333 : vector<400x15xf32>
    %sub3A_335 = arith.constant 1.000000e+00 : f32
    %sub3A_336 = vector.broadcast %sub3A_335 : f32 to vector<400x15xf32>
    %sub3A_337 = arith.subf %sub3A_336, %mul3A_334 : vector<400x15xf32>
    %max3A_338 = arith.constant 0.000000e+00 : f32
    %max3A_339 = vector.broadcast %max3A_338 : f32 to vector<400x15xf32>
    %max3A_340 = arith.maximumf %sub3A_337, %max3A_339 : vector<400x15xf32>
    %get3A_341 = arith.constant 0 : index
    %get3A_342 = arith.constant 0 : index
    %get3A_343 = vector.load %arg4[%get3A_341, %get3A_342] : memref<15x480xf32, #tpu.memory_space<vmem>>, vector<15x480xf32>
    %dot_general3A_344 = arith.constant dense<0.000000e+00> : vector<400x480xf32>
    %dot_general3A_345 = tpu.matmul %max3A_340, %get3A_343, %dot_general3A_344 {dimension_numbers = #tpu.dot_dimension_numbers<[1], [0], [0], [1], [0, 0, 1, 1], [], []>, transpose_lhs_hint = false} : vector<400x15xf32>, vector<15x480xf32>, vector<400x480xf32> -> vector<400x480xf32>
    %get3A_346 = arith.constant 0 : index
    %get3A_347 = arith.constant 0 : index
    %get3A_348 = vector.load %arg5[%get3A_346, %get3A_347] : memref<32x480xf32, #tpu.memory_space<vmem>>, vector<32x480xf32>
    %dot_general3A_349 = arith.constant dense<0.000000e+00> : vector<400x480xf32>
    %dot_general3A_350 = tpu.matmul %get3A_298, %get3A_348, %dot_general3A_349 {dimension_numbers = #tpu.dot_dimension_numbers<[1], [0], [0], [1], [0, 0, 1, 1], [], []>, transpose_lhs_hint = false} : vector<400x32xf32>, vector<32x480xf32>, vector<400x480xf32> -> vector<400x480xf32>
    %mul3A_351 = arith.mulf %dot_general3A_345, %dot_general3A_350 : vector<400x480xf32>
    %add3A_352 = arith.addf %add3A_281, %mul3A_351 : vector<400x480xf32>
    %reduce_sum3A_353 = arith.constant dense<0.000000e+00> : vector<400xf32>
    %reduce_sum3A_354 = vector.multi_reduction <add>, %get3A_298, %reduce_sum3A_353 [1] : vector<400x32xf32> to vector<400xf32>
    %broadcast_in_dim3A_355 = vector.shape_cast %reduce_sum3A_354 : vector<400xf32> to vector<400x1xf32>
    %gt3A_356 = arith.constant 0.000000e+00 : f32
    %gt3A_357 = vector.broadcast %gt3A_356 : f32 to vector<400x1xf32>
    %gt3A_358 = arith.cmpf ogt, %broadcast_in_dim3A_355, %gt3A_357 : vector<400x1xf32>
    %jit3A_359 = arith.constant 1.000000e+00 : f32
    %jit3A_360 = arith.constant 0.000000e+00 : f32
    %broadcast_in_dim3A_361 = vector.broadcast %jit3A_359 : f32 to vector<400x1xf32>
    %broadcast_in_dim3A_362 = vector.broadcast %jit3A_360 : f32 to vector<400x1xf32>
    %select_n3A_363 = arith.select %gt3A_358, %broadcast_in_dim3A_361, %broadcast_in_dim3A_362 : vector<400x1xi1>, vector<400x1xf32>
    %add3A_364 = arith.addf %add3A_293, %select_n3A_363 : vector<400x1xf32>
    %get3A_365 = arith.constant 5 : index
    %get3A_366 = arith.constant 0 : index
    %get3A_367 = arith.constant 0 : index
    %get3A_368 = vector.load %arg1[%get3A_365, %get3A_366, %get3A_367] : memref<32x400x128xf32, #tpu.memory_space<vmem>>, vector<1x400x32xf32>
    %get3A_369 = vector.shape_cast %get3A_368 : vector<1x400x32xf32> to vector<400x32xf32>
    %get3A_370 = arith.constant 5 : index
    %get3A_371 = arith.constant 0 : index
    %get3A_372 = arith.constant 32 : index
    %get3A_373 = vector.load %arg1[%get3A_370, %get3A_371, %get3A_372] : memref<32x400x128xf32, #tpu.memory_space<vmem>>, vector<1x400x1xf32>
    %get3A_374 = vector.shape_cast %get3A_373 : vector<1x400x1xf32> to vector<400x1xf32>
    %sub3A_375 = arith.subf %get3A_374, %get3A_1 : vector<400x1xf32>
    %get3A_376 = arith.constant 5 : index
    %get3A_377 = arith.constant 0 : index
    %get3A_378 = arith.constant 33 : index
    %get3A_379 = vector.load %arg1[%get3A_376, %get3A_377, %get3A_378] : memref<32x400x128xf32, #tpu.memory_space<vmem>>, vector<1x400x1xf32>
    %get3A_380 = vector.shape_cast %get3A_379 : vector<1x400x1xf32> to vector<400x1xf32>
    %sub3A_381 = arith.subf %get3A_380, %get3A_4 : vector<400x1xf32>
    %get3A_382 = arith.constant 5 : index
    %get3A_383 = arith.constant 0 : index
    %get3A_384 = arith.constant 34 : index
    %get3A_385 = vector.load %arg1[%get3A_382, %get3A_383, %get3A_384] : memref<32x400x128xf32, #tpu.memory_space<vmem>>, vector<1x400x1xf32>
    %get3A_386 = vector.shape_cast %get3A_385 : vector<1x400x1xf32> to vector<400x1xf32>
    %sub3A_387 = arith.subf %get3A_386, %get3A_7 : vector<400x1xf32>
    %sub3A_388 = vector.broadcast %sub3A_375 : vector<400x1xf32> to vector<400x15xf32>
    %sub3A_389 = vector.broadcast %get3A_10 : vector<1x15xf32> to vector<400x15xf32>
    %sub3A_390 = arith.subf %sub3A_388, %sub3A_389 : vector<400x15xf32>
    %sub3A_391 = vector.broadcast %sub3A_381 : vector<400x1xf32> to vector<400x15xf32>
    %sub3A_392 = vector.broadcast %get3A_13 : vector<1x15xf32> to vector<400x15xf32>
    %sub3A_393 = arith.subf %sub3A_391, %sub3A_392 : vector<400x15xf32>
    %sub3A_394 = vector.broadcast %sub3A_387 : vector<400x1xf32> to vector<400x15xf32>
    %sub3A_395 = vector.broadcast %get3A_16 : vector<1x15xf32> to vector<400x15xf32>
    %sub3A_396 = arith.subf %sub3A_394, %sub3A_395 : vector<400x15xf32>
    %mul3A_397 = arith.mulf %sub3A_390, %sub3A_390 : vector<400x15xf32>
    %mul3A_398 = arith.mulf %sub3A_393, %sub3A_393 : vector<400x15xf32>
    %add3A_399 = arith.addf %mul3A_397, %mul3A_398 : vector<400x15xf32>
    %mul3A_400 = arith.mulf %sub3A_396, %sub3A_396 : vector<400x15xf32>
    %add3A_401 = arith.addf %add3A_399, %mul3A_400 : vector<400x15xf32>
    %sqrt3A_402 = math.sqrt %add3A_401 : vector<400x15xf32>
    %mul3A_403 = arith.constant 1.33333337 : f32
    %mul3A_404 = vector.broadcast %mul3A_403 : f32 to vector<400x15xf32>
    %mul3A_405 = arith.mulf %sqrt3A_402, %mul3A_404 : vector<400x15xf32>
    %sub3A_406 = arith.constant 1.000000e+00 : f32
    %sub3A_407 = vector.broadcast %sub3A_406 : f32 to vector<400x15xf32>
    %sub3A_408 = arith.subf %sub3A_407, %mul3A_405 : vector<400x15xf32>
    %max3A_409 = arith.constant 0.000000e+00 : f32
    %max3A_410 = vector.broadcast %max3A_409 : f32 to vector<400x15xf32>
    %max3A_411 = arith.maximumf %sub3A_408, %max3A_410 : vector<400x15xf32>
    %get3A_412 = arith.constant 0 : index
    %get3A_413 = arith.constant 0 : index
    %get3A_414 = vector.load %arg4[%get3A_412, %get3A_413] : memref<15x480xf32, #tpu.memory_space<vmem>>, vector<15x480xf32>
    %dot_general3A_415 = arith.constant dense<0.000000e+00> : vector<400x480xf32>
    %dot_general3A_416 = tpu.matmul %max3A_411, %get3A_414, %dot_general3A_415 {dimension_numbers = #tpu.dot_dimension_numbers<[1], [0], [0], [1], [0, 0, 1, 1], [], []>, transpose_lhs_hint = false} : vector<400x15xf32>, vector<15x480xf32>, vector<400x480xf32> -> vector<400x480xf32>
    %get3A_417 = arith.constant 0 : index
    %get3A_418 = arith.constant 0 : index
    %get3A_419 = vector.load %arg5[%get3A_417, %get3A_418] : memref<32x480xf32, #tpu.memory_space<vmem>>, vector<32x480xf32>
    %dot_general3A_420 = arith.constant dense<0.000000e+00> : vector<400x480xf32>
    %dot_general3A_421 = tpu.matmul %get3A_369, %get3A_419, %dot_general3A_420 {dimension_numbers = #tpu.dot_dimension_numbers<[1], [0], [0], [1], [0, 0, 1, 1], [], []>, transpose_lhs_hint = false} : vector<400x32xf32>, vector<32x480xf32>, vector<400x480xf32> -> vector<400x480xf32>
    %mul3A_422 = arith.mulf %dot_general3A_416, %dot_general3A_421 : vector<400x480xf32>
    %add3A_423 = arith.addf %add3A_352, %mul3A_422 : vector<400x480xf32>
    %reduce_sum3A_424 = arith.constant dense<0.000000e+00> : vector<400xf32>
    %reduce_sum3A_425 = vector.multi_reduction <add>, %get3A_369, %reduce_sum3A_424 [1] : vector<400x32xf32> to vector<400xf32>
    %broadcast_in_dim3A_426 = vector.shape_cast %reduce_sum3A_425 : vector<400xf32> to vector<400x1xf32>
    %gt3A_427 = arith.constant 0.000000e+00 : f32
    %gt3A_428 = vector.broadcast %gt3A_427 : f32 to vector<400x1xf32>
    %gt3A_429 = arith.cmpf ogt, %broadcast_in_dim3A_426, %gt3A_428 : vector<400x1xf32>
    %jit3A_430 = arith.constant 1.000000e+00 : f32
    %jit3A_431 = arith.constant 0.000000e+00 : f32
    %broadcast_in_dim3A_432 = vector.broadcast %jit3A_430 : f32 to vector<400x1xf32>
    %broadcast_in_dim3A_433 = vector.broadcast %jit3A_431 : f32 to vector<400x1xf32>
    %select_n3A_434 = arith.select %gt3A_429, %broadcast_in_dim3A_432, %broadcast_in_dim3A_433 : vector<400x1xi1>, vector<400x1xf32>
    %add3A_435 = arith.addf %add3A_364, %select_n3A_434 : vector<400x1xf32>
    %get3A_436 = arith.constant 6 : index
    %get3A_437 = arith.constant 0 : index
    %get3A_438 = arith.constant 0 : index
    %get3A_439 = vector.load %arg1[%get3A_436, %get3A_437, %get3A_438] : memref<32x400x128xf32, #tpu.memory_space<vmem>>, vector<1x400x32xf32>
    %get3A_440 = vector.shape_cast %get3A_439 : vector<1x400x32xf32> to vector<400x32xf32>
    %get3A_441 = arith.constant 6 : index
    %get3A_442 = arith.constant 0 : index
    %get3A_443 = arith.constant 32 : index
    %get3A_444 = vector.load %arg1[%get3A_441, %get3A_442, %get3A_443] : memref<32x400x128xf32, #tpu.memory_space<vmem>>, vector<1x400x1xf32>
    %get3A_445 = vector.shape_cast %get3A_444 : vector<1x400x1xf32> to vector<400x1xf32>
    %sub3A_446 = arith.subf %get3A_445, %get3A_1 : vector<400x1xf32>
    %get3A_447 = arith.constant 6 : index
    %get3A_448 = arith.constant 0 : index
    %get3A_449 = arith.constant 33 : index
    %get3A_450 = vector.load %arg1[%get3A_447, %get3A_448, %get3A_449] : memref<32x400x128xf32, #tpu.memory_space<vmem>>, vector<1x400x1xf32>
    %get3A_451 = vector.shape_cast %get3A_450 : vector<1x400x1xf32> to vector<400x1xf32>
    %sub3A_452 = arith.subf %get3A_451, %get3A_4 : vector<400x1xf32>
    %get3A_453 = arith.constant 6 : index
    %get3A_454 = arith.constant 0 : index
    %get3A_455 = arith.constant 34 : index
    %get3A_456 = vector.load %arg1[%get3A_453, %get3A_454, %get3A_455] : memref<32x400x128xf32, #tpu.memory_space<vmem>>, vector<1x400x1xf32>
    %get3A_457 = vector.shape_cast %get3A_456 : vector<1x400x1xf32> to vector<400x1xf32>
    %sub3A_458 = arith.subf %get3A_457, %get3A_7 : vector<400x1xf32>
    %sub3A_459 = vector.broadcast %sub3A_446 : vector<400x1xf32> to vector<400x15xf32>
    %sub3A_460 = vector.broadcast %get3A_10 : vector<1x15xf32> to vector<400x15xf32>
    %sub3A_461 = arith.subf %sub3A_459, %sub3A_460 : vector<400x15xf32>
    %sub3A_462 = vector.broadcast %sub3A_452 : vector<400x1xf32> to vector<400x15xf32>
    %sub3A_463 = vector.broadcast %get3A_13 : vector<1x15xf32> to vector<400x15xf32>
    %sub3A_464 = arith.subf %sub3A_462, %sub3A_463 : vector<400x15xf32>
    %sub3A_465 = vector.broadcast %sub3A_458 : vector<400x1xf32> to vector<400x15xf32>
    %sub3A_466 = vector.broadcast %get3A_16 : vector<1x15xf32> to vector<400x15xf32>
    %sub3A_467 = arith.subf %sub3A_465, %sub3A_466 : vector<400x15xf32>
    %mul3A_468 = arith.mulf %sub3A_461, %sub3A_461 : vector<400x15xf32>
    %mul3A_469 = arith.mulf %sub3A_464, %sub3A_464 : vector<400x15xf32>
    %add3A_470 = arith.addf %mul3A_468, %mul3A_469 : vector<400x15xf32>
    %mul3A_471 = arith.mulf %sub3A_467, %sub3A_467 : vector<400x15xf32>
    %add3A_472 = arith.addf %add3A_470, %mul3A_471 : vector<400x15xf32>
    %sqrt3A_473 = math.sqrt %add3A_472 : vector<400x15xf32>
    %mul3A_474 = arith.constant 1.33333337 : f32
    %mul3A_475 = vector.broadcast %mul3A_474 : f32 to vector<400x15xf32>
    %mul3A_476 = arith.mulf %sqrt3A_473, %mul3A_475 : vector<400x15xf32>
    %sub3A_477 = arith.constant 1.000000e+00 : f32
    %sub3A_478 = vector.broadcast %sub3A_477 : f32 to vector<400x15xf32>
    %sub3A_479 = arith.subf %sub3A_478, %mul3A_476 : vector<400x15xf32>
    %max3A_480 = arith.constant 0.000000e+00 : f32
    %max3A_481 = vector.broadcast %max3A_480 : f32 to vector<400x15xf32>
    %max3A_482 = arith.maximumf %sub3A_479, %max3A_481 : vector<400x15xf32>
    %get3A_483 = arith.constant 0 : index
    %get3A_484 = arith.constant 0 : index
    %get3A_485 = vector.load %arg4[%get3A_483, %get3A_484] : memref<15x480xf32, #tpu.memory_space<vmem>>, vector<15x480xf32>
    %dot_general3A_486 = arith.constant dense<0.000000e+00> : vector<400x480xf32>
    %dot_general3A_487 = tpu.matmul %max3A_482, %get3A_485, %dot_general3A_486 {dimension_numbers = #tpu.dot_dimension_numbers<[1], [0], [0], [1], [0, 0, 1, 1], [], []>, transpose_lhs_hint = false} : vector<400x15xf32>, vector<15x480xf32>, vector<400x480xf32> -> vector<400x480xf32>
    %get3A_488 = arith.constant 0 : index
    %get3A_489 = arith.constant 0 : index
    %get3A_490 = vector.load %arg5[%get3A_488, %get3A_489] : memref<32x480xf32, #tpu.memory_space<vmem>>, vector<32x480xf32>
    %dot_general3A_491 = arith.constant dense<0.000000e+00> : vector<400x480xf32>
    %dot_general3A_492 = tpu.matmul %get3A_440, %get3A_490, %dot_general3A_491 {dimension_numbers = #tpu.dot_dimension_numbers<[1], [0], [0], [1], [0, 0, 1, 1], [], []>, transpose_lhs_hint = false} : vector<400x32xf32>, vector<32x480xf32>, vector<400x480xf32> -> vector<400x480xf32>
    %mul3A_493 = arith.mulf %dot_general3A_487, %dot_general3A_492 : vector<400x480xf32>
    %add3A_494 = arith.addf %add3A_423, %mul3A_493 : vector<400x480xf32>
    %reduce_sum3A_495 = arith.constant dense<0.000000e+00> : vector<400xf32>
    %reduce_sum3A_496 = vector.multi_reduction <add>, %get3A_440, %reduce_sum3A_495 [1] : vector<400x32xf32> to vector<400xf32>
    %broadcast_in_dim3A_497 = vector.shape_cast %reduce_sum3A_496 : vector<400xf32> to vector<400x1xf32>
    %gt3A_498 = arith.constant 0.000000e+00 : f32
    %gt3A_499 = vector.broadcast %gt3A_498 : f32 to vector<400x1xf32>
    %gt3A_500 = arith.cmpf ogt, %broadcast_in_dim3A_497, %gt3A_499 : vector<400x1xf32>
    %jit3A_501 = arith.constant 1.000000e+00 : f32
    %jit3A_502 = arith.constant 0.000000e+00 : f32
    %broadcast_in_dim3A_503 = vector.broadcast %jit3A_501 : f32 to vector<400x1xf32>
    %broadcast_in_dim3A_504 = vector.broadcast %jit3A_502 : f32 to vector<400x1xf32>
    %select_n3A_505 = arith.select %gt3A_500, %broadcast_in_dim3A_503, %broadcast_in_dim3A_504 : vector<400x1xi1>, vector<400x1xf32>
    %add3A_506 = arith.addf %add3A_435, %select_n3A_505 : vector<400x1xf32>
    %get3A_507 = arith.constant 7 : index
    %get3A_508 = arith.constant 0 : index
    %get3A_509 = arith.constant 0 : index
    %get3A_510 = vector.load %arg1[%get3A_507, %get3A_508, %get3A_509] : memref<32x400x128xf32, #tpu.memory_space<vmem>>, vector<1x400x32xf32>
    %get3A_511 = vector.shape_cast %get3A_510 : vector<1x400x32xf32> to vector<400x32xf32>
    %get3A_512 = arith.constant 7 : index
    %get3A_513 = arith.constant 0 : index
    %get3A_514 = arith.constant 32 : index
    %get3A_515 = vector.load %arg1[%get3A_512, %get3A_513, %get3A_514] : memref<32x400x128xf32, #tpu.memory_space<vmem>>, vector<1x400x1xf32>
    %get3A_516 = vector.shape_cast %get3A_515 : vector<1x400x1xf32> to vector<400x1xf32>
    %sub3A_517 = arith.subf %get3A_516, %get3A_1 : vector<400x1xf32>
    %get3A_518 = arith.constant 7 : index
    %get3A_519 = arith.constant 0 : index
    %get3A_520 = arith.constant 33 : index
    %get3A_521 = vector.load %arg1[%get3A_518, %get3A_519, %get3A_520] : memref<32x400x128xf32, #tpu.memory_space<vmem>>, vector<1x400x1xf32>
    %get3A_522 = vector.shape_cast %get3A_521 : vector<1x400x1xf32> to vector<400x1xf32>
    %sub3A_523 = arith.subf %get3A_522, %get3A_4 : vector<400x1xf32>
    %get3A_524 = arith.constant 7 : index
    %get3A_525 = arith.constant 0 : index
    %get3A_526 = arith.constant 34 : index
    %get3A_527 = vector.load %arg1[%get3A_524, %get3A_525, %get3A_526] : memref<32x400x128xf32, #tpu.memory_space<vmem>>, vector<1x400x1xf32>
    %get3A_528 = vector.shape_cast %get3A_527 : vector<1x400x1xf32> to vector<400x1xf32>
    %sub3A_529 = arith.subf %get3A_528, %get3A_7 : vector<400x1xf32>
    %sub3A_530 = vector.broadcast %sub3A_517 : vector<400x1xf32> to vector<400x15xf32>
    %sub3A_531 = vector.broadcast %get3A_10 : vector<1x15xf32> to vector<400x15xf32>
    %sub3A_532 = arith.subf %sub3A_530, %sub3A_531 : vector<400x15xf32>
    %sub3A_533 = vector.broadcast %sub3A_523 : vector<400x1xf32> to vector<400x15xf32>
    %sub3A_534 = vector.broadcast %get3A_13 : vector<1x15xf32> to vector<400x15xf32>
    %sub3A_535 = arith.subf %sub3A_533, %sub3A_534 : vector<400x15xf32>
    %sub3A_536 = vector.broadcast %sub3A_529 : vector<400x1xf32> to vector<400x15xf32>
    %sub3A_537 = vector.broadcast %get3A_16 : vector<1x15xf32> to vector<400x15xf32>
    %sub3A_538 = arith.subf %sub3A_536, %sub3A_537 : vector<400x15xf32>
    %mul3A_539 = arith.mulf %sub3A_532, %sub3A_532 : vector<400x15xf32>
    %mul3A_540 = arith.mulf %sub3A_535, %sub3A_535 : vector<400x15xf32>
    %add3A_541 = arith.addf %mul3A_539, %mul3A_540 : vector<400x15xf32>
    %mul3A_542 = arith.mulf %sub3A_538, %sub3A_538 : vector<400x15xf32>
    %add3A_543 = arith.addf %add3A_541, %mul3A_542 : vector<400x15xf32>
    %sqrt3A_544 = math.sqrt %add3A_543 : vector<400x15xf32>
    %mul3A_545 = arith.constant 1.33333337 : f32
    %mul3A_546 = vector.broadcast %mul3A_545 : f32 to vector<400x15xf32>
    %mul3A_547 = arith.mulf %sqrt3A_544, %mul3A_546 : vector<400x15xf32>
    %sub3A_548 = arith.constant 1.000000e+00 : f32
    %sub3A_549 = vector.broadcast %sub3A_548 : f32 to vector<400x15xf32>
    %sub3A_550 = arith.subf %sub3A_549, %mul3A_547 : vector<400x15xf32>
    %max3A_551 = arith.constant 0.000000e+00 : f32
    %max3A_552 = vector.broadcast %max3A_551 : f32 to vector<400x15xf32>
    %max3A_553 = arith.maximumf %sub3A_550, %max3A_552 : vector<400x15xf32>
    %get3A_554 = arith.constant 0 : index
    %get3A_555 = arith.constant 0 : index
    %get3A_556 = vector.load %arg4[%get3A_554, %get3A_555] : memref<15x480xf32, #tpu.memory_space<vmem>>, vector<15x480xf32>
    %dot_general3A_557 = arith.constant dense<0.000000e+00> : vector<400x480xf32>
    %dot_general3A_558 = tpu.matmul %max3A_553, %get3A_556, %dot_general3A_557 {dimension_numbers = #tpu.dot_dimension_numbers<[1], [0], [0], [1], [0, 0, 1, 1], [], []>, transpose_lhs_hint = false} : vector<400x15xf32>, vector<15x480xf32>, vector<400x480xf32> -> vector<400x480xf32>
    %get3A_559 = arith.constant 0 : index
    %get3A_560 = arith.constant 0 : index
    %get3A_561 = vector.load %arg5[%get3A_559, %get3A_560] : memref<32x480xf32, #tpu.memory_space<vmem>>, vector<32x480xf32>
    %dot_general3A_562 = arith.constant dense<0.000000e+00> : vector<400x480xf32>
    %dot_general3A_563 = tpu.matmul %get3A_511, %get3A_561, %dot_general3A_562 {dimension_numbers = #tpu.dot_dimension_numbers<[1], [0], [0], [1], [0, 0, 1, 1], [], []>, transpose_lhs_hint = false} : vector<400x32xf32>, vector<32x480xf32>, vector<400x480xf32> -> vector<400x480xf32>
    %mul3A_564 = arith.mulf %dot_general3A_558, %dot_general3A_563 : vector<400x480xf32>
    %add3A_565 = arith.addf %add3A_494, %mul3A_564 : vector<400x480xf32>
    %reduce_sum3A_566 = arith.constant dense<0.000000e+00> : vector<400xf32>
    %reduce_sum3A_567 = vector.multi_reduction <add>, %get3A_511, %reduce_sum3A_566 [1] : vector<400x32xf32> to vector<400xf32>
    %broadcast_in_dim3A_568 = vector.shape_cast %reduce_sum3A_567 : vector<400xf32> to vector<400x1xf32>
    %gt3A_569 = arith.constant 0.000000e+00 : f32
    %gt3A_570 = vector.broadcast %gt3A_569 : f32 to vector<400x1xf32>
    %gt3A_571 = arith.cmpf ogt, %broadcast_in_dim3A_568, %gt3A_570 : vector<400x1xf32>
    %jit3A_572 = arith.constant 1.000000e+00 : f32
    %jit3A_573 = arith.constant 0.000000e+00 : f32
    %broadcast_in_dim3A_574 = vector.broadcast %jit3A_572 : f32 to vector<400x1xf32>
    %broadcast_in_dim3A_575 = vector.broadcast %jit3A_573 : f32 to vector<400x1xf32>
    %select_n3A_576 = arith.select %gt3A_571, %broadcast_in_dim3A_574, %broadcast_in_dim3A_575 : vector<400x1xi1>, vector<400x1xf32>
    %add3A_577 = arith.addf %add3A_506, %select_n3A_576 : vector<400x1xf32>
    %get3A_578 = arith.constant 8 : index
    %get3A_579 = arith.constant 0 : index
    %get3A_580 = arith.constant 0 : index
    %get3A_581 = vector.load %arg1[%get3A_578, %get3A_579, %get3A_580] : memref<32x400x128xf32, #tpu.memory_space<vmem>>, vector<1x400x32xf32>
    %get3A_582 = vector.shape_cast %get3A_581 : vector<1x400x32xf32> to vector<400x32xf32>
    %get3A_583 = arith.constant 8 : index
    %get3A_584 = arith.constant 0 : index
    %get3A_585 = arith.constant 32 : index
    %get3A_586 = vector.load %arg1[%get3A_583, %get3A_584, %get3A_585] : memref<32x400x128xf32, #tpu.memory_space<vmem>>, vector<1x400x1xf32>
    %get3A_587 = vector.shape_cast %get3A_586 : vector<1x400x1xf32> to vector<400x1xf32>
    %sub3A_588 = arith.subf %get3A_587, %get3A_1 : vector<400x1xf32>
    %get3A_589 = arith.constant 8 : index
    %get3A_590 = arith.constant 0 : index
    %get3A_591 = arith.constant 33 : index
    %get3A_592 = vector.load %arg1[%get3A_589, %get3A_590, %get3A_591] : memref<32x400x128xf32, #tpu.memory_space<vmem>>, vector<1x400x1xf32>
    %get3A_593 = vector.shape_cast %get3A_592 : vector<1x400x1xf32> to vector<400x1xf32>
    %sub3A_594 = arith.subf %get3A_593, %get3A_4 : vector<400x1xf32>
    %get3A_595 = arith.constant 8 : index
    %get3A_596 = arith.constant 0 : index
    %get3A_597 = arith.constant 34 : index
    %get3A_598 = vector.load %arg1[%get3A_595, %get3A_596, %get3A_597] : memref<32x400x128xf32, #tpu.memory_space<vmem>>, vector<1x400x1xf32>
    %get3A_599 = vector.shape_cast %get3A_598 : vector<1x400x1xf32> to vector<400x1xf32>
    %sub3A_600 = arith.subf %get3A_599, %get3A_7 : vector<400x1xf32>
    %sub3A_601 = vector.broadcast %sub3A_588 : vector<400x1xf32> to vector<400x15xf32>
    %sub3A_602 = vector.broadcast %get3A_10 : vector<1x15xf32> to vector<400x15xf32>
    %sub3A_603 = arith.subf %sub3A_601, %sub3A_602 : vector<400x15xf32>
    %sub3A_604 = vector.broadcast %sub3A_594 : vector<400x1xf32> to vector<400x15xf32>
    %sub3A_605 = vector.broadcast %get3A_13 : vector<1x15xf32> to vector<400x15xf32>
    %sub3A_606 = arith.subf %sub3A_604, %sub3A_605 : vector<400x15xf32>
    %sub3A_607 = vector.broadcast %sub3A_600 : vector<400x1xf32> to vector<400x15xf32>
    %sub3A_608 = vector.broadcast %get3A_16 : vector<1x15xf32> to vector<400x15xf32>
    %sub3A_609 = arith.subf %sub3A_607, %sub3A_608 : vector<400x15xf32>
    %mul3A_610 = arith.mulf %sub3A_603, %sub3A_603 : vector<400x15xf32>
    %mul3A_611 = arith.mulf %sub3A_606, %sub3A_606 : vector<400x15xf32>
    %add3A_612 = arith.addf %mul3A_610, %mul3A_611 : vector<400x15xf32>
    %mul3A_613 = arith.mulf %sub3A_609, %sub3A_609 : vector<400x15xf32>
    %add3A_614 = arith.addf %add3A_612, %mul3A_613 : vector<400x15xf32>
    %sqrt3A_615 = math.sqrt %add3A_614 : vector<400x15xf32>
    %mul3A_616 = arith.constant 1.33333337 : f32
    %mul3A_617 = vector.broadcast %mul3A_616 : f32 to vector<400x15xf32>
    %mul3A_618 = arith.mulf %sqrt3A_615, %mul3A_617 : vector<400x15xf32>
    %sub3A_619 = arith.constant 1.000000e+00 : f32
    %sub3A_620 = vector.broadcast %sub3A_619 : f32 to vector<400x15xf32>
    %sub3A_621 = arith.subf %sub3A_620, %mul3A_618 : vector<400x15xf32>
    %max3A_622 = arith.constant 0.000000e+00 : f32
    %max3A_623 = vector.broadcast %max3A_622 : f32 to vector<400x15xf32>
    %max3A_624 = arith.maximumf %sub3A_621, %max3A_623 : vector<400x15xf32>
    %get3A_625 = arith.constant 0 : index
    %get3A_626 = arith.constant 0 : index
    %get3A_627 = vector.load %arg4[%get3A_625, %get3A_626] : memref<15x480xf32, #tpu.memory_space<vmem>>, vector<15x480xf32>
    %dot_general3A_628 = arith.constant dense<0.000000e+00> : vector<400x480xf32>
    %dot_general3A_629 = tpu.matmul %max3A_624, %get3A_627, %dot_general3A_628 {dimension_numbers = #tpu.dot_dimension_numbers<[1], [0], [0], [1], [0, 0, 1, 1], [], []>, transpose_lhs_hint = false} : vector<400x15xf32>, vector<15x480xf32>, vector<400x480xf32> -> vector<400x480xf32>
    %get3A_630 = arith.constant 0 : index
    %get3A_631 = arith.constant 0 : index
    %get3A_632 = vector.load %arg5[%get3A_630, %get3A_631] : memref<32x480xf32, #tpu.memory_space<vmem>>, vector<32x480xf32>
    %dot_general3A_633 = arith.constant dense<0.000000e+00> : vector<400x480xf32>
    %dot_general3A_634 = tpu.matmul %get3A_582, %get3A_632, %dot_general3A_633 {dimension_numbers = #tpu.dot_dimension_numbers<[1], [0], [0], [1], [0, 0, 1, 1], [], []>, transpose_lhs_hint = false} : vector<400x32xf32>, vector<32x480xf32>, vector<400x480xf32> -> vector<400x480xf32>
    %mul3A_635 = arith.mulf %dot_general3A_629, %dot_general3A_634 : vector<400x480xf32>
    %add3A_636 = arith.addf %add3A_565, %mul3A_635 : vector<400x480xf32>
    %reduce_sum3A_637 = arith.constant dense<0.000000e+00> : vector<400xf32>
    %reduce_sum3A_638 = vector.multi_reduction <add>, %get3A_582, %reduce_sum3A_637 [1] : vector<400x32xf32> to vector<400xf32>
    %broadcast_in_dim3A_639 = vector.shape_cast %reduce_sum3A_638 : vector<400xf32> to vector<400x1xf32>
    %gt3A_640 = arith.constant 0.000000e+00 : f32
    %gt3A_641 = vector.broadcast %gt3A_640 : f32 to vector<400x1xf32>
    %gt3A_642 = arith.cmpf ogt, %broadcast_in_dim3A_639, %gt3A_641 : vector<400x1xf32>
    %jit3A_643 = arith.constant 1.000000e+00 : f32
    %jit3A_644 = arith.constant 0.000000e+00 : f32
    %broadcast_in_dim3A_645 = vector.broadcast %jit3A_643 : f32 to vector<400x1xf32>
    %broadcast_in_dim3A_646 = vector.broadcast %jit3A_644 : f32 to vector<400x1xf32>
    %select_n3A_647 = arith.select %gt3A_642, %broadcast_in_dim3A_645, %broadcast_in_dim3A_646 : vector<400x1xi1>, vector<400x1xf32>
    %add3A_648 = arith.addf %add3A_577, %select_n3A_647 : vector<400x1xf32>
    %get3A_649 = arith.constant 9 : index
    %get3A_650 = arith.constant 0 : index
    %get3A_651 = arith.constant 0 : index
    %get3A_652 = vector.load %arg1[%get3A_649, %get3A_650, %get3A_651] : memref<32x400x128xf32, #tpu.memory_space<vmem>>, vector<1x400x32xf32>
    %get3A_653 = vector.shape_cast %get3A_652 : vector<1x400x32xf32> to vector<400x32xf32>
    %get3A_654 = arith.constant 9 : index
    %get3A_655 = arith.constant 0 : index
    %get3A_656 = arith.constant 32 : index
    %get3A_657 = vector.load %arg1[%get3A_654, %get3A_655, %get3A_656] : memref<32x400x128xf32, #tpu.memory_space<vmem>>, vector<1x400x1xf32>
    %get3A_658 = vector.shape_cast %get3A_657 : vector<1x400x1xf32> to vector<400x1xf32>
    %sub3A_659 = arith.subf %get3A_658, %get3A_1 : vector<400x1xf32>
    %get3A_660 = arith.constant 9 : index
    %get3A_661 = arith.constant 0 : index
    %get3A_662 = arith.constant 33 : index
    %get3A_663 = vector.load %arg1[%get3A_660, %get3A_661, %get3A_662] : memref<32x400x128xf32, #tpu.memory_space<vmem>>, vector<1x400x1xf32>
    %get3A_664 = vector.shape_cast %get3A_663 : vector<1x400x1xf32> to vector<400x1xf32>
    %sub3A_665 = arith.subf %get3A_664, %get3A_4 : vector<400x1xf32>
    %get3A_666 = arith.constant 9 : index
    %get3A_667 = arith.constant 0 : index
    %get3A_668 = arith.constant 34 : index
    %get3A_669 = vector.load %arg1[%get3A_666, %get3A_667, %get3A_668] : memref<32x400x128xf32, #tpu.memory_space<vmem>>, vector<1x400x1xf32>
    %get3A_670 = vector.shape_cast %get3A_669 : vector<1x400x1xf32> to vector<400x1xf32>
    %sub3A_671 = arith.subf %get3A_670, %get3A_7 : vector<400x1xf32>
    %sub3A_672 = vector.broadcast %sub3A_659 : vector<400x1xf32> to vector<400x15xf32>
    %sub3A_673 = vector.broadcast %get3A_10 : vector<1x15xf32> to vector<400x15xf32>
    %sub3A_674 = arith.subf %sub3A_672, %sub3A_673 : vector<400x15xf32>
    %sub3A_675 = vector.broadcast %sub3A_665 : vector<400x1xf32> to vector<400x15xf32>
    %sub3A_676 = vector.broadcast %get3A_13 : vector<1x15xf32> to vector<400x15xf32>
    %sub3A_677 = arith.subf %sub3A_675, %sub3A_676 : vector<400x15xf32>
    %sub3A_678 = vector.broadcast %sub3A_671 : vector<400x1xf32> to vector<400x15xf32>
    %sub3A_679 = vector.broadcast %get3A_16 : vector<1x15xf32> to vector<400x15xf32>
    %sub3A_680 = arith.subf %sub3A_678, %sub3A_679 : vector<400x15xf32>
    %mul3A_681 = arith.mulf %sub3A_674, %sub3A_674 : vector<400x15xf32>
    %mul3A_682 = arith.mulf %sub3A_677, %sub3A_677 : vector<400x15xf32>
    %add3A_683 = arith.addf %mul3A_681, %mul3A_682 : vector<400x15xf32>
    %mul3A_684 = arith.mulf %sub3A_680, %sub3A_680 : vector<400x15xf32>
    %add3A_685 = arith.addf %add3A_683, %mul3A_684 : vector<400x15xf32>
    %sqrt3A_686 = math.sqrt %add3A_685 : vector<400x15xf32>
    %mul3A_687 = arith.constant 1.33333337 : f32
    %mul3A_688 = vector.broadcast %mul3A_687 : f32 to vector<400x15xf32>
    %mul3A_689 = arith.mulf %sqrt3A_686, %mul3A_688 : vector<400x15xf32>
    %sub3A_690 = arith.constant 1.000000e+00 : f32
    %sub3A_691 = vector.broadcast %sub3A_690 : f32 to vector<400x15xf32>
    %sub3A_692 = arith.subf %sub3A_691, %mul3A_689 : vector<400x15xf32>
    %max3A_693 = arith.constant 0.000000e+00 : f32
    %max3A_694 = vector.broadcast %max3A_693 : f32 to vector<400x15xf32>
    %max3A_695 = arith.maximumf %sub3A_692, %max3A_694 : vector<400x15xf32>
    %get3A_696 = arith.constant 0 : index
    %get3A_697 = arith.constant 0 : index
    %get3A_698 = vector.load %arg4[%get3A_696, %get3A_697] : memref<15x480xf32, #tpu.memory_space<vmem>>, vector<15x480xf32>
    %dot_general3A_699 = arith.constant dense<0.000000e+00> : vector<400x480xf32>
    %dot_general3A_700 = tpu.matmul %max3A_695, %get3A_698, %dot_general3A_699 {dimension_numbers = #tpu.dot_dimension_numbers<[1], [0], [0], [1], [0, 0, 1, 1], [], []>, transpose_lhs_hint = false} : vector<400x15xf32>, vector<15x480xf32>, vector<400x480xf32> -> vector<400x480xf32>
    %get3A_701 = arith.constant 0 : index
    %get3A_702 = arith.constant 0 : index
    %get3A_703 = vector.load %arg5[%get3A_701, %get3A_702] : memref<32x480xf32, #tpu.memory_space<vmem>>, vector<32x480xf32>
    %dot_general3A_704 = arith.constant dense<0.000000e+00> : vector<400x480xf32>
    %dot_general3A_705 = tpu.matmul %get3A_653, %get3A_703, %dot_general3A_704 {dimension_numbers = #tpu.dot_dimension_numbers<[1], [0], [0], [1], [0, 0, 1, 1], [], []>, transpose_lhs_hint = false} : vector<400x32xf32>, vector<32x480xf32>, vector<400x480xf32> -> vector<400x480xf32>
    %mul3A_706 = arith.mulf %dot_general3A_700, %dot_general3A_705 : vector<400x480xf32>
    %add3A_707 = arith.addf %add3A_636, %mul3A_706 : vector<400x480xf32>
    %reduce_sum3A_708 = arith.constant dense<0.000000e+00> : vector<400xf32>
    %reduce_sum3A_709 = vector.multi_reduction <add>, %get3A_653, %reduce_sum3A_708 [1] : vector<400x32xf32> to vector<400xf32>
    %broadcast_in_dim3A_710 = vector.shape_cast %reduce_sum3A_709 : vector<400xf32> to vector<400x1xf32>
    %gt3A_711 = arith.constant 0.000000e+00 : f32
    %gt3A_712 = vector.broadcast %gt3A_711 : f32 to vector<400x1xf32>
    %gt3A_713 = arith.cmpf ogt, %broadcast_in_dim3A_710, %gt3A_712 : vector<400x1xf32>
    %jit3A_714 = arith.constant 1.000000e+00 : f32
    %jit3A_715 = arith.constant 0.000000e+00 : f32
    %broadcast_in_dim3A_716 = vector.broadcast %jit3A_714 : f32 to vector<400x1xf32>
    %broadcast_in_dim3A_717 = vector.broadcast %jit3A_715 : f32 to vector<400x1xf32>
    %select_n3A_718 = arith.select %gt3A_713, %broadcast_in_dim3A_716, %broadcast_in_dim3A_717 : vector<400x1xi1>, vector<400x1xf32>
    %add3A_719 = arith.addf %add3A_648, %select_n3A_718 : vector<400x1xf32>
    %get3A_720 = arith.constant 10 : index
    %get3A_721 = arith.constant 0 : index
    %get3A_722 = arith.constant 0 : index
    %get3A_723 = vector.load %arg1[%get3A_720, %get3A_721, %get3A_722] : memref<32x400x128xf32, #tpu.memory_space<vmem>>, vector<1x400x32xf32>
    %get3A_724 = vector.shape_cast %get3A_723 : vector<1x400x32xf32> to vector<400x32xf32>
    %get3A_725 = arith.constant 10 : index
    %get3A_726 = arith.constant 0 : index
    %get3A_727 = arith.constant 32 : index
    %get3A_728 = vector.load %arg1[%get3A_725, %get3A_726, %get3A_727] : memref<32x400x128xf32, #tpu.memory_space<vmem>>, vector<1x400x1xf32>
    %get3A_729 = vector.shape_cast %get3A_728 : vector<1x400x1xf32> to vector<400x1xf32>
    %sub3A_730 = arith.subf %get3A_729, %get3A_1 : vector<400x1xf32>
    %get3A_731 = arith.constant 10 : index
    %get3A_732 = arith.constant 0 : index
    %get3A_733 = arith.constant 33 : index
    %get3A_734 = vector.load %arg1[%get3A_731, %get3A_732, %get3A_733] : memref<32x400x128xf32, #tpu.memory_space<vmem>>, vector<1x400x1xf32>
    %get3A_735 = vector.shape_cast %get3A_734 : vector<1x400x1xf32> to vector<400x1xf32>
    %sub3A_736 = arith.subf %get3A_735, %get3A_4 : vector<400x1xf32>
    %get3A_737 = arith.constant 10 : index
    %get3A_738 = arith.constant 0 : index
    %get3A_739 = arith.constant 34 : index
    %get3A_740 = vector.load %arg1[%get3A_737, %get3A_738, %get3A_739] : memref<32x400x128xf32, #tpu.memory_space<vmem>>, vector<1x400x1xf32>
    %get3A_741 = vector.shape_cast %get3A_740 : vector<1x400x1xf32> to vector<400x1xf32>
    %sub3A_742 = arith.subf %get3A_741, %get3A_7 : vector<400x1xf32>
    %sub3A_743 = vector.broadcast %sub3A_730 : vector<400x1xf32> to vector<400x15xf32>
    %sub3A_744 = vector.broadcast %get3A_10 : vector<1x15xf32> to vector<400x15xf32>
    %sub3A_745 = arith.subf %sub3A_743, %sub3A_744 : vector<400x15xf32>
    %sub3A_746 = vector.broadcast %sub3A_736 : vector<400x1xf32> to vector<400x15xf32>
    %sub3A_747 = vector.broadcast %get3A_13 : vector<1x15xf32> to vector<400x15xf32>
    %sub3A_748 = arith.subf %sub3A_746, %sub3A_747 : vector<400x15xf32>
    %sub3A_749 = vector.broadcast %sub3A_742 : vector<400x1xf32> to vector<400x15xf32>
    %sub3A_750 = vector.broadcast %get3A_16 : vector<1x15xf32> to vector<400x15xf32>
    %sub3A_751 = arith.subf %sub3A_749, %sub3A_750 : vector<400x15xf32>
    %mul3A_752 = arith.mulf %sub3A_745, %sub3A_745 : vector<400x15xf32>
    %mul3A_753 = arith.mulf %sub3A_748, %sub3A_748 : vector<400x15xf32>
    %add3A_754 = arith.addf %mul3A_752, %mul3A_753 : vector<400x15xf32>
    %mul3A_755 = arith.mulf %sub3A_751, %sub3A_751 : vector<400x15xf32>
    %add3A_756 = arith.addf %add3A_754, %mul3A_755 : vector<400x15xf32>
    %sqrt3A_757 = math.sqrt %add3A_756 : vector<400x15xf32>
    %mul3A_758 = arith.constant 1.33333337 : f32
    %mul3A_759 = vector.broadcast %mul3A_758 : f32 to vector<400x15xf32>
    %mul3A_760 = arith.mulf %sqrt3A_757, %mul3A_759 : vector<400x15xf32>
    %sub3A_761 = arith.constant 1.000000e+00 : f32
    %sub3A_762 = vector.broadcast %sub3A_761 : f32 to vector<400x15xf32>
    %sub3A_763 = arith.subf %sub3A_762, %mul3A_760 : vector<400x15xf32>
    %max3A_764 = arith.constant 0.000000e+00 : f32
    %max3A_765 = vector.broadcast %max3A_764 : f32 to vector<400x15xf32>
    %max3A_766 = arith.maximumf %sub3A_763, %max3A_765 : vector<400x15xf32>
    %get3A_767 = arith.constant 0 : index
    %get3A_768 = arith.constant 0 : index
    %get3A_769 = vector.load %arg4[%get3A_767, %get3A_768] : memref<15x480xf32, #tpu.memory_space<vmem>>, vector<15x480xf32>
    %dot_general3A_770 = arith.constant dense<0.000000e+00> : vector<400x480xf32>
    %dot_general3A_771 = tpu.matmul %max3A_766, %get3A_769, %dot_general3A_770 {dimension_numbers = #tpu.dot_dimension_numbers<[1], [0], [0], [1], [0, 0, 1, 1], [], []>, transpose_lhs_hint = false} : vector<400x15xf32>, vector<15x480xf32>, vector<400x480xf32> -> vector<400x480xf32>
    %get3A_772 = arith.constant 0 : index
    %get3A_773 = arith.constant 0 : index
    %get3A_774 = vector.load %arg5[%get3A_772, %get3A_773] : memref<32x480xf32, #tpu.memory_space<vmem>>, vector<32x480xf32>
    %dot_general3A_775 = arith.constant dense<0.000000e+00> : vector<400x480xf32>
    %dot_general3A_776 = tpu.matmul %get3A_724, %get3A_774, %dot_general3A_775 {dimension_numbers = #tpu.dot_dimension_numbers<[1], [0], [0], [1], [0, 0, 1, 1], [], []>, transpose_lhs_hint = false} : vector<400x32xf32>, vector<32x480xf32>, vector<400x480xf32> -> vector<400x480xf32>
    %mul3A_777 = arith.mulf %dot_general3A_771, %dot_general3A_776 : vector<400x480xf32>
    %add3A_778 = arith.addf %add3A_707, %mul3A_777 : vector<400x480xf32>
    %reduce_sum3A_779 = arith.constant dense<0.000000e+00> : vector<400xf32>
    %reduce_sum3A_780 = vector.multi_reduction <add>, %get3A_724, %reduce_sum3A_779 [1] : vector<400x32xf32> to vector<400xf32>
    %broadcast_in_dim3A_781 = vector.shape_cast %reduce_sum3A_780 : vector<400xf32> to vector<400x1xf32>
    %gt3A_782 = arith.constant 0.000000e+00 : f32
    %gt3A_783 = vector.broadcast %gt3A_782 : f32 to vector<400x1xf32>
    %gt3A_784 = arith.cmpf ogt, %broadcast_in_dim3A_781, %gt3A_783 : vector<400x1xf32>
    %jit3A_785 = arith.constant 1.000000e+00 : f32
    %jit3A_786 = arith.constant 0.000000e+00 : f32
    %broadcast_in_dim3A_787 = vector.broadcast %jit3A_785 : f32 to vector<400x1xf32>
    %broadcast_in_dim3A_788 = vector.broadcast %jit3A_786 : f32 to vector<400x1xf32>
    %select_n3A_789 = arith.select %gt3A_784, %broadcast_in_dim3A_787, %broadcast_in_dim3A_788 : vector<400x1xi1>, vector<400x1xf32>
    %add3A_790 = arith.addf %add3A_719, %select_n3A_789 : vector<400x1xf32>
    %get3A_791 = arith.constant 11 : index
    %get3A_792 = arith.constant 0 : index
    %get3A_793 = arith.constant 0 : index
    %get3A_794 = vector.load %arg1[%get3A_791, %get3A_792, %get3A_793] : memref<32x400x128xf32, #tpu.memory_space<vmem>>, vector<1x400x32xf32>
    %get3A_795 = vector.shape_cast %get3A_794 : vector<1x400x32xf32> to vector<400x32xf32>
    %get3A_796 = arith.constant 11 : index
    %get3A_797 = arith.constant 0 : index
    %get3A_798 = arith.constant 32 : index
    %get3A_799 = vector.load %arg1[%get3A_796, %get3A_797, %get3A_798] : memref<32x400x128xf32, #tpu.memory_space<vmem>>, vector<1x400x1xf32>
    %get3A_800 = vector.shape_cast %get3A_799 : vector<1x400x1xf32> to vector<400x1xf32>
    %sub3A_801 = arith.subf %get3A_800, %get3A_1 : vector<400x1xf32>
    %get3A_802 = arith.constant 11 : index
    %get3A_803 = arith.constant 0 : index
    %get3A_804 = arith.constant 33 : index
    %get3A_805 = vector.load %arg1[%get3A_802, %get3A_803, %get3A_804] : memref<32x400x128xf32, #tpu.memory_space<vmem>>, vector<1x400x1xf32>
    %get3A_806 = vector.shape_cast %get3A_805 : vector<1x400x1xf32> to vector<400x1xf32>
    %sub3A_807 = arith.subf %get3A_806, %get3A_4 : vector<400x1xf32>
    %get3A_808 = arith.constant 11 : index
    %get3A_809 = arith.constant 0 : index
    %get3A_810 = arith.constant 34 : index
    %get3A_811 = vector.load %arg1[%get3A_808, %get3A_809, %get3A_810] : memref<32x400x128xf32, #tpu.memory_space<vmem>>, vector<1x400x1xf32>
    %get3A_812 = vector.shape_cast %get3A_811 : vector<1x400x1xf32> to vector<400x1xf32>
    %sub3A_813 = arith.subf %get3A_812, %get3A_7 : vector<400x1xf32>
    %sub3A_814 = vector.broadcast %sub3A_801 : vector<400x1xf32> to vector<400x15xf32>
    %sub3A_815 = vector.broadcast %get3A_10 : vector<1x15xf32> to vector<400x15xf32>
    %sub3A_816 = arith.subf %sub3A_814, %sub3A_815 : vector<400x15xf32>
    %sub3A_817 = vector.broadcast %sub3A_807 : vector<400x1xf32> to vector<400x15xf32>
    %sub3A_818 = vector.broadcast %get3A_13 : vector<1x15xf32> to vector<400x15xf32>
    %sub3A_819 = arith.subf %sub3A_817, %sub3A_818 : vector<400x15xf32>
    %sub3A_820 = vector.broadcast %sub3A_813 : vector<400x1xf32> to vector<400x15xf32>
    %sub3A_821 = vector.broadcast %get3A_16 : vector<1x15xf32> to vector<400x15xf32>
    %sub3A_822 = arith.subf %sub3A_820, %sub3A_821 : vector<400x15xf32>
    %mul3A_823 = arith.mulf %sub3A_816, %sub3A_816 : vector<400x15xf32>
    %mul3A_824 = arith.mulf %sub3A_819, %sub3A_819 : vector<400x15xf32>
    %add3A_825 = arith.addf %mul3A_823, %mul3A_824 : vector<400x15xf32>
    %mul3A_826 = arith.mulf %sub3A_822, %sub3A_822 : vector<400x15xf32>
    %add3A_827 = arith.addf %add3A_825, %mul3A_826 : vector<400x15xf32>
    %sqrt3A_828 = math.sqrt %add3A_827 : vector<400x15xf32>
    %mul3A_829 = arith.constant 1.33333337 : f32
    %mul3A_830 = vector.broadcast %mul3A_829 : f32 to vector<400x15xf32>
    %mul3A_831 = arith.mulf %sqrt3A_828, %mul3A_830 : vector<400x15xf32>
    %sub3A_832 = arith.constant 1.000000e+00 : f32
    %sub3A_833 = vector.broadcast %sub3A_832 : f32 to vector<400x15xf32>
    %sub3A_834 = arith.subf %sub3A_833, %mul3A_831 : vector<400x15xf32>
    %max3A_835 = arith.constant 0.000000e+00 : f32
    %max3A_836 = vector.broadcast %max3A_835 : f32 to vector<400x15xf32>
    %max3A_837 = arith.maximumf %sub3A_834, %max3A_836 : vector<400x15xf32>
    %get3A_838 = arith.constant 0 : index
    %get3A_839 = arith.constant 0 : index
    %get3A_840 = vector.load %arg4[%get3A_838, %get3A_839] : memref<15x480xf32, #tpu.memory_space<vmem>>, vector<15x480xf32>
    %dot_general3A_841 = arith.constant dense<0.000000e+00> : vector<400x480xf32>
    %dot_general3A_842 = tpu.matmul %max3A_837, %get3A_840, %dot_general3A_841 {dimension_numbers = #tpu.dot_dimension_numbers<[1], [0], [0], [1], [0, 0, 1, 1], [], []>, transpose_lhs_hint = false} : vector<400x15xf32>, vector<15x480xf32>, vector<400x480xf32> -> vector<400x480xf32>
    %get3A_843 = arith.constant 0 : index
    %get3A_844 = arith.constant 0 : index
    %get3A_845 = vector.load %arg5[%get3A_843, %get3A_844] : memref<32x480xf32, #tpu.memory_space<vmem>>, vector<32x480xf32>
    %dot_general3A_846 = arith.constant dense<0.000000e+00> : vector<400x480xf32>
    %dot_general3A_847 = tpu.matmul %get3A_795, %get3A_845, %dot_general3A_846 {dimension_numbers = #tpu.dot_dimension_numbers<[1], [0], [0], [1], [0, 0, 1, 1], [], []>, transpose_lhs_hint = false} : vector<400x32xf32>, vector<32x480xf32>, vector<400x480xf32> -> vector<400x480xf32>
    %mul3A_848 = arith.mulf %dot_general3A_842, %dot_general3A_847 : vector<400x480xf32>
    %add3A_849 = arith.addf %add3A_778, %mul3A_848 : vector<400x480xf32>
    %reduce_sum3A_850 = arith.constant dense<0.000000e+00> : vector<400xf32>
    %reduce_sum3A_851 = vector.multi_reduction <add>, %get3A_795, %reduce_sum3A_850 [1] : vector<400x32xf32> to vector<400xf32>
    %broadcast_in_dim3A_852 = vector.shape_cast %reduce_sum3A_851 : vector<400xf32> to vector<400x1xf32>
    %gt3A_853 = arith.constant 0.000000e+00 : f32
    %gt3A_854 = vector.broadcast %gt3A_853 : f32 to vector<400x1xf32>
    %gt3A_855 = arith.cmpf ogt, %broadcast_in_dim3A_852, %gt3A_854 : vector<400x1xf32>
    %jit3A_856 = arith.constant 1.000000e+00 : f32
    %jit3A_857 = arith.constant 0.000000e+00 : f32
    %broadcast_in_dim3A_858 = vector.broadcast %jit3A_856 : f32 to vector<400x1xf32>
    %broadcast_in_dim3A_859 = vector.broadcast %jit3A_857 : f32 to vector<400x1xf32>
    %select_n3A_860 = arith.select %gt3A_855, %broadcast_in_dim3A_858, %broadcast_in_dim3A_859 : vector<400x1xi1>, vector<400x1xf32>
    %add3A_861 = arith.addf %add3A_790, %select_n3A_860 : vector<400x1xf32>
    %get3A_862 = arith.constant 12 : index
    %get3A_863 = arith.constant 0 : index
    %get3A_864 = arith.constant 0 : index
    %get3A_865 = vector.load %arg1[%get3A_862, %get3A_863, %get3A_864] : memref<32x400x128xf32, #tpu.memory_space<vmem>>, vector<1x400x32xf32>
    %get3A_866 = vector.shape_cast %get3A_865 : vector<1x400x32xf32> to vector<400x32xf32>
    %get3A_867 = arith.constant 12 : index
    %get3A_868 = arith.constant 0 : index
    %get3A_869 = arith.constant 32 : index
    %get3A_870 = vector.load %arg1[%get3A_867, %get3A_868, %get3A_869] : memref<32x400x128xf32, #tpu.memory_space<vmem>>, vector<1x400x1xf32>
    %get3A_871 = vector.shape_cast %get3A_870 : vector<1x400x1xf32> to vector<400x1xf32>
    %sub3A_872 = arith.subf %get3A_871, %get3A_1 : vector<400x1xf32>
    %get3A_873 = arith.constant 12 : index
    %get3A_874 = arith.constant 0 : index
    %get3A_875 = arith.constant 33 : index
    %get3A_876 = vector.load %arg1[%get3A_873, %get3A_874, %get3A_875] : memref<32x400x128xf32, #tpu.memory_space<vmem>>, vector<1x400x1xf32>
    %get3A_877 = vector.shape_cast %get3A_876 : vector<1x400x1xf32> to vector<400x1xf32>
    %sub3A_878 = arith.subf %get3A_877, %get3A_4 : vector<400x1xf32>
    %get3A_879 = arith.constant 12 : index
    %get3A_880 = arith.constant 0 : index
    %get3A_881 = arith.constant 34 : index
    %get3A_882 = vector.load %arg1[%get3A_879, %get3A_880, %get3A_881] : memref<32x400x128xf32, #tpu.memory_space<vmem>>, vector<1x400x1xf32>
    %get3A_883 = vector.shape_cast %get3A_882 : vector<1x400x1xf32> to vector<400x1xf32>
    %sub3A_884 = arith.subf %get3A_883, %get3A_7 : vector<400x1xf32>
    %sub3A_885 = vector.broadcast %sub3A_872 : vector<400x1xf32> to vector<400x15xf32>
    %sub3A_886 = vector.broadcast %get3A_10 : vector<1x15xf32> to vector<400x15xf32>
    %sub3A_887 = arith.subf %sub3A_885, %sub3A_886 : vector<400x15xf32>
    %sub3A_888 = vector.broadcast %sub3A_878 : vector<400x1xf32> to vector<400x15xf32>
    %sub3A_889 = vector.broadcast %get3A_13 : vector<1x15xf32> to vector<400x15xf32>
    %sub3A_890 = arith.subf %sub3A_888, %sub3A_889 : vector<400x15xf32>
    %sub3A_891 = vector.broadcast %sub3A_884 : vector<400x1xf32> to vector<400x15xf32>
    %sub3A_892 = vector.broadcast %get3A_16 : vector<1x15xf32> to vector<400x15xf32>
    %sub3A_893 = arith.subf %sub3A_891, %sub3A_892 : vector<400x15xf32>
    %mul3A_894 = arith.mulf %sub3A_887, %sub3A_887 : vector<400x15xf32>
    %mul3A_895 = arith.mulf %sub3A_890, %sub3A_890 : vector<400x15xf32>
    %add3A_896 = arith.addf %mul3A_894, %mul3A_895 : vector<400x15xf32>
    %mul3A_897 = arith.mulf %sub3A_893, %sub3A_893 : vector<400x15xf32>
    %add3A_898 = arith.addf %add3A_896, %mul3A_897 : vector<400x15xf32>
    %sqrt3A_899 = math.sqrt %add3A_898 : vector<400x15xf32>
    %mul3A_900 = arith.constant 1.33333337 : f32
    %mul3A_901 = vector.broadcast %mul3A_900 : f32 to vector<400x15xf32>
    %mul3A_902 = arith.mulf %sqrt3A_899, %mul3A_901 : vector<400x15xf32>
    %sub3A_903 = arith.constant 1.000000e+00 : f32
    %sub3A_904 = vector.broadcast %sub3A_903 : f32 to vector<400x15xf32>
    %sub3A_905 = arith.subf %sub3A_904, %mul3A_902 : vector<400x15xf32>
    %max3A_906 = arith.constant 0.000000e+00 : f32
    %max3A_907 = vector.broadcast %max3A_906 : f32 to vector<400x15xf32>
    %max3A_908 = arith.maximumf %sub3A_905, %max3A_907 : vector<400x15xf32>
    %get3A_909 = arith.constant 0 : index
    %get3A_910 = arith.constant 0 : index
    %get3A_911 = vector.load %arg4[%get3A_909, %get3A_910] : memref<15x480xf32, #tpu.memory_space<vmem>>, vector<15x480xf32>
    %dot_general3A_912 = arith.constant dense<0.000000e+00> : vector<400x480xf32>
    %dot_general3A_913 = tpu.matmul %max3A_908, %get3A_911, %dot_general3A_912 {dimension_numbers = #tpu.dot_dimension_numbers<[1], [0], [0], [1], [0, 0, 1, 1], [], []>, transpose_lhs_hint = false} : vector<400x15xf32>, vector<15x480xf32>, vector<400x480xf32> -> vector<400x480xf32>
    %get3A_914 = arith.constant 0 : index
    %get3A_915 = arith.constant 0 : index
    %get3A_916 = vector.load %arg5[%get3A_914, %get3A_915] : memref<32x480xf32, #tpu.memory_space<vmem>>, vector<32x480xf32>
    %dot_general3A_917 = arith.constant dense<0.000000e+00> : vector<400x480xf32>
    %dot_general3A_918 = tpu.matmul %get3A_866, %get3A_916, %dot_general3A_917 {dimension_numbers = #tpu.dot_dimension_numbers<[1], [0], [0], [1], [0, 0, 1, 1], [], []>, transpose_lhs_hint = false} : vector<400x32xf32>, vector<32x480xf32>, vector<400x480xf32> -> vector<400x480xf32>
    %mul3A_919 = arith.mulf %dot_general3A_913, %dot_general3A_918 : vector<400x480xf32>
    %add3A_920 = arith.addf %add3A_849, %mul3A_919 : vector<400x480xf32>
    %reduce_sum3A_921 = arith.constant dense<0.000000e+00> : vector<400xf32>
    %reduce_sum3A_922 = vector.multi_reduction <add>, %get3A_866, %reduce_sum3A_921 [1] : vector<400x32xf32> to vector<400xf32>
    %broadcast_in_dim3A_923 = vector.shape_cast %reduce_sum3A_922 : vector<400xf32> to vector<400x1xf32>
    %gt3A_924 = arith.constant 0.000000e+00 : f32
    %gt3A_925 = vector.broadcast %gt3A_924 : f32 to vector<400x1xf32>
    %gt3A_926 = arith.cmpf ogt, %broadcast_in_dim3A_923, %gt3A_925 : vector<400x1xf32>
    %jit3A_927 = arith.constant 1.000000e+00 : f32
    %jit3A_928 = arith.constant 0.000000e+00 : f32
    %broadcast_in_dim3A_929 = vector.broadcast %jit3A_927 : f32 to vector<400x1xf32>
    %broadcast_in_dim3A_930 = vector.broadcast %jit3A_928 : f32 to vector<400x1xf32>
    %select_n3A_931 = arith.select %gt3A_926, %broadcast_in_dim3A_929, %broadcast_in_dim3A_930 : vector<400x1xi1>, vector<400x1xf32>
    %add3A_932 = arith.addf %add3A_861, %select_n3A_931 : vector<400x1xf32>
    %get3A_933 = arith.constant 13 : index
    %get3A_934 = arith.constant 0 : index
    %get3A_935 = arith.constant 0 : index
    %get3A_936 = vector.load %arg1[%get3A_933, %get3A_934, %get3A_935] : memref<32x400x128xf32, #tpu.memory_space<vmem>>, vector<1x400x32xf32>
    %get3A_937 = vector.shape_cast %get3A_936 : vector<1x400x32xf32> to vector<400x32xf32>
    %get3A_938 = arith.constant 13 : index
    %get3A_939 = arith.constant 0 : index
    %get3A_940 = arith.constant 32 : index
    %get3A_941 = vector.load %arg1[%get3A_938, %get3A_939, %get3A_940] : memref<32x400x128xf32, #tpu.memory_space<vmem>>, vector<1x400x1xf32>
    %get3A_942 = vector.shape_cast %get3A_941 : vector<1x400x1xf32> to vector<400x1xf32>
    %sub3A_943 = arith.subf %get3A_942, %get3A_1 : vector<400x1xf32>
    %get3A_944 = arith.constant 13 : index
    %get3A_945 = arith.constant 0 : index
    %get3A_946 = arith.constant 33 : index
    %get3A_947 = vector.load %arg1[%get3A_944, %get3A_945, %get3A_946] : memref<32x400x128xf32, #tpu.memory_space<vmem>>, vector<1x400x1xf32>
    %get3A_948 = vector.shape_cast %get3A_947 : vector<1x400x1xf32> to vector<400x1xf32>
    %sub3A_949 = arith.subf %get3A_948, %get3A_4 : vector<400x1xf32>
    %get3A_950 = arith.constant 13 : index
    %get3A_951 = arith.constant 0 : index
    %get3A_952 = arith.constant 34 : index
    %get3A_953 = vector.load %arg1[%get3A_950, %get3A_951, %get3A_952] : memref<32x400x128xf32, #tpu.memory_space<vmem>>, vector<1x400x1xf32>
    %get3A_954 = vector.shape_cast %get3A_953 : vector<1x400x1xf32> to vector<400x1xf32>
    %sub3A_955 = arith.subf %get3A_954, %get3A_7 : vector<400x1xf32>
    %sub3A_956 = vector.broadcast %sub3A_943 : vector<400x1xf32> to vector<400x15xf32>
    %sub3A_957 = vector.broadcast %get3A_10 : vector<1x15xf32> to vector<400x15xf32>
    %sub3A_958 = arith.subf %sub3A_956, %sub3A_957 : vector<400x15xf32>
    %sub3A_959 = vector.broadcast %sub3A_949 : vector<400x1xf32> to vector<400x15xf32>
    %sub3A_960 = vector.broadcast %get3A_13 : vector<1x15xf32> to vector<400x15xf32>
    %sub3A_961 = arith.subf %sub3A_959, %sub3A_960 : vector<400x15xf32>
    %sub3A_962 = vector.broadcast %sub3A_955 : vector<400x1xf32> to vector<400x15xf32>
    %sub3A_963 = vector.broadcast %get3A_16 : vector<1x15xf32> to vector<400x15xf32>
    %sub3A_964 = arith.subf %sub3A_962, %sub3A_963 : vector<400x15xf32>
    %mul3A_965 = arith.mulf %sub3A_958, %sub3A_958 : vector<400x15xf32>
    %mul3A_966 = arith.mulf %sub3A_961, %sub3A_961 : vector<400x15xf32>
    %add3A_967 = arith.addf %mul3A_965, %mul3A_966 : vector<400x15xf32>
    %mul3A_968 = arith.mulf %sub3A_964, %sub3A_964 : vector<400x15xf32>
    %add3A_969 = arith.addf %add3A_967, %mul3A_968 : vector<400x15xf32>
    %sqrt3A_970 = math.sqrt %add3A_969 : vector<400x15xf32>
    %mul3A_971 = arith.constant 1.33333337 : f32
    %mul3A_972 = vector.broadcast %mul3A_971 : f32 to vector<400x15xf32>
    %mul3A_973 = arith.mulf %sqrt3A_970, %mul3A_972 : vector<400x15xf32>
    %sub3A_974 = arith.constant 1.000000e+00 : f32
    %sub3A_975 = vector.broadcast %sub3A_974 : f32 to vector<400x15xf32>
    %sub3A_976 = arith.subf %sub3A_975, %mul3A_973 : vector<400x15xf32>
    %max3A_977 = arith.constant 0.000000e+00 : f32
    %max3A_978 = vector.broadcast %max3A_977 : f32 to vector<400x15xf32>
    %max3A_979 = arith.maximumf %sub3A_976, %max3A_978 : vector<400x15xf32>
    %get3A_980 = arith.constant 0 : index
    %get3A_981 = arith.constant 0 : index
    %get3A_982 = vector.load %arg4[%get3A_980, %get3A_981] : memref<15x480xf32, #tpu.memory_space<vmem>>, vector<15x480xf32>
    %dot_general3A_983 = arith.constant dense<0.000000e+00> : vector<400x480xf32>
    %dot_general3A_984 = tpu.matmul %max3A_979, %get3A_982, %dot_general3A_983 {dimension_numbers = #tpu.dot_dimension_numbers<[1], [0], [0], [1], [0, 0, 1, 1], [], []>, transpose_lhs_hint = false} : vector<400x15xf32>, vector<15x480xf32>, vector<400x480xf32> -> vector<400x480xf32>
    %get3A_985 = arith.constant 0 : index
    %get3A_986 = arith.constant 0 : index
    %get3A_987 = vector.load %arg5[%get3A_985, %get3A_986] : memref<32x480xf32, #tpu.memory_space<vmem>>, vector<32x480xf32>
    %dot_general3A_988 = arith.constant dense<0.000000e+00> : vector<400x480xf32>
    %dot_general3A_989 = tpu.matmul %get3A_937, %get3A_987, %dot_general3A_988 {dimension_numbers = #tpu.dot_dimension_numbers<[1], [0], [0], [1], [0, 0, 1, 1], [], []>, transpose_lhs_hint = false} : vector<400x32xf32>, vector<32x480xf32>, vector<400x480xf32> -> vector<400x480xf32>
    %mul3A_990 = arith.mulf %dot_general3A_984, %dot_general3A_989 : vector<400x480xf32>
    %add3A_991 = arith.addf %add3A_920, %mul3A_990 : vector<400x480xf32>
    %reduce_sum3A_992 = arith.constant dense<0.000000e+00> : vector<400xf32>
    %reduce_sum3A_993 = vector.multi_reduction <add>, %get3A_937, %reduce_sum3A_992 [1] : vector<400x32xf32> to vector<400xf32>
    %broadcast_in_dim3A_994 = vector.shape_cast %reduce_sum3A_993 : vector<400xf32> to vector<400x1xf32>
    %gt3A_995 = arith.constant 0.000000e+00 : f32
    %gt3A_996 = vector.broadcast %gt3A_995 : f32 to vector<400x1xf32>
    %gt3A_997 = arith.cmpf ogt, %broadcast_in_dim3A_994, %gt3A_996 : vector<400x1xf32>
    %jit3A_998 = arith.constant 1.000000e+00 : f32
    %jit3A_999 = arith.constant 0.000000e+00 : f32
    %broadcast_in_dim3A_1000 = vector.broadcast %jit3A_998 : f32 to vector<400x1xf32>
    %broadcast_in_dim3A_1001 = vector.broadcast %jit3A_999 : f32 to vector<400x1xf32>
    %select_n3A_1002 = arith.select %gt3A_997, %broadcast_in_dim3A_1000, %broadcast_in_dim3A_1001 : vector<400x1xi1>, vector<400x1xf32>
    %add3A_1003 = arith.addf %add3A_932, %select_n3A_1002 : vector<400x1xf32>
    %get3A_1004 = arith.constant 14 : index
    %get3A_1005 = arith.constant 0 : index
    %get3A_1006 = arith.constant 0 : index
    %get3A_1007 = vector.load %arg1[%get3A_1004, %get3A_1005, %get3A_1006] : memref<32x400x128xf32, #tpu.memory_space<vmem>>, vector<1x400x32xf32>
    %get3A_1008 = vector.shape_cast %get3A_1007 : vector<1x400x32xf32> to vector<400x32xf32>
    %get3A_1009 = arith.constant 14 : index
    %get3A_1010 = arith.constant 0 : index
    %get3A_1011 = arith.constant 32 : index
    %get3A_1012 = vector.load %arg1[%get3A_1009, %get3A_1010, %get3A_1011] : memref<32x400x128xf32, #tpu.memory_space<vmem>>, vector<1x400x1xf32>
    %get3A_1013 = vector.shape_cast %get3A_1012 : vector<1x400x1xf32> to vector<400x1xf32>
    %sub3A_1014 = arith.subf %get3A_1013, %get3A_1 : vector<400x1xf32>
    %get3A_1015 = arith.constant 14 : index
    %get3A_1016 = arith.constant 0 : index
    %get3A_1017 = arith.constant 33 : index
    %get3A_1018 = vector.load %arg1[%get3A_1015, %get3A_1016, %get3A_1017] : memref<32x400x128xf32, #tpu.memory_space<vmem>>, vector<1x400x1xf32>
    %get3A_1019 = vector.shape_cast %get3A_1018 : vector<1x400x1xf32> to vector<400x1xf32>
    %sub3A_1020 = arith.subf %get3A_1019, %get3A_4 : vector<400x1xf32>
    %get3A_1021 = arith.constant 14 : index
    %get3A_1022 = arith.constant 0 : index
    %get3A_1023 = arith.constant 34 : index
    %get3A_1024 = vector.load %arg1[%get3A_1021, %get3A_1022, %get3A_1023] : memref<32x400x128xf32, #tpu.memory_space<vmem>>, vector<1x400x1xf32>
    %get3A_1025 = vector.shape_cast %get3A_1024 : vector<1x400x1xf32> to vector<400x1xf32>
    %sub3A_1026 = arith.subf %get3A_1025, %get3A_7 : vector<400x1xf32>
    %sub3A_1027 = vector.broadcast %sub3A_1014 : vector<400x1xf32> to vector<400x15xf32>
    %sub3A_1028 = vector.broadcast %get3A_10 : vector<1x15xf32> to vector<400x15xf32>
    %sub3A_1029 = arith.subf %sub3A_1027, %sub3A_1028 : vector<400x15xf32>
    %sub3A_1030 = vector.broadcast %sub3A_1020 : vector<400x1xf32> to vector<400x15xf32>
    %sub3A_1031 = vector.broadcast %get3A_13 : vector<1x15xf32> to vector<400x15xf32>
    %sub3A_1032 = arith.subf %sub3A_1030, %sub3A_1031 : vector<400x15xf32>
    %sub3A_1033 = vector.broadcast %sub3A_1026 : vector<400x1xf32> to vector<400x15xf32>
    %sub3A_1034 = vector.broadcast %get3A_16 : vector<1x15xf32> to vector<400x15xf32>
    %sub3A_1035 = arith.subf %sub3A_1033, %sub3A_1034 : vector<400x15xf32>
    %mul3A_1036 = arith.mulf %sub3A_1029, %sub3A_1029 : vector<400x15xf32>
    %mul3A_1037 = arith.mulf %sub3A_1032, %sub3A_1032 : vector<400x15xf32>
    %add3A_1038 = arith.addf %mul3A_1036, %mul3A_1037 : vector<400x15xf32>
    %mul3A_1039 = arith.mulf %sub3A_1035, %sub3A_1035 : vector<400x15xf32>
    %add3A_1040 = arith.addf %add3A_1038, %mul3A_1039 : vector<400x15xf32>
    %sqrt3A_1041 = math.sqrt %add3A_1040 : vector<400x15xf32>
    %mul3A_1042 = arith.constant 1.33333337 : f32
    %mul3A_1043 = vector.broadcast %mul3A_1042 : f32 to vector<400x15xf32>
    %mul3A_1044 = arith.mulf %sqrt3A_1041, %mul3A_1043 : vector<400x15xf32>
    %sub3A_1045 = arith.constant 1.000000e+00 : f32
    %sub3A_1046 = vector.broadcast %sub3A_1045 : f32 to vector<400x15xf32>
    %sub3A_1047 = arith.subf %sub3A_1046, %mul3A_1044 : vector<400x15xf32>
    %max3A_1048 = arith.constant 0.000000e+00 : f32
    %max3A_1049 = vector.broadcast %max3A_1048 : f32 to vector<400x15xf32>
    %max3A_1050 = arith.maximumf %sub3A_1047, %max3A_1049 : vector<400x15xf32>
    %get3A_1051 = arith.constant 0 : index
    %get3A_1052 = arith.constant 0 : index
    %get3A_1053 = vector.load %arg4[%get3A_1051, %get3A_1052] : memref<15x480xf32, #tpu.memory_space<vmem>>, vector<15x480xf32>
    %dot_general3A_1054 = arith.constant dense<0.000000e+00> : vector<400x480xf32>
    %dot_general3A_1055 = tpu.matmul %max3A_1050, %get3A_1053, %dot_general3A_1054 {dimension_numbers = #tpu.dot_dimension_numbers<[1], [0], [0], [1], [0, 0, 1, 1], [], []>, transpose_lhs_hint = false} : vector<400x15xf32>, vector<15x480xf32>, vector<400x480xf32> -> vector<400x480xf32>
    %get3A_1056 = arith.constant 0 : index
    %get3A_1057 = arith.constant 0 : index
    %get3A_1058 = vector.load %arg5[%get3A_1056, %get3A_1057] : memref<32x480xf32, #tpu.memory_space<vmem>>, vector<32x480xf32>
    %dot_general3A_1059 = arith.constant dense<0.000000e+00> : vector<400x480xf32>
    %dot_general3A_1060 = tpu.matmul %get3A_1008, %get3A_1058, %dot_general3A_1059 {dimension_numbers = #tpu.dot_dimension_numbers<[1], [0], [0], [1], [0, 0, 1, 1], [], []>, transpose_lhs_hint = false} : vector<400x32xf32>, vector<32x480xf32>, vector<400x480xf32> -> vector<400x480xf32>
    %mul3A_1061 = arith.mulf %dot_general3A_1055, %dot_general3A_1060 : vector<400x480xf32>
    %add3A_1062 = arith.addf %add3A_991, %mul3A_1061 : vector<400x480xf32>
    %reduce_sum3A_1063 = arith.constant dense<0.000000e+00> : vector<400xf32>
    %reduce_sum3A_1064 = vector.multi_reduction <add>, %get3A_1008, %reduce_sum3A_1063 [1] : vector<400x32xf32> to vector<400xf32>
    %broadcast_in_dim3A_1065 = vector.shape_cast %reduce_sum3A_1064 : vector<400xf32> to vector<400x1xf32>
    %gt3A_1066 = arith.constant 0.000000e+00 : f32
    %gt3A_1067 = vector.broadcast %gt3A_1066 : f32 to vector<400x1xf32>
    %gt3A_1068 = arith.cmpf ogt, %broadcast_in_dim3A_1065, %gt3A_1067 : vector<400x1xf32>
    %jit3A_1069 = arith.constant 1.000000e+00 : f32
    %jit3A_1070 = arith.constant 0.000000e+00 : f32
    %broadcast_in_dim3A_1071 = vector.broadcast %jit3A_1069 : f32 to vector<400x1xf32>
    %broadcast_in_dim3A_1072 = vector.broadcast %jit3A_1070 : f32 to vector<400x1xf32>
    %select_n3A_1073 = arith.select %gt3A_1068, %broadcast_in_dim3A_1071, %broadcast_in_dim3A_1072 : vector<400x1xi1>, vector<400x1xf32>
    %add3A_1074 = arith.addf %add3A_1003, %select_n3A_1073 : vector<400x1xf32>
    %get3A_1075 = arith.constant 15 : index
    %get3A_1076 = arith.constant 0 : index
    %get3A_1077 = arith.constant 0 : index
    %get3A_1078 = vector.load %arg1[%get3A_1075, %get3A_1076, %get3A_1077] : memref<32x400x128xf32, #tpu.memory_space<vmem>>, vector<1x400x32xf32>
    %get3A_1079 = vector.shape_cast %get3A_1078 : vector<1x400x32xf32> to vector<400x32xf32>
    %get3A_1080 = arith.constant 15 : index
    %get3A_1081 = arith.constant 0 : index
    %get3A_1082 = arith.constant 32 : index
    %get3A_1083 = vector.load %arg1[%get3A_1080, %get3A_1081, %get3A_1082] : memref<32x400x128xf32, #tpu.memory_space<vmem>>, vector<1x400x1xf32>
    %get3A_1084 = vector.shape_cast %get3A_1083 : vector<1x400x1xf32> to vector<400x1xf32>
    %sub3A_1085 = arith.subf %get3A_1084, %get3A_1 : vector<400x1xf32>
    %get3A_1086 = arith.constant 15 : index
    %get3A_1087 = arith.constant 0 : index
    %get3A_1088 = arith.constant 33 : index
    %get3A_1089 = vector.load %arg1[%get3A_1086, %get3A_1087, %get3A_1088] : memref<32x400x128xf32, #tpu.memory_space<vmem>>, vector<1x400x1xf32>
    %get3A_1090 = vector.shape_cast %get3A_1089 : vector<1x400x1xf32> to vector<400x1xf32>
    %sub3A_1091 = arith.subf %get3A_1090, %get3A_4 : vector<400x1xf32>
    %get3A_1092 = arith.constant 15 : index
    %get3A_1093 = arith.constant 0 : index
    %get3A_1094 = arith.constant 34 : index
    %get3A_1095 = vector.load %arg1[%get3A_1092, %get3A_1093, %get3A_1094] : memref<32x400x128xf32, #tpu.memory_space<vmem>>, vector<1x400x1xf32>
    %get3A_1096 = vector.shape_cast %get3A_1095 : vector<1x400x1xf32> to vector<400x1xf32>
    %sub3A_1097 = arith.subf %get3A_1096, %get3A_7 : vector<400x1xf32>
    %sub3A_1098 = vector.broadcast %sub3A_1085 : vector<400x1xf32> to vector<400x15xf32>
    %sub3A_1099 = vector.broadcast %get3A_10 : vector<1x15xf32> to vector<400x15xf32>
    %sub3A_1100 = arith.subf %sub3A_1098, %sub3A_1099 : vector<400x15xf32>
    %sub3A_1101 = vector.broadcast %sub3A_1091 : vector<400x1xf32> to vector<400x15xf32>
    %sub3A_1102 = vector.broadcast %get3A_13 : vector<1x15xf32> to vector<400x15xf32>
    %sub3A_1103 = arith.subf %sub3A_1101, %sub3A_1102 : vector<400x15xf32>
    %sub3A_1104 = vector.broadcast %sub3A_1097 : vector<400x1xf32> to vector<400x15xf32>
    %sub3A_1105 = vector.broadcast %get3A_16 : vector<1x15xf32> to vector<400x15xf32>
    %sub3A_1106 = arith.subf %sub3A_1104, %sub3A_1105 : vector<400x15xf32>
    %mul3A_1107 = arith.mulf %sub3A_1100, %sub3A_1100 : vector<400x15xf32>
    %mul3A_1108 = arith.mulf %sub3A_1103, %sub3A_1103 : vector<400x15xf32>
    %add3A_1109 = arith.addf %mul3A_1107, %mul3A_1108 : vector<400x15xf32>
    %mul3A_1110 = arith.mulf %sub3A_1106, %sub3A_1106 : vector<400x15xf32>
    %add3A_1111 = arith.addf %add3A_1109, %mul3A_1110 : vector<400x15xf32>
    %sqrt3A_1112 = math.sqrt %add3A_1111 : vector<400x15xf32>
    %mul3A_1113 = arith.constant 1.33333337 : f32
    %mul3A_1114 = vector.broadcast %mul3A_1113 : f32 to vector<400x15xf32>
    %mul3A_1115 = arith.mulf %sqrt3A_1112, %mul3A_1114 : vector<400x15xf32>
    %sub3A_1116 = arith.constant 1.000000e+00 : f32
    %sub3A_1117 = vector.broadcast %sub3A_1116 : f32 to vector<400x15xf32>
    %sub3A_1118 = arith.subf %sub3A_1117, %mul3A_1115 : vector<400x15xf32>
    %max3A_1119 = arith.constant 0.000000e+00 : f32
    %max3A_1120 = vector.broadcast %max3A_1119 : f32 to vector<400x15xf32>
    %max3A_1121 = arith.maximumf %sub3A_1118, %max3A_1120 : vector<400x15xf32>
    %get3A_1122 = arith.constant 0 : index
    %get3A_1123 = arith.constant 0 : index
    %get3A_1124 = vector.load %arg4[%get3A_1122, %get3A_1123] : memref<15x480xf32, #tpu.memory_space<vmem>>, vector<15x480xf32>
    %dot_general3A_1125 = arith.constant dense<0.000000e+00> : vector<400x480xf32>
    %dot_general3A_1126 = tpu.matmul %max3A_1121, %get3A_1124, %dot_general3A_1125 {dimension_numbers = #tpu.dot_dimension_numbers<[1], [0], [0], [1], [0, 0, 1, 1], [], []>, transpose_lhs_hint = false} : vector<400x15xf32>, vector<15x480xf32>, vector<400x480xf32> -> vector<400x480xf32>
    %get3A_1127 = arith.constant 0 : index
    %get3A_1128 = arith.constant 0 : index
    %get3A_1129 = vector.load %arg5[%get3A_1127, %get3A_1128] : memref<32x480xf32, #tpu.memory_space<vmem>>, vector<32x480xf32>
    %dot_general3A_1130 = arith.constant dense<0.000000e+00> : vector<400x480xf32>
    %dot_general3A_1131 = tpu.matmul %get3A_1079, %get3A_1129, %dot_general3A_1130 {dimension_numbers = #tpu.dot_dimension_numbers<[1], [0], [0], [1], [0, 0, 1, 1], [], []>, transpose_lhs_hint = false} : vector<400x32xf32>, vector<32x480xf32>, vector<400x480xf32> -> vector<400x480xf32>
    %mul3A_1132 = arith.mulf %dot_general3A_1126, %dot_general3A_1131 : vector<400x480xf32>
    %add3A_1133 = arith.addf %add3A_1062, %mul3A_1132 : vector<400x480xf32>
    %reduce_sum3A_1134 = arith.constant dense<0.000000e+00> : vector<400xf32>
    %reduce_sum3A_1135 = vector.multi_reduction <add>, %get3A_1079, %reduce_sum3A_1134 [1] : vector<400x32xf32> to vector<400xf32>
    %broadcast_in_dim3A_1136 = vector.shape_cast %reduce_sum3A_1135 : vector<400xf32> to vector<400x1xf32>
    %gt3A_1137 = arith.constant 0.000000e+00 : f32
    %gt3A_1138 = vector.broadcast %gt3A_1137 : f32 to vector<400x1xf32>
    %gt3A_1139 = arith.cmpf ogt, %broadcast_in_dim3A_1136, %gt3A_1138 : vector<400x1xf32>
    %jit3A_1140 = arith.constant 1.000000e+00 : f32
    %jit3A_1141 = arith.constant 0.000000e+00 : f32
    %broadcast_in_dim3A_1142 = vector.broadcast %jit3A_1140 : f32 to vector<400x1xf32>
    %broadcast_in_dim3A_1143 = vector.broadcast %jit3A_1141 : f32 to vector<400x1xf32>
    %select_n3A_1144 = arith.select %gt3A_1139, %broadcast_in_dim3A_1142, %broadcast_in_dim3A_1143 : vector<400x1xi1>, vector<400x1xf32>
    %add3A_1145 = arith.addf %add3A_1074, %select_n3A_1144 : vector<400x1xf32>
    %get3A_1146 = arith.constant 16 : index
    %get3A_1147 = arith.constant 0 : index
    %get3A_1148 = arith.constant 0 : index
    %get3A_1149 = vector.load %arg1[%get3A_1146, %get3A_1147, %get3A_1148] : memref<32x400x128xf32, #tpu.memory_space<vmem>>, vector<1x400x32xf32>
    %get3A_1150 = vector.shape_cast %get3A_1149 : vector<1x400x32xf32> to vector<400x32xf32>
    %get3A_1151 = arith.constant 16 : index
    %get3A_1152 = arith.constant 0 : index
    %get3A_1153 = arith.constant 32 : index
    %get3A_1154 = vector.load %arg1[%get3A_1151, %get3A_1152, %get3A_1153] : memref<32x400x128xf32, #tpu.memory_space<vmem>>, vector<1x400x1xf32>
    %get3A_1155 = vector.shape_cast %get3A_1154 : vector<1x400x1xf32> to vector<400x1xf32>
    %sub3A_1156 = arith.subf %get3A_1155, %get3A_1 : vector<400x1xf32>
    %get3A_1157 = arith.constant 16 : index
    %get3A_1158 = arith.constant 0 : index
    %get3A_1159 = arith.constant 33 : index
    %get3A_1160 = vector.load %arg1[%get3A_1157, %get3A_1158, %get3A_1159] : memref<32x400x128xf32, #tpu.memory_space<vmem>>, vector<1x400x1xf32>
    %get3A_1161 = vector.shape_cast %get3A_1160 : vector<1x400x1xf32> to vector<400x1xf32>
    %sub3A_1162 = arith.subf %get3A_1161, %get3A_4 : vector<400x1xf32>
    %get3A_1163 = arith.constant 16 : index
    %get3A_1164 = arith.constant 0 : index
    %get3A_1165 = arith.constant 34 : index
    %get3A_1166 = vector.load %arg1[%get3A_1163, %get3A_1164, %get3A_1165] : memref<32x400x128xf32, #tpu.memory_space<vmem>>, vector<1x400x1xf32>
    %get3A_1167 = vector.shape_cast %get3A_1166 : vector<1x400x1xf32> to vector<400x1xf32>
    %sub3A_1168 = arith.subf %get3A_1167, %get3A_7 : vector<400x1xf32>
    %sub3A_1169 = vector.broadcast %sub3A_1156 : vector<400x1xf32> to vector<400x15xf32>
    %sub3A_1170 = vector.broadcast %get3A_10 : vector<1x15xf32> to vector<400x15xf32>
    %sub3A_1171 = arith.subf %sub3A_1169, %sub3A_1170 : vector<400x15xf32>
    %sub3A_1172 = vector.broadcast %sub3A_1162 : vector<400x1xf32> to vector<400x15xf32>
    %sub3A_1173 = vector.broadcast %get3A_13 : vector<1x15xf32> to vector<400x15xf32>
    %sub3A_1174 = arith.subf %sub3A_1172, %sub3A_1173 : vector<400x15xf32>
    %sub3A_1175 = vector.broadcast %sub3A_1168 : vector<400x1xf32> to vector<400x15xf32>
    %sub3A_1176 = vector.broadcast %get3A_16 : vector<1x15xf32> to vector<400x15xf32>
    %sub3A_1177 = arith.subf %sub3A_1175, %sub3A_1176 : vector<400x15xf32>
    %mul3A_1178 = arith.mulf %sub3A_1171, %sub3A_1171 : vector<400x15xf32>
    %mul3A_1179 = arith.mulf %sub3A_1174, %sub3A_1174 : vector<400x15xf32>
    %add3A_1180 = arith.addf %mul3A_1178, %mul3A_1179 : vector<400x15xf32>
    %mul3A_1181 = arith.mulf %sub3A_1177, %sub3A_1177 : vector<400x15xf32>
    %add3A_1182 = arith.addf %add3A_1180, %mul3A_1181 : vector<400x15xf32>
    %sqrt3A_1183 = math.sqrt %add3A_1182 : vector<400x15xf32>
    %mul3A_1184 = arith.constant 1.33333337 : f32
    %mul3A_1185 = vector.broadcast %mul3A_1184 : f32 to vector<400x15xf32>
    %mul3A_1186 = arith.mulf %sqrt3A_1183, %mul3A_1185 : vector<400x15xf32>
    %sub3A_1187 = arith.constant 1.000000e+00 : f32
    %sub3A_1188 = vector.broadcast %sub3A_1187 : f32 to vector<400x15xf32>
    %sub3A_1189 = arith.subf %sub3A_1188, %mul3A_1186 : vector<400x15xf32>
    %max3A_1190 = arith.constant 0.000000e+00 : f32
    %max3A_1191 = vector.broadcast %max3A_1190 : f32 to vector<400x15xf32>
    %max3A_1192 = arith.maximumf %sub3A_1189, %max3A_1191 : vector<400x15xf32>
    %get3A_1193 = arith.constant 0 : index
    %get3A_1194 = arith.constant 0 : index
    %get3A_1195 = vector.load %arg4[%get3A_1193, %get3A_1194] : memref<15x480xf32, #tpu.memory_space<vmem>>, vector<15x480xf32>
    %dot_general3A_1196 = arith.constant dense<0.000000e+00> : vector<400x480xf32>
    %dot_general3A_1197 = tpu.matmul %max3A_1192, %get3A_1195, %dot_general3A_1196 {dimension_numbers = #tpu.dot_dimension_numbers<[1], [0], [0], [1], [0, 0, 1, 1], [], []>, transpose_lhs_hint = false} : vector<400x15xf32>, vector<15x480xf32>, vector<400x480xf32> -> vector<400x480xf32>
    %get3A_1198 = arith.constant 0 : index
    %get3A_1199 = arith.constant 0 : index
    %get3A_1200 = vector.load %arg5[%get3A_1198, %get3A_1199] : memref<32x480xf32, #tpu.memory_space<vmem>>, vector<32x480xf32>
    %dot_general3A_1201 = arith.constant dense<0.000000e+00> : vector<400x480xf32>
    %dot_general3A_1202 = tpu.matmul %get3A_1150, %get3A_1200, %dot_general3A_1201 {dimension_numbers = #tpu.dot_dimension_numbers<[1], [0], [0], [1], [0, 0, 1, 1], [], []>, transpose_lhs_hint = false} : vector<400x32xf32>, vector<32x480xf32>, vector<400x480xf32> -> vector<400x480xf32>
    %mul3A_1203 = arith.mulf %dot_general3A_1197, %dot_general3A_1202 : vector<400x480xf32>
    %add3A_1204 = arith.addf %add3A_1133, %mul3A_1203 : vector<400x480xf32>
    %reduce_sum3A_1205 = arith.constant dense<0.000000e+00> : vector<400xf32>
    %reduce_sum3A_1206 = vector.multi_reduction <add>, %get3A_1150, %reduce_sum3A_1205 [1] : vector<400x32xf32> to vector<400xf32>
    %broadcast_in_dim3A_1207 = vector.shape_cast %reduce_sum3A_1206 : vector<400xf32> to vector<400x1xf32>
    %gt3A_1208 = arith.constant 0.000000e+00 : f32
    %gt3A_1209 = vector.broadcast %gt3A_1208 : f32 to vector<400x1xf32>
    %gt3A_1210 = arith.cmpf ogt, %broadcast_in_dim3A_1207, %gt3A_1209 : vector<400x1xf32>
    %jit3A_1211 = arith.constant 1.000000e+00 : f32
    %jit3A_1212 = arith.constant 0.000000e+00 : f32
    %broadcast_in_dim3A_1213 = vector.broadcast %jit3A_1211 : f32 to vector<400x1xf32>
    %broadcast_in_dim3A_1214 = vector.broadcast %jit3A_1212 : f32 to vector<400x1xf32>
    %select_n3A_1215 = arith.select %gt3A_1210, %broadcast_in_dim3A_1213, %broadcast_in_dim3A_1214 : vector<400x1xi1>, vector<400x1xf32>
    %add3A_1216 = arith.addf %add3A_1145, %select_n3A_1215 : vector<400x1xf32>
    %get3A_1217 = arith.constant 17 : index
    %get3A_1218 = arith.constant 0 : index
    %get3A_1219 = arith.constant 0 : index
    %get3A_1220 = vector.load %arg1[%get3A_1217, %get3A_1218, %get3A_1219] : memref<32x400x128xf32, #tpu.memory_space<vmem>>, vector<1x400x32xf32>
    %get3A_1221 = vector.shape_cast %get3A_1220 : vector<1x400x32xf32> to vector<400x32xf32>
    %get3A_1222 = arith.constant 17 : index
    %get3A_1223 = arith.constant 0 : index
    %get3A_1224 = arith.constant 32 : index
    %get3A_1225 = vector.load %arg1[%get3A_1222, %get3A_1223, %get3A_1224] : memref<32x400x128xf32, #tpu.memory_space<vmem>>, vector<1x400x1xf32>
    %get3A_1226 = vector.shape_cast %get3A_1225 : vector<1x400x1xf32> to vector<400x1xf32>
    %sub3A_1227 = arith.subf %get3A_1226, %get3A_1 : vector<400x1xf32>
    %get3A_1228 = arith.constant 17 : index
    %get3A_1229 = arith.constant 0 : index
    %get3A_1230 = arith.constant 33 : index
    %get3A_1231 = vector.load %arg1[%get3A_1228, %get3A_1229, %get3A_1230] : memref<32x400x128xf32, #tpu.memory_space<vmem>>, vector<1x400x1xf32>
    %get3A_1232 = vector.shape_cast %get3A_1231 : vector<1x400x1xf32> to vector<400x1xf32>
    %sub3A_1233 = arith.subf %get3A_1232, %get3A_4 : vector<400x1xf32>
    %get3A_1234 = arith.constant 17 : index
    %get3A_1235 = arith.constant 0 : index
    %get3A_1236 = arith.constant 34 : index
    %get3A_1237 = vector.load %arg1[%get3A_1234, %get3A_1235, %get3A_1236] : memref<32x400x128xf32, #tpu.memory_space<vmem>>, vector<1x400x1xf32>
    %get3A_1238 = vector.shape_cast %get3A_1237 : vector<1x400x1xf32> to vector<400x1xf32>
    %sub3A_1239 = arith.subf %get3A_1238, %get3A_7 : vector<400x1xf32>
    %sub3A_1240 = vector.broadcast %sub3A_1227 : vector<400x1xf32> to vector<400x15xf32>
    %sub3A_1241 = vector.broadcast %get3A_10 : vector<1x15xf32> to vector<400x15xf32>
    %sub3A_1242 = arith.subf %sub3A_1240, %sub3A_1241 : vector<400x15xf32>
    %sub3A_1243 = vector.broadcast %sub3A_1233 : vector<400x1xf32> to vector<400x15xf32>
    %sub3A_1244 = vector.broadcast %get3A_13 : vector<1x15xf32> to vector<400x15xf32>
    %sub3A_1245 = arith.subf %sub3A_1243, %sub3A_1244 : vector<400x15xf32>
    %sub3A_1246 = vector.broadcast %sub3A_1239 : vector<400x1xf32> to vector<400x15xf32>
    %sub3A_1247 = vector.broadcast %get3A_16 : vector<1x15xf32> to vector<400x15xf32>
    %sub3A_1248 = arith.subf %sub3A_1246, %sub3A_1247 : vector<400x15xf32>
    %mul3A_1249 = arith.mulf %sub3A_1242, %sub3A_1242 : vector<400x15xf32>
    %mul3A_1250 = arith.mulf %sub3A_1245, %sub3A_1245 : vector<400x15xf32>
    %add3A_1251 = arith.addf %mul3A_1249, %mul3A_1250 : vector<400x15xf32>
    %mul3A_1252 = arith.mulf %sub3A_1248, %sub3A_1248 : vector<400x15xf32>
    %add3A_1253 = arith.addf %add3A_1251, %mul3A_1252 : vector<400x15xf32>
    %sqrt3A_1254 = math.sqrt %add3A_1253 : vector<400x15xf32>
    %mul3A_1255 = arith.constant 1.33333337 : f32
    %mul3A_1256 = vector.broadcast %mul3A_1255 : f32 to vector<400x15xf32>
    %mul3A_1257 = arith.mulf %sqrt3A_1254, %mul3A_1256 : vector<400x15xf32>
    %sub3A_1258 = arith.constant 1.000000e+00 : f32
    %sub3A_1259 = vector.broadcast %sub3A_1258 : f32 to vector<400x15xf32>
    %sub3A_1260 = arith.subf %sub3A_1259, %mul3A_1257 : vector<400x15xf32>
    %max3A_1261 = arith.constant 0.000000e+00 : f32
    %max3A_1262 = vector.broadcast %max3A_1261 : f32 to vector<400x15xf32>
    %max3A_1263 = arith.maximumf %sub3A_1260, %max3A_1262 : vector<400x15xf32>
    %get3A_1264 = arith.constant 0 : index
    %get3A_1265 = arith.constant 0 : index
    %get3A_1266 = vector.load %arg4[%get3A_1264, %get3A_1265] : memref<15x480xf32, #tpu.memory_space<vmem>>, vector<15x480xf32>
    %dot_general3A_1267 = arith.constant dense<0.000000e+00> : vector<400x480xf32>
    %dot_general3A_1268 = tpu.matmul %max3A_1263, %get3A_1266, %dot_general3A_1267 {dimension_numbers = #tpu.dot_dimension_numbers<[1], [0], [0], [1], [0, 0, 1, 1], [], []>, transpose_lhs_hint = false} : vector<400x15xf32>, vector<15x480xf32>, vector<400x480xf32> -> vector<400x480xf32>
    %get3A_1269 = arith.constant 0 : index
    %get3A_1270 = arith.constant 0 : index
    %get3A_1271 = vector.load %arg5[%get3A_1269, %get3A_1270] : memref<32x480xf32, #tpu.memory_space<vmem>>, vector<32x480xf32>
    %dot_general3A_1272 = arith.constant dense<0.000000e+00> : vector<400x480xf32>
    %dot_general3A_1273 = tpu.matmul %get3A_1221, %get3A_1271, %dot_general3A_1272 {dimension_numbers = #tpu.dot_dimension_numbers<[1], [0], [0], [1], [0, 0, 1, 1], [], []>, transpose_lhs_hint = false} : vector<400x32xf32>, vector<32x480xf32>, vector<400x480xf32> -> vector<400x480xf32>
    %mul3A_1274 = arith.mulf %dot_general3A_1268, %dot_general3A_1273 : vector<400x480xf32>
    %add3A_1275 = arith.addf %add3A_1204, %mul3A_1274 : vector<400x480xf32>
    %reduce_sum3A_1276 = arith.constant dense<0.000000e+00> : vector<400xf32>
    %reduce_sum3A_1277 = vector.multi_reduction <add>, %get3A_1221, %reduce_sum3A_1276 [1] : vector<400x32xf32> to vector<400xf32>
    %broadcast_in_dim3A_1278 = vector.shape_cast %reduce_sum3A_1277 : vector<400xf32> to vector<400x1xf32>
    %gt3A_1279 = arith.constant 0.000000e+00 : f32
    %gt3A_1280 = vector.broadcast %gt3A_1279 : f32 to vector<400x1xf32>
    %gt3A_1281 = arith.cmpf ogt, %broadcast_in_dim3A_1278, %gt3A_1280 : vector<400x1xf32>
    %jit3A_1282 = arith.constant 1.000000e+00 : f32
    %jit3A_1283 = arith.constant 0.000000e+00 : f32
    %broadcast_in_dim3A_1284 = vector.broadcast %jit3A_1282 : f32 to vector<400x1xf32>
    %broadcast_in_dim3A_1285 = vector.broadcast %jit3A_1283 : f32 to vector<400x1xf32>
    %select_n3A_1286 = arith.select %gt3A_1281, %broadcast_in_dim3A_1284, %broadcast_in_dim3A_1285 : vector<400x1xi1>, vector<400x1xf32>
    %add3A_1287 = arith.addf %add3A_1216, %select_n3A_1286 : vector<400x1xf32>
    %get3A_1288 = arith.constant 18 : index
    %get3A_1289 = arith.constant 0 : index
    %get3A_1290 = arith.constant 0 : index
    %get3A_1291 = vector.load %arg1[%get3A_1288, %get3A_1289, %get3A_1290] : memref<32x400x128xf32, #tpu.memory_space<vmem>>, vector<1x400x32xf32>
    %get3A_1292 = vector.shape_cast %get3A_1291 : vector<1x400x32xf32> to vector<400x32xf32>
    %get3A_1293 = arith.constant 18 : index
    %get3A_1294 = arith.constant 0 : index
    %get3A_1295 = arith.constant 32 : index
    %get3A_1296 = vector.load %arg1[%get3A_1293, %get3A_1294, %get3A_1295] : memref<32x400x128xf32, #tpu.memory_space<vmem>>, vector<1x400x1xf32>
    %get3A_1297 = vector.shape_cast %get3A_1296 : vector<1x400x1xf32> to vector<400x1xf32>
    %sub3A_1298 = arith.subf %get3A_1297, %get3A_1 : vector<400x1xf32>
    %get3A_1299 = arith.constant 18 : index
    %get3A_1300 = arith.constant 0 : index
    %get3A_1301 = arith.constant 33 : index
    %get3A_1302 = vector.load %arg1[%get3A_1299, %get3A_1300, %get3A_1301] : memref<32x400x128xf32, #tpu.memory_space<vmem>>, vector<1x400x1xf32>
    %get3A_1303 = vector.shape_cast %get3A_1302 : vector<1x400x1xf32> to vector<400x1xf32>
    %sub3A_1304 = arith.subf %get3A_1303, %get3A_4 : vector<400x1xf32>
    %get3A_1305 = arith.constant 18 : index
    %get3A_1306 = arith.constant 0 : index
    %get3A_1307 = arith.constant 34 : index
    %get3A_1308 = vector.load %arg1[%get3A_1305, %get3A_1306, %get3A_1307] : memref<32x400x128xf32, #tpu.memory_space<vmem>>, vector<1x400x1xf32>
    %get3A_1309 = vector.shape_cast %get3A_1308 : vector<1x400x1xf32> to vector<400x1xf32>
    %sub3A_1310 = arith.subf %get3A_1309, %get3A_7 : vector<400x1xf32>
    %sub3A_1311 = vector.broadcast %sub3A_1298 : vector<400x1xf32> to vector<400x15xf32>
    %sub3A_1312 = vector.broadcast %get3A_10 : vector<1x15xf32> to vector<400x15xf32>
    %sub3A_1313 = arith.subf %sub3A_1311, %sub3A_1312 : vector<400x15xf32>
    %sub3A_1314 = vector.broadcast %sub3A_1304 : vector<400x1xf32> to vector<400x15xf32>
    %sub3A_1315 = vector.broadcast %get3A_13 : vector<1x15xf32> to vector<400x15xf32>
    %sub3A_1316 = arith.subf %sub3A_1314, %sub3A_1315 : vector<400x15xf32>
    %sub3A_1317 = vector.broadcast %sub3A_1310 : vector<400x1xf32> to vector<400x15xf32>
    %sub3A_1318 = vector.broadcast %get3A_16 : vector<1x15xf32> to vector<400x15xf32>
    %sub3A_1319 = arith.subf %sub3A_1317, %sub3A_1318 : vector<400x15xf32>
    %mul3A_1320 = arith.mulf %sub3A_1313, %sub3A_1313 : vector<400x15xf32>
    %mul3A_1321 = arith.mulf %sub3A_1316, %sub3A_1316 : vector<400x15xf32>
    %add3A_1322 = arith.addf %mul3A_1320, %mul3A_1321 : vector<400x15xf32>
    %mul3A_1323 = arith.mulf %sub3A_1319, %sub3A_1319 : vector<400x15xf32>
    %add3A_1324 = arith.addf %add3A_1322, %mul3A_1323 : vector<400x15xf32>
    %sqrt3A_1325 = math.sqrt %add3A_1324 : vector<400x15xf32>
    %mul3A_1326 = arith.constant 1.33333337 : f32
    %mul3A_1327 = vector.broadcast %mul3A_1326 : f32 to vector<400x15xf32>
    %mul3A_1328 = arith.mulf %sqrt3A_1325, %mul3A_1327 : vector<400x15xf32>
    %sub3A_1329 = arith.constant 1.000000e+00 : f32
    %sub3A_1330 = vector.broadcast %sub3A_1329 : f32 to vector<400x15xf32>
    %sub3A_1331 = arith.subf %sub3A_1330, %mul3A_1328 : vector<400x15xf32>
    %max3A_1332 = arith.constant 0.000000e+00 : f32
    %max3A_1333 = vector.broadcast %max3A_1332 : f32 to vector<400x15xf32>
    %max3A_1334 = arith.maximumf %sub3A_1331, %max3A_1333 : vector<400x15xf32>
    %get3A_1335 = arith.constant 0 : index
    %get3A_1336 = arith.constant 0 : index
    %get3A_1337 = vector.load %arg4[%get3A_1335, %get3A_1336] : memref<15x480xf32, #tpu.memory_space<vmem>>, vector<15x480xf32>
    %dot_general3A_1338 = arith.constant dense<0.000000e+00> : vector<400x480xf32>
    %dot_general3A_1339 = tpu.matmul %max3A_1334, %get3A_1337, %dot_general3A_1338 {dimension_numbers = #tpu.dot_dimension_numbers<[1], [0], [0], [1], [0, 0, 1, 1], [], []>, transpose_lhs_hint = false} : vector<400x15xf32>, vector<15x480xf32>, vector<400x480xf32> -> vector<400x480xf32>
    %get3A_1340 = arith.constant 0 : index
    %get3A_1341 = arith.constant 0 : index
    %get3A_1342 = vector.load %arg5[%get3A_1340, %get3A_1341] : memref<32x480xf32, #tpu.memory_space<vmem>>, vector<32x480xf32>
    %dot_general3A_1343 = arith.constant dense<0.000000e+00> : vector<400x480xf32>
    %dot_general3A_1344 = tpu.matmul %get3A_1292, %get3A_1342, %dot_general3A_1343 {dimension_numbers = #tpu.dot_dimension_numbers<[1], [0], [0], [1], [0, 0, 1, 1], [], []>, transpose_lhs_hint = false} : vector<400x32xf32>, vector<32x480xf32>, vector<400x480xf32> -> vector<400x480xf32>
    %mul3A_1345 = arith.mulf %dot_general3A_1339, %dot_general3A_1344 : vector<400x480xf32>
    %add3A_1346 = arith.addf %add3A_1275, %mul3A_1345 : vector<400x480xf32>
    %reduce_sum3A_1347 = arith.constant dense<0.000000e+00> : vector<400xf32>
    %reduce_sum3A_1348 = vector.multi_reduction <add>, %get3A_1292, %reduce_sum3A_1347 [1] : vector<400x32xf32> to vector<400xf32>
    %broadcast_in_dim3A_1349 = vector.shape_cast %reduce_sum3A_1348 : vector<400xf32> to vector<400x1xf32>
    %gt3A_1350 = arith.constant 0.000000e+00 : f32
    %gt3A_1351 = vector.broadcast %gt3A_1350 : f32 to vector<400x1xf32>
    %gt3A_1352 = arith.cmpf ogt, %broadcast_in_dim3A_1349, %gt3A_1351 : vector<400x1xf32>
    %jit3A_1353 = arith.constant 1.000000e+00 : f32
    %jit3A_1354 = arith.constant 0.000000e+00 : f32
    %broadcast_in_dim3A_1355 = vector.broadcast %jit3A_1353 : f32 to vector<400x1xf32>
    %broadcast_in_dim3A_1356 = vector.broadcast %jit3A_1354 : f32 to vector<400x1xf32>
    %select_n3A_1357 = arith.select %gt3A_1352, %broadcast_in_dim3A_1355, %broadcast_in_dim3A_1356 : vector<400x1xi1>, vector<400x1xf32>
    %add3A_1358 = arith.addf %add3A_1287, %select_n3A_1357 : vector<400x1xf32>
    %get3A_1359 = arith.constant 19 : index
    %get3A_1360 = arith.constant 0 : index
    %get3A_1361 = arith.constant 0 : index
    %get3A_1362 = vector.load %arg1[%get3A_1359, %get3A_1360, %get3A_1361] : memref<32x400x128xf32, #tpu.memory_space<vmem>>, vector<1x400x32xf32>
    %get3A_1363 = vector.shape_cast %get3A_1362 : vector<1x400x32xf32> to vector<400x32xf32>
    %get3A_1364 = arith.constant 19 : index
    %get3A_1365 = arith.constant 0 : index
    %get3A_1366 = arith.constant 32 : index
    %get3A_1367 = vector.load %arg1[%get3A_1364, %get3A_1365, %get3A_1366] : memref<32x400x128xf32, #tpu.memory_space<vmem>>, vector<1x400x1xf32>
    %get3A_1368 = vector.shape_cast %get3A_1367 : vector<1x400x1xf32> to vector<400x1xf32>
    %sub3A_1369 = arith.subf %get3A_1368, %get3A_1 : vector<400x1xf32>
    %get3A_1370 = arith.constant 19 : index
    %get3A_1371 = arith.constant 0 : index
    %get3A_1372 = arith.constant 33 : index
    %get3A_1373 = vector.load %arg1[%get3A_1370, %get3A_1371, %get3A_1372] : memref<32x400x128xf32, #tpu.memory_space<vmem>>, vector<1x400x1xf32>
    %get3A_1374 = vector.shape_cast %get3A_1373 : vector<1x400x1xf32> to vector<400x1xf32>
    %sub3A_1375 = arith.subf %get3A_1374, %get3A_4 : vector<400x1xf32>
    %get3A_1376 = arith.constant 19 : index
    %get3A_1377 = arith.constant 0 : index
    %get3A_1378 = arith.constant 34 : index
    %get3A_1379 = vector.load %arg1[%get3A_1376, %get3A_1377, %get3A_1378] : memref<32x400x128xf32, #tpu.memory_space<vmem>>, vector<1x400x1xf32>
    %get3A_1380 = vector.shape_cast %get3A_1379 : vector<1x400x1xf32> to vector<400x1xf32>
    %sub3A_1381 = arith.subf %get3A_1380, %get3A_7 : vector<400x1xf32>
    %sub3A_1382 = vector.broadcast %sub3A_1369 : vector<400x1xf32> to vector<400x15xf32>
    %sub3A_1383 = vector.broadcast %get3A_10 : vector<1x15xf32> to vector<400x15xf32>
    %sub3A_1384 = arith.subf %sub3A_1382, %sub3A_1383 : vector<400x15xf32>
    %sub3A_1385 = vector.broadcast %sub3A_1375 : vector<400x1xf32> to vector<400x15xf32>
    %sub3A_1386 = vector.broadcast %get3A_13 : vector<1x15xf32> to vector<400x15xf32>
    %sub3A_1387 = arith.subf %sub3A_1385, %sub3A_1386 : vector<400x15xf32>
    %sub3A_1388 = vector.broadcast %sub3A_1381 : vector<400x1xf32> to vector<400x15xf32>
    %sub3A_1389 = vector.broadcast %get3A_16 : vector<1x15xf32> to vector<400x15xf32>
    %sub3A_1390 = arith.subf %sub3A_1388, %sub3A_1389 : vector<400x15xf32>
    %mul3A_1391 = arith.mulf %sub3A_1384, %sub3A_1384 : vector<400x15xf32>
    %mul3A_1392 = arith.mulf %sub3A_1387, %sub3A_1387 : vector<400x15xf32>
    %add3A_1393 = arith.addf %mul3A_1391, %mul3A_1392 : vector<400x15xf32>
    %mul3A_1394 = arith.mulf %sub3A_1390, %sub3A_1390 : vector<400x15xf32>
    %add3A_1395 = arith.addf %add3A_1393, %mul3A_1394 : vector<400x15xf32>
    %sqrt3A_1396 = math.sqrt %add3A_1395 : vector<400x15xf32>
    %mul3A_1397 = arith.constant 1.33333337 : f32
    %mul3A_1398 = vector.broadcast %mul3A_1397 : f32 to vector<400x15xf32>
    %mul3A_1399 = arith.mulf %sqrt3A_1396, %mul3A_1398 : vector<400x15xf32>
    %sub3A_1400 = arith.constant 1.000000e+00 : f32
    %sub3A_1401 = vector.broadcast %sub3A_1400 : f32 to vector<400x15xf32>
    %sub3A_1402 = arith.subf %sub3A_1401, %mul3A_1399 : vector<400x15xf32>
    %max3A_1403 = arith.constant 0.000000e+00 : f32
    %max3A_1404 = vector.broadcast %max3A_1403 : f32 to vector<400x15xf32>
    %max3A_1405 = arith.maximumf %sub3A_1402, %max3A_1404 : vector<400x15xf32>
    %get3A_1406 = arith.constant 0 : index
    %get3A_1407 = arith.constant 0 : index
    %get3A_1408 = vector.load %arg4[%get3A_1406, %get3A_1407] : memref<15x480xf32, #tpu.memory_space<vmem>>, vector<15x480xf32>
    %dot_general3A_1409 = arith.constant dense<0.000000e+00> : vector<400x480xf32>
    %dot_general3A_1410 = tpu.matmul %max3A_1405, %get3A_1408, %dot_general3A_1409 {dimension_numbers = #tpu.dot_dimension_numbers<[1], [0], [0], [1], [0, 0, 1, 1], [], []>, transpose_lhs_hint = false} : vector<400x15xf32>, vector<15x480xf32>, vector<400x480xf32> -> vector<400x480xf32>
    %get3A_1411 = arith.constant 0 : index
    %get3A_1412 = arith.constant 0 : index
    %get3A_1413 = vector.load %arg5[%get3A_1411, %get3A_1412] : memref<32x480xf32, #tpu.memory_space<vmem>>, vector<32x480xf32>
    %dot_general3A_1414 = arith.constant dense<0.000000e+00> : vector<400x480xf32>
    %dot_general3A_1415 = tpu.matmul %get3A_1363, %get3A_1413, %dot_general3A_1414 {dimension_numbers = #tpu.dot_dimension_numbers<[1], [0], [0], [1], [0, 0, 1, 1], [], []>, transpose_lhs_hint = false} : vector<400x32xf32>, vector<32x480xf32>, vector<400x480xf32> -> vector<400x480xf32>
    %mul3A_1416 = arith.mulf %dot_general3A_1410, %dot_general3A_1415 : vector<400x480xf32>
    %add3A_1417 = arith.addf %add3A_1346, %mul3A_1416 : vector<400x480xf32>
    %reduce_sum3A_1418 = arith.constant dense<0.000000e+00> : vector<400xf32>
    %reduce_sum3A_1419 = vector.multi_reduction <add>, %get3A_1363, %reduce_sum3A_1418 [1] : vector<400x32xf32> to vector<400xf32>
    %broadcast_in_dim3A_1420 = vector.shape_cast %reduce_sum3A_1419 : vector<400xf32> to vector<400x1xf32>
    %gt3A_1421 = arith.constant 0.000000e+00 : f32
    %gt3A_1422 = vector.broadcast %gt3A_1421 : f32 to vector<400x1xf32>
    %gt3A_1423 = arith.cmpf ogt, %broadcast_in_dim3A_1420, %gt3A_1422 : vector<400x1xf32>
    %jit3A_1424 = arith.constant 1.000000e+00 : f32
    %jit3A_1425 = arith.constant 0.000000e+00 : f32
    %broadcast_in_dim3A_1426 = vector.broadcast %jit3A_1424 : f32 to vector<400x1xf32>
    %broadcast_in_dim3A_1427 = vector.broadcast %jit3A_1425 : f32 to vector<400x1xf32>
    %select_n3A_1428 = arith.select %gt3A_1423, %broadcast_in_dim3A_1426, %broadcast_in_dim3A_1427 : vector<400x1xi1>, vector<400x1xf32>
    %add3A_1429 = arith.addf %add3A_1358, %select_n3A_1428 : vector<400x1xf32>
    %get3A_1430 = arith.constant 20 : index
    %get3A_1431 = arith.constant 0 : index
    %get3A_1432 = arith.constant 0 : index
    %get3A_1433 = vector.load %arg1[%get3A_1430, %get3A_1431, %get3A_1432] : memref<32x400x128xf32, #tpu.memory_space<vmem>>, vector<1x400x32xf32>
    %get3A_1434 = vector.shape_cast %get3A_1433 : vector<1x400x32xf32> to vector<400x32xf32>
    %get3A_1435 = arith.constant 20 : index
    %get3A_1436 = arith.constant 0 : index
    %get3A_1437 = arith.constant 32 : index
    %get3A_1438 = vector.load %arg1[%get3A_1435, %get3A_1436, %get3A_1437] : memref<32x400x128xf32, #tpu.memory_space<vmem>>, vector<1x400x1xf32>
    %get3A_1439 = vector.shape_cast %get3A_1438 : vector<1x400x1xf32> to vector<400x1xf32>
    %sub3A_1440 = arith.subf %get3A_1439, %get3A_1 : vector<400x1xf32>
    %get3A_1441 = arith.constant 20 : index
    %get3A_1442 = arith.constant 0 : index
    %get3A_1443 = arith.constant 33 : index
    %get3A_1444 = vector.load %arg1[%get3A_1441, %get3A_1442, %get3A_1443] : memref<32x400x128xf32, #tpu.memory_space<vmem>>, vector<1x400x1xf32>
    %get3A_1445 = vector.shape_cast %get3A_1444 : vector<1x400x1xf32> to vector<400x1xf32>
    %sub3A_1446 = arith.subf %get3A_1445, %get3A_4 : vector<400x1xf32>
    %get3A_1447 = arith.constant 20 : index
    %get3A_1448 = arith.constant 0 : index
    %get3A_1449 = arith.constant 34 : index
    %get3A_1450 = vector.load %arg1[%get3A_1447, %get3A_1448, %get3A_1449] : memref<32x400x128xf32, #tpu.memory_space<vmem>>, vector<1x400x1xf32>
    %get3A_1451 = vector.shape_cast %get3A_1450 : vector<1x400x1xf32> to vector<400x1xf32>
    %sub3A_1452 = arith.subf %get3A_1451, %get3A_7 : vector<400x1xf32>
    %sub3A_1453 = vector.broadcast %sub3A_1440 : vector<400x1xf32> to vector<400x15xf32>
    %sub3A_1454 = vector.broadcast %get3A_10 : vector<1x15xf32> to vector<400x15xf32>
    %sub3A_1455 = arith.subf %sub3A_1453, %sub3A_1454 : vector<400x15xf32>
    %sub3A_1456 = vector.broadcast %sub3A_1446 : vector<400x1xf32> to vector<400x15xf32>
    %sub3A_1457 = vector.broadcast %get3A_13 : vector<1x15xf32> to vector<400x15xf32>
    %sub3A_1458 = arith.subf %sub3A_1456, %sub3A_1457 : vector<400x15xf32>
    %sub3A_1459 = vector.broadcast %sub3A_1452 : vector<400x1xf32> to vector<400x15xf32>
    %sub3A_1460 = vector.broadcast %get3A_16 : vector<1x15xf32> to vector<400x15xf32>
    %sub3A_1461 = arith.subf %sub3A_1459, %sub3A_1460 : vector<400x15xf32>
    %mul3A_1462 = arith.mulf %sub3A_1455, %sub3A_1455 : vector<400x15xf32>
    %mul3A_1463 = arith.mulf %sub3A_1458, %sub3A_1458 : vector<400x15xf32>
    %add3A_1464 = arith.addf %mul3A_1462, %mul3A_1463 : vector<400x15xf32>
    %mul3A_1465 = arith.mulf %sub3A_1461, %sub3A_1461 : vector<400x15xf32>
    %add3A_1466 = arith.addf %add3A_1464, %mul3A_1465 : vector<400x15xf32>
    %sqrt3A_1467 = math.sqrt %add3A_1466 : vector<400x15xf32>
    %mul3A_1468 = arith.constant 1.33333337 : f32
    %mul3A_1469 = vector.broadcast %mul3A_1468 : f32 to vector<400x15xf32>
    %mul3A_1470 = arith.mulf %sqrt3A_1467, %mul3A_1469 : vector<400x15xf32>
    %sub3A_1471 = arith.constant 1.000000e+00 : f32
    %sub3A_1472 = vector.broadcast %sub3A_1471 : f32 to vector<400x15xf32>
    %sub3A_1473 = arith.subf %sub3A_1472, %mul3A_1470 : vector<400x15xf32>
    %max3A_1474 = arith.constant 0.000000e+00 : f32
    %max3A_1475 = vector.broadcast %max3A_1474 : f32 to vector<400x15xf32>
    %max3A_1476 = arith.maximumf %sub3A_1473, %max3A_1475 : vector<400x15xf32>
    %get3A_1477 = arith.constant 0 : index
    %get3A_1478 = arith.constant 0 : index
    %get3A_1479 = vector.load %arg4[%get3A_1477, %get3A_1478] : memref<15x480xf32, #tpu.memory_space<vmem>>, vector<15x480xf32>
    %dot_general3A_1480 = arith.constant dense<0.000000e+00> : vector<400x480xf32>
    %dot_general3A_1481 = tpu.matmul %max3A_1476, %get3A_1479, %dot_general3A_1480 {dimension_numbers = #tpu.dot_dimension_numbers<[1], [0], [0], [1], [0, 0, 1, 1], [], []>, transpose_lhs_hint = false} : vector<400x15xf32>, vector<15x480xf32>, vector<400x480xf32> -> vector<400x480xf32>
    %get3A_1482 = arith.constant 0 : index
    %get3A_1483 = arith.constant 0 : index
    %get3A_1484 = vector.load %arg5[%get3A_1482, %get3A_1483] : memref<32x480xf32, #tpu.memory_space<vmem>>, vector<32x480xf32>
    %dot_general3A_1485 = arith.constant dense<0.000000e+00> : vector<400x480xf32>
    %dot_general3A_1486 = tpu.matmul %get3A_1434, %get3A_1484, %dot_general3A_1485 {dimension_numbers = #tpu.dot_dimension_numbers<[1], [0], [0], [1], [0, 0, 1, 1], [], []>, transpose_lhs_hint = false} : vector<400x32xf32>, vector<32x480xf32>, vector<400x480xf32> -> vector<400x480xf32>
    %mul3A_1487 = arith.mulf %dot_general3A_1481, %dot_general3A_1486 : vector<400x480xf32>
    %add3A_1488 = arith.addf %add3A_1417, %mul3A_1487 : vector<400x480xf32>
    %reduce_sum3A_1489 = arith.constant dense<0.000000e+00> : vector<400xf32>
    %reduce_sum3A_1490 = vector.multi_reduction <add>, %get3A_1434, %reduce_sum3A_1489 [1] : vector<400x32xf32> to vector<400xf32>
    %broadcast_in_dim3A_1491 = vector.shape_cast %reduce_sum3A_1490 : vector<400xf32> to vector<400x1xf32>
    %gt3A_1492 = arith.constant 0.000000e+00 : f32
    %gt3A_1493 = vector.broadcast %gt3A_1492 : f32 to vector<400x1xf32>
    %gt3A_1494 = arith.cmpf ogt, %broadcast_in_dim3A_1491, %gt3A_1493 : vector<400x1xf32>
    %jit3A_1495 = arith.constant 1.000000e+00 : f32
    %jit3A_1496 = arith.constant 0.000000e+00 : f32
    %broadcast_in_dim3A_1497 = vector.broadcast %jit3A_1495 : f32 to vector<400x1xf32>
    %broadcast_in_dim3A_1498 = vector.broadcast %jit3A_1496 : f32 to vector<400x1xf32>
    %select_n3A_1499 = arith.select %gt3A_1494, %broadcast_in_dim3A_1497, %broadcast_in_dim3A_1498 : vector<400x1xi1>, vector<400x1xf32>
    %add3A_1500 = arith.addf %add3A_1429, %select_n3A_1499 : vector<400x1xf32>
    %get3A_1501 = arith.constant 21 : index
    %get3A_1502 = arith.constant 0 : index
    %get3A_1503 = arith.constant 0 : index
    %get3A_1504 = vector.load %arg1[%get3A_1501, %get3A_1502, %get3A_1503] : memref<32x400x128xf32, #tpu.memory_space<vmem>>, vector<1x400x32xf32>
    %get3A_1505 = vector.shape_cast %get3A_1504 : vector<1x400x32xf32> to vector<400x32xf32>
    %get3A_1506 = arith.constant 21 : index
    %get3A_1507 = arith.constant 0 : index
    %get3A_1508 = arith.constant 32 : index
    %get3A_1509 = vector.load %arg1[%get3A_1506, %get3A_1507, %get3A_1508] : memref<32x400x128xf32, #tpu.memory_space<vmem>>, vector<1x400x1xf32>
    %get3A_1510 = vector.shape_cast %get3A_1509 : vector<1x400x1xf32> to vector<400x1xf32>
    %sub3A_1511 = arith.subf %get3A_1510, %get3A_1 : vector<400x1xf32>
    %get3A_1512 = arith.constant 21 : index
    %get3A_1513 = arith.constant 0 : index
    %get3A_1514 = arith.constant 33 : index
    %get3A_1515 = vector.load %arg1[%get3A_1512, %get3A_1513, %get3A_1514] : memref<32x400x128xf32, #tpu.memory_space<vmem>>, vector<1x400x1xf32>
    %get3A_1516 = vector.shape_cast %get3A_1515 : vector<1x400x1xf32> to vector<400x1xf32>
    %sub3A_1517 = arith.subf %get3A_1516, %get3A_4 : vector<400x1xf32>
    %get3A_1518 = arith.constant 21 : index
    %get3A_1519 = arith.constant 0 : index
    %get3A_1520 = arith.constant 34 : index
    %get3A_1521 = vector.load %arg1[%get3A_1518, %get3A_1519, %get3A_1520] : memref<32x400x128xf32, #tpu.memory_space<vmem>>, vector<1x400x1xf32>
    %get3A_1522 = vector.shape_cast %get3A_1521 : vector<1x400x1xf32> to vector<400x1xf32>
    %sub3A_1523 = arith.subf %get3A_1522, %get3A_7 : vector<400x1xf32>
    %sub3A_1524 = vector.broadcast %sub3A_1511 : vector<400x1xf32> to vector<400x15xf32>
    %sub3A_1525 = vector.broadcast %get3A_10 : vector<1x15xf32> to vector<400x15xf32>
    %sub3A_1526 = arith.subf %sub3A_1524, %sub3A_1525 : vector<400x15xf32>
    %sub3A_1527 = vector.broadcast %sub3A_1517 : vector<400x1xf32> to vector<400x15xf32>
    %sub3A_1528 = vector.broadcast %get3A_13 : vector<1x15xf32> to vector<400x15xf32>
    %sub3A_1529 = arith.subf %sub3A_1527, %sub3A_1528 : vector<400x15xf32>
    %sub3A_1530 = vector.broadcast %sub3A_1523 : vector<400x1xf32> to vector<400x15xf32>
    %sub3A_1531 = vector.broadcast %get3A_16 : vector<1x15xf32> to vector<400x15xf32>
    %sub3A_1532 = arith.subf %sub3A_1530, %sub3A_1531 : vector<400x15xf32>
    %mul3A_1533 = arith.mulf %sub3A_1526, %sub3A_1526 : vector<400x15xf32>
    %mul3A_1534 = arith.mulf %sub3A_1529, %sub3A_1529 : vector<400x15xf32>
    %add3A_1535 = arith.addf %mul3A_1533, %mul3A_1534 : vector<400x15xf32>
    %mul3A_1536 = arith.mulf %sub3A_1532, %sub3A_1532 : vector<400x15xf32>
    %add3A_1537 = arith.addf %add3A_1535, %mul3A_1536 : vector<400x15xf32>
    %sqrt3A_1538 = math.sqrt %add3A_1537 : vector<400x15xf32>
    %mul3A_1539 = arith.constant 1.33333337 : f32
    %mul3A_1540 = vector.broadcast %mul3A_1539 : f32 to vector<400x15xf32>
    %mul3A_1541 = arith.mulf %sqrt3A_1538, %mul3A_1540 : vector<400x15xf32>
    %sub3A_1542 = arith.constant 1.000000e+00 : f32
    %sub3A_1543 = vector.broadcast %sub3A_1542 : f32 to vector<400x15xf32>
    %sub3A_1544 = arith.subf %sub3A_1543, %mul3A_1541 : vector<400x15xf32>
    %max3A_1545 = arith.constant 0.000000e+00 : f32
    %max3A_1546 = vector.broadcast %max3A_1545 : f32 to vector<400x15xf32>
    %max3A_1547 = arith.maximumf %sub3A_1544, %max3A_1546 : vector<400x15xf32>
    %get3A_1548 = arith.constant 0 : index
    %get3A_1549 = arith.constant 0 : index
    %get3A_1550 = vector.load %arg4[%get3A_1548, %get3A_1549] : memref<15x480xf32, #tpu.memory_space<vmem>>, vector<15x480xf32>
    %dot_general3A_1551 = arith.constant dense<0.000000e+00> : vector<400x480xf32>
    %dot_general3A_1552 = tpu.matmul %max3A_1547, %get3A_1550, %dot_general3A_1551 {dimension_numbers = #tpu.dot_dimension_numbers<[1], [0], [0], [1], [0, 0, 1, 1], [], []>, transpose_lhs_hint = false} : vector<400x15xf32>, vector<15x480xf32>, vector<400x480xf32> -> vector<400x480xf32>
    %get3A_1553 = arith.constant 0 : index
    %get3A_1554 = arith.constant 0 : index
    %get3A_1555 = vector.load %arg5[%get3A_1553, %get3A_1554] : memref<32x480xf32, #tpu.memory_space<vmem>>, vector<32x480xf32>
    %dot_general3A_1556 = arith.constant dense<0.000000e+00> : vector<400x480xf32>
    %dot_general3A_1557 = tpu.matmul %get3A_1505, %get3A_1555, %dot_general3A_1556 {dimension_numbers = #tpu.dot_dimension_numbers<[1], [0], [0], [1], [0, 0, 1, 1], [], []>, transpose_lhs_hint = false} : vector<400x32xf32>, vector<32x480xf32>, vector<400x480xf32> -> vector<400x480xf32>
    %mul3A_1558 = arith.mulf %dot_general3A_1552, %dot_general3A_1557 : vector<400x480xf32>
    %add3A_1559 = arith.addf %add3A_1488, %mul3A_1558 : vector<400x480xf32>
    %reduce_sum3A_1560 = arith.constant dense<0.000000e+00> : vector<400xf32>
    %reduce_sum3A_1561 = vector.multi_reduction <add>, %get3A_1505, %reduce_sum3A_1560 [1] : vector<400x32xf32> to vector<400xf32>
    %broadcast_in_dim3A_1562 = vector.shape_cast %reduce_sum3A_1561 : vector<400xf32> to vector<400x1xf32>
    %gt3A_1563 = arith.constant 0.000000e+00 : f32
    %gt3A_1564 = vector.broadcast %gt3A_1563 : f32 to vector<400x1xf32>
    %gt3A_1565 = arith.cmpf ogt, %broadcast_in_dim3A_1562, %gt3A_1564 : vector<400x1xf32>
    %jit3A_1566 = arith.constant 1.000000e+00 : f32
    %jit3A_1567 = arith.constant 0.000000e+00 : f32
    %broadcast_in_dim3A_1568 = vector.broadcast %jit3A_1566 : f32 to vector<400x1xf32>
    %broadcast_in_dim3A_1569 = vector.broadcast %jit3A_1567 : f32 to vector<400x1xf32>
    %select_n3A_1570 = arith.select %gt3A_1565, %broadcast_in_dim3A_1568, %broadcast_in_dim3A_1569 : vector<400x1xi1>, vector<400x1xf32>
    %add3A_1571 = arith.addf %add3A_1500, %select_n3A_1570 : vector<400x1xf32>
    %get3A_1572 = arith.constant 22 : index
    %get3A_1573 = arith.constant 0 : index
    %get3A_1574 = arith.constant 0 : index
    %get3A_1575 = vector.load %arg1[%get3A_1572, %get3A_1573, %get3A_1574] : memref<32x400x128xf32, #tpu.memory_space<vmem>>, vector<1x400x32xf32>
    %get3A_1576 = vector.shape_cast %get3A_1575 : vector<1x400x32xf32> to vector<400x32xf32>
    %get3A_1577 = arith.constant 22 : index
    %get3A_1578 = arith.constant 0 : index
    %get3A_1579 = arith.constant 32 : index
    %get3A_1580 = vector.load %arg1[%get3A_1577, %get3A_1578, %get3A_1579] : memref<32x400x128xf32, #tpu.memory_space<vmem>>, vector<1x400x1xf32>
    %get3A_1581 = vector.shape_cast %get3A_1580 : vector<1x400x1xf32> to vector<400x1xf32>
    %sub3A_1582 = arith.subf %get3A_1581, %get3A_1 : vector<400x1xf32>
    %get3A_1583 = arith.constant 22 : index
    %get3A_1584 = arith.constant 0 : index
    %get3A_1585 = arith.constant 33 : index
    %get3A_1586 = vector.load %arg1[%get3A_1583, %get3A_1584, %get3A_1585] : memref<32x400x128xf32, #tpu.memory_space<vmem>>, vector<1x400x1xf32>
    %get3A_1587 = vector.shape_cast %get3A_1586 : vector<1x400x1xf32> to vector<400x1xf32>
    %sub3A_1588 = arith.subf %get3A_1587, %get3A_4 : vector<400x1xf32>
    %get3A_1589 = arith.constant 22 : index
    %get3A_1590 = arith.constant 0 : index
    %get3A_1591 = arith.constant 34 : index
    %get3A_1592 = vector.load %arg1[%get3A_1589, %get3A_1590, %get3A_1591] : memref<32x400x128xf32, #tpu.memory_space<vmem>>, vector<1x400x1xf32>
    %get3A_1593 = vector.shape_cast %get3A_1592 : vector<1x400x1xf32> to vector<400x1xf32>
    %sub3A_1594 = arith.subf %get3A_1593, %get3A_7 : vector<400x1xf32>
    %sub3A_1595 = vector.broadcast %sub3A_1582 : vector<400x1xf32> to vector<400x15xf32>
    %sub3A_1596 = vector.broadcast %get3A_10 : vector<1x15xf32> to vector<400x15xf32>
    %sub3A_1597 = arith.subf %sub3A_1595, %sub3A_1596 : vector<400x15xf32>
    %sub3A_1598 = vector.broadcast %sub3A_1588 : vector<400x1xf32> to vector<400x15xf32>
    %sub3A_1599 = vector.broadcast %get3A_13 : vector<1x15xf32> to vector<400x15xf32>
    %sub3A_1600 = arith.subf %sub3A_1598, %sub3A_1599 : vector<400x15xf32>
    %sub3A_1601 = vector.broadcast %sub3A_1594 : vector<400x1xf32> to vector<400x15xf32>
    %sub3A_1602 = vector.broadcast %get3A_16 : vector<1x15xf32> to vector<400x15xf32>
    %sub3A_1603 = arith.subf %sub3A_1601, %sub3A_1602 : vector<400x15xf32>
    %mul3A_1604 = arith.mulf %sub3A_1597, %sub3A_1597 : vector<400x15xf32>
    %mul3A_1605 = arith.mulf %sub3A_1600, %sub3A_1600 : vector<400x15xf32>
    %add3A_1606 = arith.addf %mul3A_1604, %mul3A_1605 : vector<400x15xf32>
    %mul3A_1607 = arith.mulf %sub3A_1603, %sub3A_1603 : vector<400x15xf32>
    %add3A_1608 = arith.addf %add3A_1606, %mul3A_1607 : vector<400x15xf32>
    %sqrt3A_1609 = math.sqrt %add3A_1608 : vector<400x15xf32>
    %mul3A_1610 = arith.constant 1.33333337 : f32
    %mul3A_1611 = vector.broadcast %mul3A_1610 : f32 to vector<400x15xf32>
    %mul3A_1612 = arith.mulf %sqrt3A_1609, %mul3A_1611 : vector<400x15xf32>
    %sub3A_1613 = arith.constant 1.000000e+00 : f32
    %sub3A_1614 = vector.broadcast %sub3A_1613 : f32 to vector<400x15xf32>
    %sub3A_1615 = arith.subf %sub3A_1614, %mul3A_1612 : vector<400x15xf32>
    %max3A_1616 = arith.constant 0.000000e+00 : f32
    %max3A_1617 = vector.broadcast %max3A_1616 : f32 to vector<400x15xf32>
    %max3A_1618 = arith.maximumf %sub3A_1615, %max3A_1617 : vector<400x15xf32>
    %get3A_1619 = arith.constant 0 : index
    %get3A_1620 = arith.constant 0 : index
    %get3A_1621 = vector.load %arg4[%get3A_1619, %get3A_1620] : memref<15x480xf32, #tpu.memory_space<vmem>>, vector<15x480xf32>
    %dot_general3A_1622 = arith.constant dense<0.000000e+00> : vector<400x480xf32>
    %dot_general3A_1623 = tpu.matmul %max3A_1618, %get3A_1621, %dot_general3A_1622 {dimension_numbers = #tpu.dot_dimension_numbers<[1], [0], [0], [1], [0, 0, 1, 1], [], []>, transpose_lhs_hint = false} : vector<400x15xf32>, vector<15x480xf32>, vector<400x480xf32> -> vector<400x480xf32>
    %get3A_1624 = arith.constant 0 : index
    %get3A_1625 = arith.constant 0 : index
    %get3A_1626 = vector.load %arg5[%get3A_1624, %get3A_1625] : memref<32x480xf32, #tpu.memory_space<vmem>>, vector<32x480xf32>
    %dot_general3A_1627 = arith.constant dense<0.000000e+00> : vector<400x480xf32>
    %dot_general3A_1628 = tpu.matmul %get3A_1576, %get3A_1626, %dot_general3A_1627 {dimension_numbers = #tpu.dot_dimension_numbers<[1], [0], [0], [1], [0, 0, 1, 1], [], []>, transpose_lhs_hint = false} : vector<400x32xf32>, vector<32x480xf32>, vector<400x480xf32> -> vector<400x480xf32>
    %mul3A_1629 = arith.mulf %dot_general3A_1623, %dot_general3A_1628 : vector<400x480xf32>
    %add3A_1630 = arith.addf %add3A_1559, %mul3A_1629 : vector<400x480xf32>
    %reduce_sum3A_1631 = arith.constant dense<0.000000e+00> : vector<400xf32>
    %reduce_sum3A_1632 = vector.multi_reduction <add>, %get3A_1576, %reduce_sum3A_1631 [1] : vector<400x32xf32> to vector<400xf32>
    %broadcast_in_dim3A_1633 = vector.shape_cast %reduce_sum3A_1632 : vector<400xf32> to vector<400x1xf32>
    %gt3A_1634 = arith.constant 0.000000e+00 : f32
    %gt3A_1635 = vector.broadcast %gt3A_1634 : f32 to vector<400x1xf32>
    %gt3A_1636 = arith.cmpf ogt, %broadcast_in_dim3A_1633, %gt3A_1635 : vector<400x1xf32>
    %jit3A_1637 = arith.constant 1.000000e+00 : f32
    %jit3A_1638 = arith.constant 0.000000e+00 : f32
    %broadcast_in_dim3A_1639 = vector.broadcast %jit3A_1637 : f32 to vector<400x1xf32>
    %broadcast_in_dim3A_1640 = vector.broadcast %jit3A_1638 : f32 to vector<400x1xf32>
    %select_n3A_1641 = arith.select %gt3A_1636, %broadcast_in_dim3A_1639, %broadcast_in_dim3A_1640 : vector<400x1xi1>, vector<400x1xf32>
    %add3A_1642 = arith.addf %add3A_1571, %select_n3A_1641 : vector<400x1xf32>
    %get3A_1643 = arith.constant 23 : index
    %get3A_1644 = arith.constant 0 : index
    %get3A_1645 = arith.constant 0 : index
    %get3A_1646 = vector.load %arg1[%get3A_1643, %get3A_1644, %get3A_1645] : memref<32x400x128xf32, #tpu.memory_space<vmem>>, vector<1x400x32xf32>
    %get3A_1647 = vector.shape_cast %get3A_1646 : vector<1x400x32xf32> to vector<400x32xf32>
    %get3A_1648 = arith.constant 23 : index
    %get3A_1649 = arith.constant 0 : index
    %get3A_1650 = arith.constant 32 : index
    %get3A_1651 = vector.load %arg1[%get3A_1648, %get3A_1649, %get3A_1650] : memref<32x400x128xf32, #tpu.memory_space<vmem>>, vector<1x400x1xf32>
    %get3A_1652 = vector.shape_cast %get3A_1651 : vector<1x400x1xf32> to vector<400x1xf32>
    %sub3A_1653 = arith.subf %get3A_1652, %get3A_1 : vector<400x1xf32>
    %get3A_1654 = arith.constant 23 : index
    %get3A_1655 = arith.constant 0 : index
    %get3A_1656 = arith.constant 33 : index
    %get3A_1657 = vector.load %arg1[%get3A_1654, %get3A_1655, %get3A_1656] : memref<32x400x128xf32, #tpu.memory_space<vmem>>, vector<1x400x1xf32>
    %get3A_1658 = vector.shape_cast %get3A_1657 : vector<1x400x1xf32> to vector<400x1xf32>
    %sub3A_1659 = arith.subf %get3A_1658, %get3A_4 : vector<400x1xf32>
    %get3A_1660 = arith.constant 23 : index
    %get3A_1661 = arith.constant 0 : index
    %get3A_1662 = arith.constant 34 : index
    %get3A_1663 = vector.load %arg1[%get3A_1660, %get3A_1661, %get3A_1662] : memref<32x400x128xf32, #tpu.memory_space<vmem>>, vector<1x400x1xf32>
    %get3A_1664 = vector.shape_cast %get3A_1663 : vector<1x400x1xf32> to vector<400x1xf32>
    %sub3A_1665 = arith.subf %get3A_1664, %get3A_7 : vector<400x1xf32>
    %sub3A_1666 = vector.broadcast %sub3A_1653 : vector<400x1xf32> to vector<400x15xf32>
    %sub3A_1667 = vector.broadcast %get3A_10 : vector<1x15xf32> to vector<400x15xf32>
    %sub3A_1668 = arith.subf %sub3A_1666, %sub3A_1667 : vector<400x15xf32>
    %sub3A_1669 = vector.broadcast %sub3A_1659 : vector<400x1xf32> to vector<400x15xf32>
    %sub3A_1670 = vector.broadcast %get3A_13 : vector<1x15xf32> to vector<400x15xf32>
    %sub3A_1671 = arith.subf %sub3A_1669, %sub3A_1670 : vector<400x15xf32>
    %sub3A_1672 = vector.broadcast %sub3A_1665 : vector<400x1xf32> to vector<400x15xf32>
    %sub3A_1673 = vector.broadcast %get3A_16 : vector<1x15xf32> to vector<400x15xf32>
    %sub3A_1674 = arith.subf %sub3A_1672, %sub3A_1673 : vector<400x15xf32>
    %mul3A_1675 = arith.mulf %sub3A_1668, %sub3A_1668 : vector<400x15xf32>
    %mul3A_1676 = arith.mulf %sub3A_1671, %sub3A_1671 : vector<400x15xf32>
    %add3A_1677 = arith.addf %mul3A_1675, %mul3A_1676 : vector<400x15xf32>
    %mul3A_1678 = arith.mulf %sub3A_1674, %sub3A_1674 : vector<400x15xf32>
    %add3A_1679 = arith.addf %add3A_1677, %mul3A_1678 : vector<400x15xf32>
    %sqrt3A_1680 = math.sqrt %add3A_1679 : vector<400x15xf32>
    %mul3A_1681 = arith.constant 1.33333337 : f32
    %mul3A_1682 = vector.broadcast %mul3A_1681 : f32 to vector<400x15xf32>
    %mul3A_1683 = arith.mulf %sqrt3A_1680, %mul3A_1682 : vector<400x15xf32>
    %sub3A_1684 = arith.constant 1.000000e+00 : f32
    %sub3A_1685 = vector.broadcast %sub3A_1684 : f32 to vector<400x15xf32>
    %sub3A_1686 = arith.subf %sub3A_1685, %mul3A_1683 : vector<400x15xf32>
    %max3A_1687 = arith.constant 0.000000e+00 : f32
    %max3A_1688 = vector.broadcast %max3A_1687 : f32 to vector<400x15xf32>
    %max3A_1689 = arith.maximumf %sub3A_1686, %max3A_1688 : vector<400x15xf32>
    %get3A_1690 = arith.constant 0 : index
    %get3A_1691 = arith.constant 0 : index
    %get3A_1692 = vector.load %arg4[%get3A_1690, %get3A_1691] : memref<15x480xf32, #tpu.memory_space<vmem>>, vector<15x480xf32>
    %dot_general3A_1693 = arith.constant dense<0.000000e+00> : vector<400x480xf32>
    %dot_general3A_1694 = tpu.matmul %max3A_1689, %get3A_1692, %dot_general3A_1693 {dimension_numbers = #tpu.dot_dimension_numbers<[1], [0], [0], [1], [0, 0, 1, 1], [], []>, transpose_lhs_hint = false} : vector<400x15xf32>, vector<15x480xf32>, vector<400x480xf32> -> vector<400x480xf32>
    %get3A_1695 = arith.constant 0 : index
    %get3A_1696 = arith.constant 0 : index
    %get3A_1697 = vector.load %arg5[%get3A_1695, %get3A_1696] : memref<32x480xf32, #tpu.memory_space<vmem>>, vector<32x480xf32>
    %dot_general3A_1698 = arith.constant dense<0.000000e+00> : vector<400x480xf32>
    %dot_general3A_1699 = tpu.matmul %get3A_1647, %get3A_1697, %dot_general3A_1698 {dimension_numbers = #tpu.dot_dimension_numbers<[1], [0], [0], [1], [0, 0, 1, 1], [], []>, transpose_lhs_hint = false} : vector<400x32xf32>, vector<32x480xf32>, vector<400x480xf32> -> vector<400x480xf32>
    %mul3A_1700 = arith.mulf %dot_general3A_1694, %dot_general3A_1699 : vector<400x480xf32>
    %add3A_1701 = arith.addf %add3A_1630, %mul3A_1700 : vector<400x480xf32>
    %reduce_sum3A_1702 = arith.constant dense<0.000000e+00> : vector<400xf32>
    %reduce_sum3A_1703 = vector.multi_reduction <add>, %get3A_1647, %reduce_sum3A_1702 [1] : vector<400x32xf32> to vector<400xf32>
    %broadcast_in_dim3A_1704 = vector.shape_cast %reduce_sum3A_1703 : vector<400xf32> to vector<400x1xf32>
    %gt3A_1705 = arith.constant 0.000000e+00 : f32
    %gt3A_1706 = vector.broadcast %gt3A_1705 : f32 to vector<400x1xf32>
    %gt3A_1707 = arith.cmpf ogt, %broadcast_in_dim3A_1704, %gt3A_1706 : vector<400x1xf32>
    %jit3A_1708 = arith.constant 1.000000e+00 : f32
    %jit3A_1709 = arith.constant 0.000000e+00 : f32
    %broadcast_in_dim3A_1710 = vector.broadcast %jit3A_1708 : f32 to vector<400x1xf32>
    %broadcast_in_dim3A_1711 = vector.broadcast %jit3A_1709 : f32 to vector<400x1xf32>
    %select_n3A_1712 = arith.select %gt3A_1707, %broadcast_in_dim3A_1710, %broadcast_in_dim3A_1711 : vector<400x1xi1>, vector<400x1xf32>
    %add3A_1713 = arith.addf %add3A_1642, %select_n3A_1712 : vector<400x1xf32>
    %get3A_1714 = arith.constant 24 : index
    %get3A_1715 = arith.constant 0 : index
    %get3A_1716 = arith.constant 0 : index
    %get3A_1717 = vector.load %arg1[%get3A_1714, %get3A_1715, %get3A_1716] : memref<32x400x128xf32, #tpu.memory_space<vmem>>, vector<1x400x32xf32>
    %get3A_1718 = vector.shape_cast %get3A_1717 : vector<1x400x32xf32> to vector<400x32xf32>
    %get3A_1719 = arith.constant 24 : index
    %get3A_1720 = arith.constant 0 : index
    %get3A_1721 = arith.constant 32 : index
    %get3A_1722 = vector.load %arg1[%get3A_1719, %get3A_1720, %get3A_1721] : memref<32x400x128xf32, #tpu.memory_space<vmem>>, vector<1x400x1xf32>
    %get3A_1723 = vector.shape_cast %get3A_1722 : vector<1x400x1xf32> to vector<400x1xf32>
    %sub3A_1724 = arith.subf %get3A_1723, %get3A_1 : vector<400x1xf32>
    %get3A_1725 = arith.constant 24 : index
    %get3A_1726 = arith.constant 0 : index
    %get3A_1727 = arith.constant 33 : index
    %get3A_1728 = vector.load %arg1[%get3A_1725, %get3A_1726, %get3A_1727] : memref<32x400x128xf32, #tpu.memory_space<vmem>>, vector<1x400x1xf32>
    %get3A_1729 = vector.shape_cast %get3A_1728 : vector<1x400x1xf32> to vector<400x1xf32>
    %sub3A_1730 = arith.subf %get3A_1729, %get3A_4 : vector<400x1xf32>
    %get3A_1731 = arith.constant 24 : index
    %get3A_1732 = arith.constant 0 : index
    %get3A_1733 = arith.constant 34 : index
    %get3A_1734 = vector.load %arg1[%get3A_1731, %get3A_1732, %get3A_1733] : memref<32x400x128xf32, #tpu.memory_space<vmem>>, vector<1x400x1xf32>
    %get3A_1735 = vector.shape_cast %get3A_1734 : vector<1x400x1xf32> to vector<400x1xf32>
    %sub3A_1736 = arith.subf %get3A_1735, %get3A_7 : vector<400x1xf32>
    %sub3A_1737 = vector.broadcast %sub3A_1724 : vector<400x1xf32> to vector<400x15xf32>
    %sub3A_1738 = vector.broadcast %get3A_10 : vector<1x15xf32> to vector<400x15xf32>
    %sub3A_1739 = arith.subf %sub3A_1737, %sub3A_1738 : vector<400x15xf32>
    %sub3A_1740 = vector.broadcast %sub3A_1730 : vector<400x1xf32> to vector<400x15xf32>
    %sub3A_1741 = vector.broadcast %get3A_13 : vector<1x15xf32> to vector<400x15xf32>
    %sub3A_1742 = arith.subf %sub3A_1740, %sub3A_1741 : vector<400x15xf32>
    %sub3A_1743 = vector.broadcast %sub3A_1736 : vector<400x1xf32> to vector<400x15xf32>
    %sub3A_1744 = vector.broadcast %get3A_16 : vector<1x15xf32> to vector<400x15xf32>
    %sub3A_1745 = arith.subf %sub3A_1743, %sub3A_1744 : vector<400x15xf32>
    %mul3A_1746 = arith.mulf %sub3A_1739, %sub3A_1739 : vector<400x15xf32>
    %mul3A_1747 = arith.mulf %sub3A_1742, %sub3A_1742 : vector<400x15xf32>
    %add3A_1748 = arith.addf %mul3A_1746, %mul3A_1747 : vector<400x15xf32>
    %mul3A_1749 = arith.mulf %sub3A_1745, %sub3A_1745 : vector<400x15xf32>
    %add3A_1750 = arith.addf %add3A_1748, %mul3A_1749 : vector<400x15xf32>
    %sqrt3A_1751 = math.sqrt %add3A_1750 : vector<400x15xf32>
    %mul3A_1752 = arith.constant 1.33333337 : f32
    %mul3A_1753 = vector.broadcast %mul3A_1752 : f32 to vector<400x15xf32>
    %mul3A_1754 = arith.mulf %sqrt3A_1751, %mul3A_1753 : vector<400x15xf32>
    %sub3A_1755 = arith.constant 1.000000e+00 : f32
    %sub3A_1756 = vector.broadcast %sub3A_1755 : f32 to vector<400x15xf32>
    %sub3A_1757 = arith.subf %sub3A_1756, %mul3A_1754 : vector<400x15xf32>
    %max3A_1758 = arith.constant 0.000000e+00 : f32
    %max3A_1759 = vector.broadcast %max3A_1758 : f32 to vector<400x15xf32>
    %max3A_1760 = arith.maximumf %sub3A_1757, %max3A_1759 : vector<400x15xf32>
    %get3A_1761 = arith.constant 0 : index
    %get3A_1762 = arith.constant 0 : index
    %get3A_1763 = vector.load %arg4[%get3A_1761, %get3A_1762] : memref<15x480xf32, #tpu.memory_space<vmem>>, vector<15x480xf32>
    %dot_general3A_1764 = arith.constant dense<0.000000e+00> : vector<400x480xf32>
    %dot_general3A_1765 = tpu.matmul %max3A_1760, %get3A_1763, %dot_general3A_1764 {dimension_numbers = #tpu.dot_dimension_numbers<[1], [0], [0], [1], [0, 0, 1, 1], [], []>, transpose_lhs_hint = false} : vector<400x15xf32>, vector<15x480xf32>, vector<400x480xf32> -> vector<400x480xf32>
    %get3A_1766 = arith.constant 0 : index
    %get3A_1767 = arith.constant 0 : index
    %get3A_1768 = vector.load %arg5[%get3A_1766, %get3A_1767] : memref<32x480xf32, #tpu.memory_space<vmem>>, vector<32x480xf32>
    %dot_general3A_1769 = arith.constant dense<0.000000e+00> : vector<400x480xf32>
    %dot_general3A_1770 = tpu.matmul %get3A_1718, %get3A_1768, %dot_general3A_1769 {dimension_numbers = #tpu.dot_dimension_numbers<[1], [0], [0], [1], [0, 0, 1, 1], [], []>, transpose_lhs_hint = false} : vector<400x32xf32>, vector<32x480xf32>, vector<400x480xf32> -> vector<400x480xf32>
    %mul3A_1771 = arith.mulf %dot_general3A_1765, %dot_general3A_1770 : vector<400x480xf32>
    %add3A_1772 = arith.addf %add3A_1701, %mul3A_1771 : vector<400x480xf32>
    %reduce_sum3A_1773 = arith.constant dense<0.000000e+00> : vector<400xf32>
    %reduce_sum3A_1774 = vector.multi_reduction <add>, %get3A_1718, %reduce_sum3A_1773 [1] : vector<400x32xf32> to vector<400xf32>
    %broadcast_in_dim3A_1775 = vector.shape_cast %reduce_sum3A_1774 : vector<400xf32> to vector<400x1xf32>
    %gt3A_1776 = arith.constant 0.000000e+00 : f32
    %gt3A_1777 = vector.broadcast %gt3A_1776 : f32 to vector<400x1xf32>
    %gt3A_1778 = arith.cmpf ogt, %broadcast_in_dim3A_1775, %gt3A_1777 : vector<400x1xf32>
    %jit3A_1779 = arith.constant 1.000000e+00 : f32
    %jit3A_1780 = arith.constant 0.000000e+00 : f32
    %broadcast_in_dim3A_1781 = vector.broadcast %jit3A_1779 : f32 to vector<400x1xf32>
    %broadcast_in_dim3A_1782 = vector.broadcast %jit3A_1780 : f32 to vector<400x1xf32>
    %select_n3A_1783 = arith.select %gt3A_1778, %broadcast_in_dim3A_1781, %broadcast_in_dim3A_1782 : vector<400x1xi1>, vector<400x1xf32>
    %add3A_1784 = arith.addf %add3A_1713, %select_n3A_1783 : vector<400x1xf32>
    %get3A_1785 = arith.constant 25 : index
    %get3A_1786 = arith.constant 0 : index
    %get3A_1787 = arith.constant 0 : index
    %get3A_1788 = vector.load %arg1[%get3A_1785, %get3A_1786, %get3A_1787] : memref<32x400x128xf32, #tpu.memory_space<vmem>>, vector<1x400x32xf32>
    %get3A_1789 = vector.shape_cast %get3A_1788 : vector<1x400x32xf32> to vector<400x32xf32>
    %get3A_1790 = arith.constant 25 : index
    %get3A_1791 = arith.constant 0 : index
    %get3A_1792 = arith.constant 32 : index
    %get3A_1793 = vector.load %arg1[%get3A_1790, %get3A_1791, %get3A_1792] : memref<32x400x128xf32, #tpu.memory_space<vmem>>, vector<1x400x1xf32>
    %get3A_1794 = vector.shape_cast %get3A_1793 : vector<1x400x1xf32> to vector<400x1xf32>
    %sub3A_1795 = arith.subf %get3A_1794, %get3A_1 : vector<400x1xf32>
    %get3A_1796 = arith.constant 25 : index
    %get3A_1797 = arith.constant 0 : index
    %get3A_1798 = arith.constant 33 : index
    %get3A_1799 = vector.load %arg1[%get3A_1796, %get3A_1797, %get3A_1798] : memref<32x400x128xf32, #tpu.memory_space<vmem>>, vector<1x400x1xf32>
    %get3A_1800 = vector.shape_cast %get3A_1799 : vector<1x400x1xf32> to vector<400x1xf32>
    %sub3A_1801 = arith.subf %get3A_1800, %get3A_4 : vector<400x1xf32>
    %get3A_1802 = arith.constant 25 : index
    %get3A_1803 = arith.constant 0 : index
    %get3A_1804 = arith.constant 34 : index
    %get3A_1805 = vector.load %arg1[%get3A_1802, %get3A_1803, %get3A_1804] : memref<32x400x128xf32, #tpu.memory_space<vmem>>, vector<1x400x1xf32>
    %get3A_1806 = vector.shape_cast %get3A_1805 : vector<1x400x1xf32> to vector<400x1xf32>
    %sub3A_1807 = arith.subf %get3A_1806, %get3A_7 : vector<400x1xf32>
    %sub3A_1808 = vector.broadcast %sub3A_1795 : vector<400x1xf32> to vector<400x15xf32>
    %sub3A_1809 = vector.broadcast %get3A_10 : vector<1x15xf32> to vector<400x15xf32>
    %sub3A_1810 = arith.subf %sub3A_1808, %sub3A_1809 : vector<400x15xf32>
    %sub3A_1811 = vector.broadcast %sub3A_1801 : vector<400x1xf32> to vector<400x15xf32>
    %sub3A_1812 = vector.broadcast %get3A_13 : vector<1x15xf32> to vector<400x15xf32>
    %sub3A_1813 = arith.subf %sub3A_1811, %sub3A_1812 : vector<400x15xf32>
    %sub3A_1814 = vector.broadcast %sub3A_1807 : vector<400x1xf32> to vector<400x15xf32>
    %sub3A_1815 = vector.broadcast %get3A_16 : vector<1x15xf32> to vector<400x15xf32>
    %sub3A_1816 = arith.subf %sub3A_1814, %sub3A_1815 : vector<400x15xf32>
    %mul3A_1817 = arith.mulf %sub3A_1810, %sub3A_1810 : vector<400x15xf32>
    %mul3A_1818 = arith.mulf %sub3A_1813, %sub3A_1813 : vector<400x15xf32>
    %add3A_1819 = arith.addf %mul3A_1817, %mul3A_1818 : vector<400x15xf32>
    %mul3A_1820 = arith.mulf %sub3A_1816, %sub3A_1816 : vector<400x15xf32>
    %add3A_1821 = arith.addf %add3A_1819, %mul3A_1820 : vector<400x15xf32>
    %sqrt3A_1822 = math.sqrt %add3A_1821 : vector<400x15xf32>
    %mul3A_1823 = arith.constant 1.33333337 : f32
    %mul3A_1824 = vector.broadcast %mul3A_1823 : f32 to vector<400x15xf32>
    %mul3A_1825 = arith.mulf %sqrt3A_1822, %mul3A_1824 : vector<400x15xf32>
    %sub3A_1826 = arith.constant 1.000000e+00 : f32
    %sub3A_1827 = vector.broadcast %sub3A_1826 : f32 to vector<400x15xf32>
    %sub3A_1828 = arith.subf %sub3A_1827, %mul3A_1825 : vector<400x15xf32>
    %max3A_1829 = arith.constant 0.000000e+00 : f32
    %max3A_1830 = vector.broadcast %max3A_1829 : f32 to vector<400x15xf32>
    %max3A_1831 = arith.maximumf %sub3A_1828, %max3A_1830 : vector<400x15xf32>
    %get3A_1832 = arith.constant 0 : index
    %get3A_1833 = arith.constant 0 : index
    %get3A_1834 = vector.load %arg4[%get3A_1832, %get3A_1833] : memref<15x480xf32, #tpu.memory_space<vmem>>, vector<15x480xf32>
    %dot_general3A_1835 = arith.constant dense<0.000000e+00> : vector<400x480xf32>
    %dot_general3A_1836 = tpu.matmul %max3A_1831, %get3A_1834, %dot_general3A_1835 {dimension_numbers = #tpu.dot_dimension_numbers<[1], [0], [0], [1], [0, 0, 1, 1], [], []>, transpose_lhs_hint = false} : vector<400x15xf32>, vector<15x480xf32>, vector<400x480xf32> -> vector<400x480xf32>
    %get3A_1837 = arith.constant 0 : index
    %get3A_1838 = arith.constant 0 : index
    %get3A_1839 = vector.load %arg5[%get3A_1837, %get3A_1838] : memref<32x480xf32, #tpu.memory_space<vmem>>, vector<32x480xf32>
    %dot_general3A_1840 = arith.constant dense<0.000000e+00> : vector<400x480xf32>
    %dot_general3A_1841 = tpu.matmul %get3A_1789, %get3A_1839, %dot_general3A_1840 {dimension_numbers = #tpu.dot_dimension_numbers<[1], [0], [0], [1], [0, 0, 1, 1], [], []>, transpose_lhs_hint = false} : vector<400x32xf32>, vector<32x480xf32>, vector<400x480xf32> -> vector<400x480xf32>
    %mul3A_1842 = arith.mulf %dot_general3A_1836, %dot_general3A_1841 : vector<400x480xf32>
    %add3A_1843 = arith.addf %add3A_1772, %mul3A_1842 : vector<400x480xf32>
    %reduce_sum3A_1844 = arith.constant dense<0.000000e+00> : vector<400xf32>
    %reduce_sum3A_1845 = vector.multi_reduction <add>, %get3A_1789, %reduce_sum3A_1844 [1] : vector<400x32xf32> to vector<400xf32>
    %broadcast_in_dim3A_1846 = vector.shape_cast %reduce_sum3A_1845 : vector<400xf32> to vector<400x1xf32>
    %gt3A_1847 = arith.constant 0.000000e+00 : f32
    %gt3A_1848 = vector.broadcast %gt3A_1847 : f32 to vector<400x1xf32>
    %gt3A_1849 = arith.cmpf ogt, %broadcast_in_dim3A_1846, %gt3A_1848 : vector<400x1xf32>
    %jit3A_1850 = arith.constant 1.000000e+00 : f32
    %jit3A_1851 = arith.constant 0.000000e+00 : f32
    %broadcast_in_dim3A_1852 = vector.broadcast %jit3A_1850 : f32 to vector<400x1xf32>
    %broadcast_in_dim3A_1853 = vector.broadcast %jit3A_1851 : f32 to vector<400x1xf32>
    %select_n3A_1854 = arith.select %gt3A_1849, %broadcast_in_dim3A_1852, %broadcast_in_dim3A_1853 : vector<400x1xi1>, vector<400x1xf32>
    %add3A_1855 = arith.addf %add3A_1784, %select_n3A_1854 : vector<400x1xf32>
    %get3A_1856 = arith.constant 26 : index
    %get3A_1857 = arith.constant 0 : index
    %get3A_1858 = arith.constant 0 : index
    %get3A_1859 = vector.load %arg1[%get3A_1856, %get3A_1857, %get3A_1858] : memref<32x400x128xf32, #tpu.memory_space<vmem>>, vector<1x400x32xf32>
    %get3A_1860 = vector.shape_cast %get3A_1859 : vector<1x400x32xf32> to vector<400x32xf32>
    %get3A_1861 = arith.constant 26 : index
    %get3A_1862 = arith.constant 0 : index
    %get3A_1863 = arith.constant 32 : index
    %get3A_1864 = vector.load %arg1[%get3A_1861, %get3A_1862, %get3A_1863] : memref<32x400x128xf32, #tpu.memory_space<vmem>>, vector<1x400x1xf32>
    %get3A_1865 = vector.shape_cast %get3A_1864 : vector<1x400x1xf32> to vector<400x1xf32>
    %sub3A_1866 = arith.subf %get3A_1865, %get3A_1 : vector<400x1xf32>
    %get3A_1867 = arith.constant 26 : index
    %get3A_1868 = arith.constant 0 : index
    %get3A_1869 = arith.constant 33 : index
    %get3A_1870 = vector.load %arg1[%get3A_1867, %get3A_1868, %get3A_1869] : memref<32x400x128xf32, #tpu.memory_space<vmem>>, vector<1x400x1xf32>
    %get3A_1871 = vector.shape_cast %get3A_1870 : vector<1x400x1xf32> to vector<400x1xf32>
    %sub3A_1872 = arith.subf %get3A_1871, %get3A_4 : vector<400x1xf32>
    %get3A_1873 = arith.constant 26 : index
    %get3A_1874 = arith.constant 0 : index
    %get3A_1875 = arith.constant 34 : index
    %get3A_1876 = vector.load %arg1[%get3A_1873, %get3A_1874, %get3A_1875] : memref<32x400x128xf32, #tpu.memory_space<vmem>>, vector<1x400x1xf32>
    %get3A_1877 = vector.shape_cast %get3A_1876 : vector<1x400x1xf32> to vector<400x1xf32>
    %sub3A_1878 = arith.subf %get3A_1877, %get3A_7 : vector<400x1xf32>
    %sub3A_1879 = vector.broadcast %sub3A_1866 : vector<400x1xf32> to vector<400x15xf32>
    %sub3A_1880 = vector.broadcast %get3A_10 : vector<1x15xf32> to vector<400x15xf32>
    %sub3A_1881 = arith.subf %sub3A_1879, %sub3A_1880 : vector<400x15xf32>
    %sub3A_1882 = vector.broadcast %sub3A_1872 : vector<400x1xf32> to vector<400x15xf32>
    %sub3A_1883 = vector.broadcast %get3A_13 : vector<1x15xf32> to vector<400x15xf32>
    %sub3A_1884 = arith.subf %sub3A_1882, %sub3A_1883 : vector<400x15xf32>
    %sub3A_1885 = vector.broadcast %sub3A_1878 : vector<400x1xf32> to vector<400x15xf32>
    %sub3A_1886 = vector.broadcast %get3A_16 : vector<1x15xf32> to vector<400x15xf32>
    %sub3A_1887 = arith.subf %sub3A_1885, %sub3A_1886 : vector<400x15xf32>
    %mul3A_1888 = arith.mulf %sub3A_1881, %sub3A_1881 : vector<400x15xf32>
    %mul3A_1889 = arith.mulf %sub3A_1884, %sub3A_1884 : vector<400x15xf32>
    %add3A_1890 = arith.addf %mul3A_1888, %mul3A_1889 : vector<400x15xf32>
    %mul3A_1891 = arith.mulf %sub3A_1887, %sub3A_1887 : vector<400x15xf32>
    %add3A_1892 = arith.addf %add3A_1890, %mul3A_1891 : vector<400x15xf32>
    %sqrt3A_1893 = math.sqrt %add3A_1892 : vector<400x15xf32>
    %mul3A_1894 = arith.constant 1.33333337 : f32
    %mul3A_1895 = vector.broadcast %mul3A_1894 : f32 to vector<400x15xf32>
    %mul3A_1896 = arith.mulf %sqrt3A_1893, %mul3A_1895 : vector<400x15xf32>
    %sub3A_1897 = arith.constant 1.000000e+00 : f32
    %sub3A_1898 = vector.broadcast %sub3A_1897 : f32 to vector<400x15xf32>
    %sub3A_1899 = arith.subf %sub3A_1898, %mul3A_1896 : vector<400x15xf32>
    %max3A_1900 = arith.constant 0.000000e+00 : f32
    %max3A_1901 = vector.broadcast %max3A_1900 : f32 to vector<400x15xf32>
    %max3A_1902 = arith.maximumf %sub3A_1899, %max3A_1901 : vector<400x15xf32>
    %get3A_1903 = arith.constant 0 : index
    %get3A_1904 = arith.constant 0 : index
    %get3A_1905 = vector.load %arg4[%get3A_1903, %get3A_1904] : memref<15x480xf32, #tpu.memory_space<vmem>>, vector<15x480xf32>
    %dot_general3A_1906 = arith.constant dense<0.000000e+00> : vector<400x480xf32>
    %dot_general3A_1907 = tpu.matmul %max3A_1902, %get3A_1905, %dot_general3A_1906 {dimension_numbers = #tpu.dot_dimension_numbers<[1], [0], [0], [1], [0, 0, 1, 1], [], []>, transpose_lhs_hint = false} : vector<400x15xf32>, vector<15x480xf32>, vector<400x480xf32> -> vector<400x480xf32>
    %get3A_1908 = arith.constant 0 : index
    %get3A_1909 = arith.constant 0 : index
    %get3A_1910 = vector.load %arg5[%get3A_1908, %get3A_1909] : memref<32x480xf32, #tpu.memory_space<vmem>>, vector<32x480xf32>
    %dot_general3A_1911 = arith.constant dense<0.000000e+00> : vector<400x480xf32>
    %dot_general3A_1912 = tpu.matmul %get3A_1860, %get3A_1910, %dot_general3A_1911 {dimension_numbers = #tpu.dot_dimension_numbers<[1], [0], [0], [1], [0, 0, 1, 1], [], []>, transpose_lhs_hint = false} : vector<400x32xf32>, vector<32x480xf32>, vector<400x480xf32> -> vector<400x480xf32>
    %mul3A_1913 = arith.mulf %dot_general3A_1907, %dot_general3A_1912 : vector<400x480xf32>
    %add3A_1914 = arith.addf %add3A_1843, %mul3A_1913 : vector<400x480xf32>
    %reduce_sum3A_1915 = arith.constant dense<0.000000e+00> : vector<400xf32>
    %reduce_sum3A_1916 = vector.multi_reduction <add>, %get3A_1860, %reduce_sum3A_1915 [1] : vector<400x32xf32> to vector<400xf32>
    %broadcast_in_dim3A_1917 = vector.shape_cast %reduce_sum3A_1916 : vector<400xf32> to vector<400x1xf32>
    %gt3A_1918 = arith.constant 0.000000e+00 : f32
    %gt3A_1919 = vector.broadcast %gt3A_1918 : f32 to vector<400x1xf32>
    %gt3A_1920 = arith.cmpf ogt, %broadcast_in_dim3A_1917, %gt3A_1919 : vector<400x1xf32>
    %jit3A_1921 = arith.constant 1.000000e+00 : f32
    %jit3A_1922 = arith.constant 0.000000e+00 : f32
    %broadcast_in_dim3A_1923 = vector.broadcast %jit3A_1921 : f32 to vector<400x1xf32>
    %broadcast_in_dim3A_1924 = vector.broadcast %jit3A_1922 : f32 to vector<400x1xf32>
    %select_n3A_1925 = arith.select %gt3A_1920, %broadcast_in_dim3A_1923, %broadcast_in_dim3A_1924 : vector<400x1xi1>, vector<400x1xf32>
    %add3A_1926 = arith.addf %add3A_1855, %select_n3A_1925 : vector<400x1xf32>
    %get3A_1927 = arith.constant 27 : index
    %get3A_1928 = arith.constant 0 : index
    %get3A_1929 = arith.constant 0 : index
    %get3A_1930 = vector.load %arg1[%get3A_1927, %get3A_1928, %get3A_1929] : memref<32x400x128xf32, #tpu.memory_space<vmem>>, vector<1x400x32xf32>
    %get3A_1931 = vector.shape_cast %get3A_1930 : vector<1x400x32xf32> to vector<400x32xf32>
    %get3A_1932 = arith.constant 27 : index
    %get3A_1933 = arith.constant 0 : index
    %get3A_1934 = arith.constant 32 : index
    %get3A_1935 = vector.load %arg1[%get3A_1932, %get3A_1933, %get3A_1934] : memref<32x400x128xf32, #tpu.memory_space<vmem>>, vector<1x400x1xf32>
    %get3A_1936 = vector.shape_cast %get3A_1935 : vector<1x400x1xf32> to vector<400x1xf32>
    %sub3A_1937 = arith.subf %get3A_1936, %get3A_1 : vector<400x1xf32>
    %get3A_1938 = arith.constant 27 : index
    %get3A_1939 = arith.constant 0 : index
    %get3A_1940 = arith.constant 33 : index
    %get3A_1941 = vector.load %arg1[%get3A_1938, %get3A_1939, %get3A_1940] : memref<32x400x128xf32, #tpu.memory_space<vmem>>, vector<1x400x1xf32>
    %get3A_1942 = vector.shape_cast %get3A_1941 : vector<1x400x1xf32> to vector<400x1xf32>
    %sub3A_1943 = arith.subf %get3A_1942, %get3A_4 : vector<400x1xf32>
    %get3A_1944 = arith.constant 27 : index
    %get3A_1945 = arith.constant 0 : index
    %get3A_1946 = arith.constant 34 : index
    %get3A_1947 = vector.load %arg1[%get3A_1944, %get3A_1945, %get3A_1946] : memref<32x400x128xf32, #tpu.memory_space<vmem>>, vector<1x400x1xf32>
    %get3A_1948 = vector.shape_cast %get3A_1947 : vector<1x400x1xf32> to vector<400x1xf32>
    %sub3A_1949 = arith.subf %get3A_1948, %get3A_7 : vector<400x1xf32>
    %sub3A_1950 = vector.broadcast %sub3A_1937 : vector<400x1xf32> to vector<400x15xf32>
    %sub3A_1951 = vector.broadcast %get3A_10 : vector<1x15xf32> to vector<400x15xf32>
    %sub3A_1952 = arith.subf %sub3A_1950, %sub3A_1951 : vector<400x15xf32>
    %sub3A_1953 = vector.broadcast %sub3A_1943 : vector<400x1xf32> to vector<400x15xf32>
    %sub3A_1954 = vector.broadcast %get3A_13 : vector<1x15xf32> to vector<400x15xf32>
    %sub3A_1955 = arith.subf %sub3A_1953, %sub3A_1954 : vector<400x15xf32>
    %sub3A_1956 = vector.broadcast %sub3A_1949 : vector<400x1xf32> to vector<400x15xf32>
    %sub3A_1957 = vector.broadcast %get3A_16 : vector<1x15xf32> to vector<400x15xf32>
    %sub3A_1958 = arith.subf %sub3A_1956, %sub3A_1957 : vector<400x15xf32>
    %mul3A_1959 = arith.mulf %sub3A_1952, %sub3A_1952 : vector<400x15xf32>
    %mul3A_1960 = arith.mulf %sub3A_1955, %sub3A_1955 : vector<400x15xf32>
    %add3A_1961 = arith.addf %mul3A_1959, %mul3A_1960 : vector<400x15xf32>
    %mul3A_1962 = arith.mulf %sub3A_1958, %sub3A_1958 : vector<400x15xf32>
    %add3A_1963 = arith.addf %add3A_1961, %mul3A_1962 : vector<400x15xf32>
    %sqrt3A_1964 = math.sqrt %add3A_1963 : vector<400x15xf32>
    %mul3A_1965 = arith.constant 1.33333337 : f32
    %mul3A_1966 = vector.broadcast %mul3A_1965 : f32 to vector<400x15xf32>
    %mul3A_1967 = arith.mulf %sqrt3A_1964, %mul3A_1966 : vector<400x15xf32>
    %sub3A_1968 = arith.constant 1.000000e+00 : f32
    %sub3A_1969 = vector.broadcast %sub3A_1968 : f32 to vector<400x15xf32>
    %sub3A_1970 = arith.subf %sub3A_1969, %mul3A_1967 : vector<400x15xf32>
    %max3A_1971 = arith.constant 0.000000e+00 : f32
    %max3A_1972 = vector.broadcast %max3A_1971 : f32 to vector<400x15xf32>
    %max3A_1973 = arith.maximumf %sub3A_1970, %max3A_1972 : vector<400x15xf32>
    %get3A_1974 = arith.constant 0 : index
    %get3A_1975 = arith.constant 0 : index
    %get3A_1976 = vector.load %arg4[%get3A_1974, %get3A_1975] : memref<15x480xf32, #tpu.memory_space<vmem>>, vector<15x480xf32>
    %dot_general3A_1977 = arith.constant dense<0.000000e+00> : vector<400x480xf32>
    %dot_general3A_1978 = tpu.matmul %max3A_1973, %get3A_1976, %dot_general3A_1977 {dimension_numbers = #tpu.dot_dimension_numbers<[1], [0], [0], [1], [0, 0, 1, 1], [], []>, transpose_lhs_hint = false} : vector<400x15xf32>, vector<15x480xf32>, vector<400x480xf32> -> vector<400x480xf32>
    %get3A_1979 = arith.constant 0 : index
    %get3A_1980 = arith.constant 0 : index
    %get3A_1981 = vector.load %arg5[%get3A_1979, %get3A_1980] : memref<32x480xf32, #tpu.memory_space<vmem>>, vector<32x480xf32>
    %dot_general3A_1982 = arith.constant dense<0.000000e+00> : vector<400x480xf32>
    %dot_general3A_1983 = tpu.matmul %get3A_1931, %get3A_1981, %dot_general3A_1982 {dimension_numbers = #tpu.dot_dimension_numbers<[1], [0], [0], [1], [0, 0, 1, 1], [], []>, transpose_lhs_hint = false} : vector<400x32xf32>, vector<32x480xf32>, vector<400x480xf32> -> vector<400x480xf32>
    %mul3A_1984 = arith.mulf %dot_general3A_1978, %dot_general3A_1983 : vector<400x480xf32>
    %add3A_1985 = arith.addf %add3A_1914, %mul3A_1984 : vector<400x480xf32>
    %reduce_sum3A_1986 = arith.constant dense<0.000000e+00> : vector<400xf32>
    %reduce_sum3A_1987 = vector.multi_reduction <add>, %get3A_1931, %reduce_sum3A_1986 [1] : vector<400x32xf32> to vector<400xf32>
    %broadcast_in_dim3A_1988 = vector.shape_cast %reduce_sum3A_1987 : vector<400xf32> to vector<400x1xf32>
    %gt3A_1989 = arith.constant 0.000000e+00 : f32
    %gt3A_1990 = vector.broadcast %gt3A_1989 : f32 to vector<400x1xf32>
    %gt3A_1991 = arith.cmpf ogt, %broadcast_in_dim3A_1988, %gt3A_1990 : vector<400x1xf32>
    %jit3A_1992 = arith.constant 1.000000e+00 : f32
    %jit3A_1993 = arith.constant 0.000000e+00 : f32
    %broadcast_in_dim3A_1994 = vector.broadcast %jit3A_1992 : f32 to vector<400x1xf32>
    %broadcast_in_dim3A_1995 = vector.broadcast %jit3A_1993 : f32 to vector<400x1xf32>
    %select_n3A_1996 = arith.select %gt3A_1991, %broadcast_in_dim3A_1994, %broadcast_in_dim3A_1995 : vector<400x1xi1>, vector<400x1xf32>
    %add3A_1997 = arith.addf %add3A_1926, %select_n3A_1996 : vector<400x1xf32>
    %get3A_1998 = arith.constant 28 : index
    %get3A_1999 = arith.constant 0 : index
    %get3A_2000 = arith.constant 0 : index
    %get3A_2001 = vector.load %arg1[%get3A_1998, %get3A_1999, %get3A_2000] : memref<32x400x128xf32, #tpu.memory_space<vmem>>, vector<1x400x32xf32>
    %get3A_2002 = vector.shape_cast %get3A_2001 : vector<1x400x32xf32> to vector<400x32xf32>
    %get3A_2003 = arith.constant 28 : index
    %get3A_2004 = arith.constant 0 : index
    %get3A_2005 = arith.constant 32 : index
    %get3A_2006 = vector.load %arg1[%get3A_2003, %get3A_2004, %get3A_2005] : memref<32x400x128xf32, #tpu.memory_space<vmem>>, vector<1x400x1xf32>
    %get3A_2007 = vector.shape_cast %get3A_2006 : vector<1x400x1xf32> to vector<400x1xf32>
    %sub3A_2008 = arith.subf %get3A_2007, %get3A_1 : vector<400x1xf32>
    %get3A_2009 = arith.constant 28 : index
    %get3A_2010 = arith.constant 0 : index
    %get3A_2011 = arith.constant 33 : index
    %get3A_2012 = vector.load %arg1[%get3A_2009, %get3A_2010, %get3A_2011] : memref<32x400x128xf32, #tpu.memory_space<vmem>>, vector<1x400x1xf32>
    %get3A_2013 = vector.shape_cast %get3A_2012 : vector<1x400x1xf32> to vector<400x1xf32>
    %sub3A_2014 = arith.subf %get3A_2013, %get3A_4 : vector<400x1xf32>
    %get3A_2015 = arith.constant 28 : index
    %get3A_2016 = arith.constant 0 : index
    %get3A_2017 = arith.constant 34 : index
    %get3A_2018 = vector.load %arg1[%get3A_2015, %get3A_2016, %get3A_2017] : memref<32x400x128xf32, #tpu.memory_space<vmem>>, vector<1x400x1xf32>
    %get3A_2019 = vector.shape_cast %get3A_2018 : vector<1x400x1xf32> to vector<400x1xf32>
    %sub3A_2020 = arith.subf %get3A_2019, %get3A_7 : vector<400x1xf32>
    %sub3A_2021 = vector.broadcast %sub3A_2008 : vector<400x1xf32> to vector<400x15xf32>
    %sub3A_2022 = vector.broadcast %get3A_10 : vector<1x15xf32> to vector<400x15xf32>
    %sub3A_2023 = arith.subf %sub3A_2021, %sub3A_2022 : vector<400x15xf32>
    %sub3A_2024 = vector.broadcast %sub3A_2014 : vector<400x1xf32> to vector<400x15xf32>
    %sub3A_2025 = vector.broadcast %get3A_13 : vector<1x15xf32> to vector<400x15xf32>
    %sub3A_2026 = arith.subf %sub3A_2024, %sub3A_2025 : vector<400x15xf32>
    %sub3A_2027 = vector.broadcast %sub3A_2020 : vector<400x1xf32> to vector<400x15xf32>
    %sub3A_2028 = vector.broadcast %get3A_16 : vector<1x15xf32> to vector<400x15xf32>
    %sub3A_2029 = arith.subf %sub3A_2027, %sub3A_2028 : vector<400x15xf32>
    %mul3A_2030 = arith.mulf %sub3A_2023, %sub3A_2023 : vector<400x15xf32>
    %mul3A_2031 = arith.mulf %sub3A_2026, %sub3A_2026 : vector<400x15xf32>
    %add3A_2032 = arith.addf %mul3A_2030, %mul3A_2031 : vector<400x15xf32>
    %mul3A_2033 = arith.mulf %sub3A_2029, %sub3A_2029 : vector<400x15xf32>
    %add3A_2034 = arith.addf %add3A_2032, %mul3A_2033 : vector<400x15xf32>
    %sqrt3A_2035 = math.sqrt %add3A_2034 : vector<400x15xf32>
    %mul3A_2036 = arith.constant 1.33333337 : f32
    %mul3A_2037 = vector.broadcast %mul3A_2036 : f32 to vector<400x15xf32>
    %mul3A_2038 = arith.mulf %sqrt3A_2035, %mul3A_2037 : vector<400x15xf32>
    %sub3A_2039 = arith.constant 1.000000e+00 : f32
    %sub3A_2040 = vector.broadcast %sub3A_2039 : f32 to vector<400x15xf32>
    %sub3A_2041 = arith.subf %sub3A_2040, %mul3A_2038 : vector<400x15xf32>
    %max3A_2042 = arith.constant 0.000000e+00 : f32
    %max3A_2043 = vector.broadcast %max3A_2042 : f32 to vector<400x15xf32>
    %max3A_2044 = arith.maximumf %sub3A_2041, %max3A_2043 : vector<400x15xf32>
    %get3A_2045 = arith.constant 0 : index
    %get3A_2046 = arith.constant 0 : index
    %get3A_2047 = vector.load %arg4[%get3A_2045, %get3A_2046] : memref<15x480xf32, #tpu.memory_space<vmem>>, vector<15x480xf32>
    %dot_general3A_2048 = arith.constant dense<0.000000e+00> : vector<400x480xf32>
    %dot_general3A_2049 = tpu.matmul %max3A_2044, %get3A_2047, %dot_general3A_2048 {dimension_numbers = #tpu.dot_dimension_numbers<[1], [0], [0], [1], [0, 0, 1, 1], [], []>, transpose_lhs_hint = false} : vector<400x15xf32>, vector<15x480xf32>, vector<400x480xf32> -> vector<400x480xf32>
    %get3A_2050 = arith.constant 0 : index
    %get3A_2051 = arith.constant 0 : index
    %get3A_2052 = vector.load %arg5[%get3A_2050, %get3A_2051] : memref<32x480xf32, #tpu.memory_space<vmem>>, vector<32x480xf32>
    %dot_general3A_2053 = arith.constant dense<0.000000e+00> : vector<400x480xf32>
    %dot_general3A_2054 = tpu.matmul %get3A_2002, %get3A_2052, %dot_general3A_2053 {dimension_numbers = #tpu.dot_dimension_numbers<[1], [0], [0], [1], [0, 0, 1, 1], [], []>, transpose_lhs_hint = false} : vector<400x32xf32>, vector<32x480xf32>, vector<400x480xf32> -> vector<400x480xf32>
    %mul3A_2055 = arith.mulf %dot_general3A_2049, %dot_general3A_2054 : vector<400x480xf32>
    %add3A_2056 = arith.addf %add3A_1985, %mul3A_2055 : vector<400x480xf32>
    %reduce_sum3A_2057 = arith.constant dense<0.000000e+00> : vector<400xf32>
    %reduce_sum3A_2058 = vector.multi_reduction <add>, %get3A_2002, %reduce_sum3A_2057 [1] : vector<400x32xf32> to vector<400xf32>
    %broadcast_in_dim3A_2059 = vector.shape_cast %reduce_sum3A_2058 : vector<400xf32> to vector<400x1xf32>
    %gt3A_2060 = arith.constant 0.000000e+00 : f32
    %gt3A_2061 = vector.broadcast %gt3A_2060 : f32 to vector<400x1xf32>
    %gt3A_2062 = arith.cmpf ogt, %broadcast_in_dim3A_2059, %gt3A_2061 : vector<400x1xf32>
    %jit3A_2063 = arith.constant 1.000000e+00 : f32
    %jit3A_2064 = arith.constant 0.000000e+00 : f32
    %broadcast_in_dim3A_2065 = vector.broadcast %jit3A_2063 : f32 to vector<400x1xf32>
    %broadcast_in_dim3A_2066 = vector.broadcast %jit3A_2064 : f32 to vector<400x1xf32>
    %select_n3A_2067 = arith.select %gt3A_2062, %broadcast_in_dim3A_2065, %broadcast_in_dim3A_2066 : vector<400x1xi1>, vector<400x1xf32>
    %add3A_2068 = arith.addf %add3A_1997, %select_n3A_2067 : vector<400x1xf32>
    %get3A_2069 = arith.constant 29 : index
    %get3A_2070 = arith.constant 0 : index
    %get3A_2071 = arith.constant 0 : index
    %get3A_2072 = vector.load %arg1[%get3A_2069, %get3A_2070, %get3A_2071] : memref<32x400x128xf32, #tpu.memory_space<vmem>>, vector<1x400x32xf32>
    %get3A_2073 = vector.shape_cast %get3A_2072 : vector<1x400x32xf32> to vector<400x32xf32>
    %get3A_2074 = arith.constant 29 : index
    %get3A_2075 = arith.constant 0 : index
    %get3A_2076 = arith.constant 32 : index
    %get3A_2077 = vector.load %arg1[%get3A_2074, %get3A_2075, %get3A_2076] : memref<32x400x128xf32, #tpu.memory_space<vmem>>, vector<1x400x1xf32>
    %get3A_2078 = vector.shape_cast %get3A_2077 : vector<1x400x1xf32> to vector<400x1xf32>
    %sub3A_2079 = arith.subf %get3A_2078, %get3A_1 : vector<400x1xf32>
    %get3A_2080 = arith.constant 29 : index
    %get3A_2081 = arith.constant 0 : index
    %get3A_2082 = arith.constant 33 : index
    %get3A_2083 = vector.load %arg1[%get3A_2080, %get3A_2081, %get3A_2082] : memref<32x400x128xf32, #tpu.memory_space<vmem>>, vector<1x400x1xf32>
    %get3A_2084 = vector.shape_cast %get3A_2083 : vector<1x400x1xf32> to vector<400x1xf32>
    %sub3A_2085 = arith.subf %get3A_2084, %get3A_4 : vector<400x1xf32>
    %get3A_2086 = arith.constant 29 : index
    %get3A_2087 = arith.constant 0 : index
    %get3A_2088 = arith.constant 34 : index
    %get3A_2089 = vector.load %arg1[%get3A_2086, %get3A_2087, %get3A_2088] : memref<32x400x128xf32, #tpu.memory_space<vmem>>, vector<1x400x1xf32>
    %get3A_2090 = vector.shape_cast %get3A_2089 : vector<1x400x1xf32> to vector<400x1xf32>
    %sub3A_2091 = arith.subf %get3A_2090, %get3A_7 : vector<400x1xf32>
    %sub3A_2092 = vector.broadcast %sub3A_2079 : vector<400x1xf32> to vector<400x15xf32>
    %sub3A_2093 = vector.broadcast %get3A_10 : vector<1x15xf32> to vector<400x15xf32>
    %sub3A_2094 = arith.subf %sub3A_2092, %sub3A_2093 : vector<400x15xf32>
    %sub3A_2095 = vector.broadcast %sub3A_2085 : vector<400x1xf32> to vector<400x15xf32>
    %sub3A_2096 = vector.broadcast %get3A_13 : vector<1x15xf32> to vector<400x15xf32>
    %sub3A_2097 = arith.subf %sub3A_2095, %sub3A_2096 : vector<400x15xf32>
    %sub3A_2098 = vector.broadcast %sub3A_2091 : vector<400x1xf32> to vector<400x15xf32>
    %sub3A_2099 = vector.broadcast %get3A_16 : vector<1x15xf32> to vector<400x15xf32>
    %sub3A_2100 = arith.subf %sub3A_2098, %sub3A_2099 : vector<400x15xf32>
    %mul3A_2101 = arith.mulf %sub3A_2094, %sub3A_2094 : vector<400x15xf32>
    %mul3A_2102 = arith.mulf %sub3A_2097, %sub3A_2097 : vector<400x15xf32>
    %add3A_2103 = arith.addf %mul3A_2101, %mul3A_2102 : vector<400x15xf32>
    %mul3A_2104 = arith.mulf %sub3A_2100, %sub3A_2100 : vector<400x15xf32>
    %add3A_2105 = arith.addf %add3A_2103, %mul3A_2104 : vector<400x15xf32>
    %sqrt3A_2106 = math.sqrt %add3A_2105 : vector<400x15xf32>
    %mul3A_2107 = arith.constant 1.33333337 : f32
    %mul3A_2108 = vector.broadcast %mul3A_2107 : f32 to vector<400x15xf32>
    %mul3A_2109 = arith.mulf %sqrt3A_2106, %mul3A_2108 : vector<400x15xf32>
    %sub3A_2110 = arith.constant 1.000000e+00 : f32
    %sub3A_2111 = vector.broadcast %sub3A_2110 : f32 to vector<400x15xf32>
    %sub3A_2112 = arith.subf %sub3A_2111, %mul3A_2109 : vector<400x15xf32>
    %max3A_2113 = arith.constant 0.000000e+00 : f32
    %max3A_2114 = vector.broadcast %max3A_2113 : f32 to vector<400x15xf32>
    %max3A_2115 = arith.maximumf %sub3A_2112, %max3A_2114 : vector<400x15xf32>
    %get3A_2116 = arith.constant 0 : index
    %get3A_2117 = arith.constant 0 : index
    %get3A_2118 = vector.load %arg4[%get3A_2116, %get3A_2117] : memref<15x480xf32, #tpu.memory_space<vmem>>, vector<15x480xf32>
    %dot_general3A_2119 = arith.constant dense<0.000000e+00> : vector<400x480xf32>
    %dot_general3A_2120 = tpu.matmul %max3A_2115, %get3A_2118, %dot_general3A_2119 {dimension_numbers = #tpu.dot_dimension_numbers<[1], [0], [0], [1], [0, 0, 1, 1], [], []>, transpose_lhs_hint = false} : vector<400x15xf32>, vector<15x480xf32>, vector<400x480xf32> -> vector<400x480xf32>
    %get3A_2121 = arith.constant 0 : index
    %get3A_2122 = arith.constant 0 : index
    %get3A_2123 = vector.load %arg5[%get3A_2121, %get3A_2122] : memref<32x480xf32, #tpu.memory_space<vmem>>, vector<32x480xf32>
    %dot_general3A_2124 = arith.constant dense<0.000000e+00> : vector<400x480xf32>
    %dot_general3A_2125 = tpu.matmul %get3A_2073, %get3A_2123, %dot_general3A_2124 {dimension_numbers = #tpu.dot_dimension_numbers<[1], [0], [0], [1], [0, 0, 1, 1], [], []>, transpose_lhs_hint = false} : vector<400x32xf32>, vector<32x480xf32>, vector<400x480xf32> -> vector<400x480xf32>
    %mul3A_2126 = arith.mulf %dot_general3A_2120, %dot_general3A_2125 : vector<400x480xf32>
    %add3A_2127 = arith.addf %add3A_2056, %mul3A_2126 : vector<400x480xf32>
    %reduce_sum3A_2128 = arith.constant dense<0.000000e+00> : vector<400xf32>
    %reduce_sum3A_2129 = vector.multi_reduction <add>, %get3A_2073, %reduce_sum3A_2128 [1] : vector<400x32xf32> to vector<400xf32>
    %broadcast_in_dim3A_2130 = vector.shape_cast %reduce_sum3A_2129 : vector<400xf32> to vector<400x1xf32>
    %gt3A_2131 = arith.constant 0.000000e+00 : f32
    %gt3A_2132 = vector.broadcast %gt3A_2131 : f32 to vector<400x1xf32>
    %gt3A_2133 = arith.cmpf ogt, %broadcast_in_dim3A_2130, %gt3A_2132 : vector<400x1xf32>
    %jit3A_2134 = arith.constant 1.000000e+00 : f32
    %jit3A_2135 = arith.constant 0.000000e+00 : f32
    %broadcast_in_dim3A_2136 = vector.broadcast %jit3A_2134 : f32 to vector<400x1xf32>
    %broadcast_in_dim3A_2137 = vector.broadcast %jit3A_2135 : f32 to vector<400x1xf32>
    %select_n3A_2138 = arith.select %gt3A_2133, %broadcast_in_dim3A_2136, %broadcast_in_dim3A_2137 : vector<400x1xi1>, vector<400x1xf32>
    %add3A_2139 = arith.addf %add3A_2068, %select_n3A_2138 : vector<400x1xf32>
    %get3A_2140 = arith.constant 30 : index
    %get3A_2141 = arith.constant 0 : index
    %get3A_2142 = arith.constant 0 : index
    %get3A_2143 = vector.load %arg1[%get3A_2140, %get3A_2141, %get3A_2142] : memref<32x400x128xf32, #tpu.memory_space<vmem>>, vector<1x400x32xf32>
    %get3A_2144 = vector.shape_cast %get3A_2143 : vector<1x400x32xf32> to vector<400x32xf32>
    %get3A_2145 = arith.constant 30 : index
    %get3A_2146 = arith.constant 0 : index
    %get3A_2147 = arith.constant 32 : index
    %get3A_2148 = vector.load %arg1[%get3A_2145, %get3A_2146, %get3A_2147] : memref<32x400x128xf32, #tpu.memory_space<vmem>>, vector<1x400x1xf32>
    %get3A_2149 = vector.shape_cast %get3A_2148 : vector<1x400x1xf32> to vector<400x1xf32>
    %sub3A_2150 = arith.subf %get3A_2149, %get3A_1 : vector<400x1xf32>
    %get3A_2151 = arith.constant 30 : index
    %get3A_2152 = arith.constant 0 : index
    %get3A_2153 = arith.constant 33 : index
    %get3A_2154 = vector.load %arg1[%get3A_2151, %get3A_2152, %get3A_2153] : memref<32x400x128xf32, #tpu.memory_space<vmem>>, vector<1x400x1xf32>
    %get3A_2155 = vector.shape_cast %get3A_2154 : vector<1x400x1xf32> to vector<400x1xf32>
    %sub3A_2156 = arith.subf %get3A_2155, %get3A_4 : vector<400x1xf32>
    %get3A_2157 = arith.constant 30 : index
    %get3A_2158 = arith.constant 0 : index
    %get3A_2159 = arith.constant 34 : index
    %get3A_2160 = vector.load %arg1[%get3A_2157, %get3A_2158, %get3A_2159] : memref<32x400x128xf32, #tpu.memory_space<vmem>>, vector<1x400x1xf32>
    %get3A_2161 = vector.shape_cast %get3A_2160 : vector<1x400x1xf32> to vector<400x1xf32>
    %sub3A_2162 = arith.subf %get3A_2161, %get3A_7 : vector<400x1xf32>
    %sub3A_2163 = vector.broadcast %sub3A_2150 : vector<400x1xf32> to vector<400x15xf32>
    %sub3A_2164 = vector.broadcast %get3A_10 : vector<1x15xf32> to vector<400x15xf32>
    %sub3A_2165 = arith.subf %sub3A_2163, %sub3A_2164 : vector<400x15xf32>
    %sub3A_2166 = vector.broadcast %sub3A_2156 : vector<400x1xf32> to vector<400x15xf32>
    %sub3A_2167 = vector.broadcast %get3A_13 : vector<1x15xf32> to vector<400x15xf32>
    %sub3A_2168 = arith.subf %sub3A_2166, %sub3A_2167 : vector<400x15xf32>
    %sub3A_2169 = vector.broadcast %sub3A_2162 : vector<400x1xf32> to vector<400x15xf32>
    %sub3A_2170 = vector.broadcast %get3A_16 : vector<1x15xf32> to vector<400x15xf32>
    %sub3A_2171 = arith.subf %sub3A_2169, %sub3A_2170 : vector<400x15xf32>
    %mul3A_2172 = arith.mulf %sub3A_2165, %sub3A_2165 : vector<400x15xf32>
    %mul3A_2173 = arith.mulf %sub3A_2168, %sub3A_2168 : vector<400x15xf32>
    %add3A_2174 = arith.addf %mul3A_2172, %mul3A_2173 : vector<400x15xf32>
    %mul3A_2175 = arith.mulf %sub3A_2171, %sub3A_2171 : vector<400x15xf32>
    %add3A_2176 = arith.addf %add3A_2174, %mul3A_2175 : vector<400x15xf32>
    %sqrt3A_2177 = math.sqrt %add3A_2176 : vector<400x15xf32>
    %mul3A_2178 = arith.constant 1.33333337 : f32
    %mul3A_2179 = vector.broadcast %mul3A_2178 : f32 to vector<400x15xf32>
    %mul3A_2180 = arith.mulf %sqrt3A_2177, %mul3A_2179 : vector<400x15xf32>
    %sub3A_2181 = arith.constant 1.000000e+00 : f32
    %sub3A_2182 = vector.broadcast %sub3A_2181 : f32 to vector<400x15xf32>
    %sub3A_2183 = arith.subf %sub3A_2182, %mul3A_2180 : vector<400x15xf32>
    %max3A_2184 = arith.constant 0.000000e+00 : f32
    %max3A_2185 = vector.broadcast %max3A_2184 : f32 to vector<400x15xf32>
    %max3A_2186 = arith.maximumf %sub3A_2183, %max3A_2185 : vector<400x15xf32>
    %get3A_2187 = arith.constant 0 : index
    %get3A_2188 = arith.constant 0 : index
    %get3A_2189 = vector.load %arg4[%get3A_2187, %get3A_2188] : memref<15x480xf32, #tpu.memory_space<vmem>>, vector<15x480xf32>
    %dot_general3A_2190 = arith.constant dense<0.000000e+00> : vector<400x480xf32>
    %dot_general3A_2191 = tpu.matmul %max3A_2186, %get3A_2189, %dot_general3A_2190 {dimension_numbers = #tpu.dot_dimension_numbers<[1], [0], [0], [1], [0, 0, 1, 1], [], []>, transpose_lhs_hint = false} : vector<400x15xf32>, vector<15x480xf32>, vector<400x480xf32> -> vector<400x480xf32>
    %get3A_2192 = arith.constant 0 : index
    %get3A_2193 = arith.constant 0 : index
    %get3A_2194 = vector.load %arg5[%get3A_2192, %get3A_2193] : memref<32x480xf32, #tpu.memory_space<vmem>>, vector<32x480xf32>
    %dot_general3A_2195 = arith.constant dense<0.000000e+00> : vector<400x480xf32>
    %dot_general3A_2196 = tpu.matmul %get3A_2144, %get3A_2194, %dot_general3A_2195 {dimension_numbers = #tpu.dot_dimension_numbers<[1], [0], [0], [1], [0, 0, 1, 1], [], []>, transpose_lhs_hint = false} : vector<400x32xf32>, vector<32x480xf32>, vector<400x480xf32> -> vector<400x480xf32>
    %mul3A_2197 = arith.mulf %dot_general3A_2191, %dot_general3A_2196 : vector<400x480xf32>
    %add3A_2198 = arith.addf %add3A_2127, %mul3A_2197 : vector<400x480xf32>
    %reduce_sum3A_2199 = arith.constant dense<0.000000e+00> : vector<400xf32>
    %reduce_sum3A_2200 = vector.multi_reduction <add>, %get3A_2144, %reduce_sum3A_2199 [1] : vector<400x32xf32> to vector<400xf32>
    %broadcast_in_dim3A_2201 = vector.shape_cast %reduce_sum3A_2200 : vector<400xf32> to vector<400x1xf32>
    %gt3A_2202 = arith.constant 0.000000e+00 : f32
    %gt3A_2203 = vector.broadcast %gt3A_2202 : f32 to vector<400x1xf32>
    %gt3A_2204 = arith.cmpf ogt, %broadcast_in_dim3A_2201, %gt3A_2203 : vector<400x1xf32>
    %jit3A_2205 = arith.constant 1.000000e+00 : f32
    %jit3A_2206 = arith.constant 0.000000e+00 : f32
    %broadcast_in_dim3A_2207 = vector.broadcast %jit3A_2205 : f32 to vector<400x1xf32>
    %broadcast_in_dim3A_2208 = vector.broadcast %jit3A_2206 : f32 to vector<400x1xf32>
    %select_n3A_2209 = arith.select %gt3A_2204, %broadcast_in_dim3A_2207, %broadcast_in_dim3A_2208 : vector<400x1xi1>, vector<400x1xf32>
    %add3A_2210 = arith.addf %add3A_2139, %select_n3A_2209 : vector<400x1xf32>
    %get3A_2211 = arith.constant 31 : index
    %get3A_2212 = arith.constant 0 : index
    %get3A_2213 = arith.constant 0 : index
    %get3A_2214 = vector.load %arg1[%get3A_2211, %get3A_2212, %get3A_2213] : memref<32x400x128xf32, #tpu.memory_space<vmem>>, vector<1x400x32xf32>
    %get3A_2215 = vector.shape_cast %get3A_2214 : vector<1x400x32xf32> to vector<400x32xf32>
    %get3A_2216 = arith.constant 31 : index
    %get3A_2217 = arith.constant 0 : index
    %get3A_2218 = arith.constant 32 : index
    %get3A_2219 = vector.load %arg1[%get3A_2216, %get3A_2217, %get3A_2218] : memref<32x400x128xf32, #tpu.memory_space<vmem>>, vector<1x400x1xf32>
    %get3A_2220 = vector.shape_cast %get3A_2219 : vector<1x400x1xf32> to vector<400x1xf32>
    %sub3A_2221 = arith.subf %get3A_2220, %get3A_1 : vector<400x1xf32>
    %get3A_2222 = arith.constant 31 : index
    %get3A_2223 = arith.constant 0 : index
    %get3A_2224 = arith.constant 33 : index
    %get3A_2225 = vector.load %arg1[%get3A_2222, %get3A_2223, %get3A_2224] : memref<32x400x128xf32, #tpu.memory_space<vmem>>, vector<1x400x1xf32>
    %get3A_2226 = vector.shape_cast %get3A_2225 : vector<1x400x1xf32> to vector<400x1xf32>
    %sub3A_2227 = arith.subf %get3A_2226, %get3A_4 : vector<400x1xf32>
    %get3A_2228 = arith.constant 31 : index
    %get3A_2229 = arith.constant 0 : index
    %get3A_2230 = arith.constant 34 : index
    %get3A_2231 = vector.load %arg1[%get3A_2228, %get3A_2229, %get3A_2230] : memref<32x400x128xf32, #tpu.memory_space<vmem>>, vector<1x400x1xf32>
    %get3A_2232 = vector.shape_cast %get3A_2231 : vector<1x400x1xf32> to vector<400x1xf32>
    %sub3A_2233 = arith.subf %get3A_2232, %get3A_7 : vector<400x1xf32>
    %sub3A_2234 = vector.broadcast %sub3A_2221 : vector<400x1xf32> to vector<400x15xf32>
    %sub3A_2235 = vector.broadcast %get3A_10 : vector<1x15xf32> to vector<400x15xf32>
    %sub3A_2236 = arith.subf %sub3A_2234, %sub3A_2235 : vector<400x15xf32>
    %sub3A_2237 = vector.broadcast %sub3A_2227 : vector<400x1xf32> to vector<400x15xf32>
    %sub3A_2238 = vector.broadcast %get3A_13 : vector<1x15xf32> to vector<400x15xf32>
    %sub3A_2239 = arith.subf %sub3A_2237, %sub3A_2238 : vector<400x15xf32>
    %sub3A_2240 = vector.broadcast %sub3A_2233 : vector<400x1xf32> to vector<400x15xf32>
    %sub3A_2241 = vector.broadcast %get3A_16 : vector<1x15xf32> to vector<400x15xf32>
    %sub3A_2242 = arith.subf %sub3A_2240, %sub3A_2241 : vector<400x15xf32>
    %mul3A_2243 = arith.mulf %sub3A_2236, %sub3A_2236 : vector<400x15xf32>
    %mul3A_2244 = arith.mulf %sub3A_2239, %sub3A_2239 : vector<400x15xf32>
    %add3A_2245 = arith.addf %mul3A_2243, %mul3A_2244 : vector<400x15xf32>
    %mul3A_2246 = arith.mulf %sub3A_2242, %sub3A_2242 : vector<400x15xf32>
    %add3A_2247 = arith.addf %add3A_2245, %mul3A_2246 : vector<400x15xf32>
    %sqrt3A_2248 = math.sqrt %add3A_2247 : vector<400x15xf32>
    %mul3A_2249 = arith.constant 1.33333337 : f32
    %mul3A_2250 = vector.broadcast %mul3A_2249 : f32 to vector<400x15xf32>
    %mul3A_2251 = arith.mulf %sqrt3A_2248, %mul3A_2250 : vector<400x15xf32>
    %sub3A_2252 = arith.constant 1.000000e+00 : f32
    %sub3A_2253 = vector.broadcast %sub3A_2252 : f32 to vector<400x15xf32>
    %sub3A_2254 = arith.subf %sub3A_2253, %mul3A_2251 : vector<400x15xf32>
    %max3A_2255 = arith.constant 0.000000e+00 : f32
    %max3A_2256 = vector.broadcast %max3A_2255 : f32 to vector<400x15xf32>
    %max3A_2257 = arith.maximumf %sub3A_2254, %max3A_2256 : vector<400x15xf32>
    %get3A_2258 = arith.constant 0 : index
    %get3A_2259 = arith.constant 0 : index
    %get3A_2260 = vector.load %arg4[%get3A_2258, %get3A_2259] : memref<15x480xf32, #tpu.memory_space<vmem>>, vector<15x480xf32>
    %dot_general3A_2261 = arith.constant dense<0.000000e+00> : vector<400x480xf32>
    %dot_general3A_2262 = tpu.matmul %max3A_2257, %get3A_2260, %dot_general3A_2261 {dimension_numbers = #tpu.dot_dimension_numbers<[1], [0], [0], [1], [0, 0, 1, 1], [], []>, transpose_lhs_hint = false} : vector<400x15xf32>, vector<15x480xf32>, vector<400x480xf32> -> vector<400x480xf32>
    %get3A_2263 = arith.constant 0 : index
    %get3A_2264 = arith.constant 0 : index
    %get3A_2265 = vector.load %arg5[%get3A_2263, %get3A_2264] : memref<32x480xf32, #tpu.memory_space<vmem>>, vector<32x480xf32>
    %dot_general3A_2266 = arith.constant dense<0.000000e+00> : vector<400x480xf32>
    %dot_general3A_2267 = tpu.matmul %get3A_2215, %get3A_2265, %dot_general3A_2266 {dimension_numbers = #tpu.dot_dimension_numbers<[1], [0], [0], [1], [0, 0, 1, 1], [], []>, transpose_lhs_hint = false} : vector<400x32xf32>, vector<32x480xf32>, vector<400x480xf32> -> vector<400x480xf32>
    %mul3A_2268 = arith.mulf %dot_general3A_2262, %dot_general3A_2267 : vector<400x480xf32>
    %add3A_2269 = arith.addf %add3A_2198, %mul3A_2268 : vector<400x480xf32>
    %reduce_sum3A_2270 = arith.constant dense<0.000000e+00> : vector<400xf32>
    %reduce_sum3A_2271 = vector.multi_reduction <add>, %get3A_2215, %reduce_sum3A_2270 [1] : vector<400x32xf32> to vector<400xf32>
    %broadcast_in_dim3A_2272 = vector.shape_cast %reduce_sum3A_2271 : vector<400xf32> to vector<400x1xf32>
    %gt3A_2273 = arith.constant 0.000000e+00 : f32
    %gt3A_2274 = vector.broadcast %gt3A_2273 : f32 to vector<400x1xf32>
    %gt3A_2275 = arith.cmpf ogt, %broadcast_in_dim3A_2272, %gt3A_2274 : vector<400x1xf32>
    %jit3A_2276 = arith.constant 1.000000e+00 : f32
    %jit3A_2277 = arith.constant 0.000000e+00 : f32
    %broadcast_in_dim3A_2278 = vector.broadcast %jit3A_2276 : f32 to vector<400x1xf32>
    %broadcast_in_dim3A_2279 = vector.broadcast %jit3A_2277 : f32 to vector<400x1xf32>
    %select_n3A_2280 = arith.select %gt3A_2275, %broadcast_in_dim3A_2278, %broadcast_in_dim3A_2279 : vector<400x1xi1>, vector<400x1xf32>
    %add3A_2281 = arith.addf %add3A_2210, %select_n3A_2280 : vector<400x1xf32>
    %max3A_2282 = arith.constant 1.000000e+00 : f32
    %max3A_2283 = vector.broadcast %max3A_2282 : f32 to vector<400x1xf32>
    %max3A_2284 = arith.maximumf %add3A_2281, %max3A_2283 : vector<400x1xf32>
    %get3A_2285 = arith.constant 0 : index
    %get3A_2286 = arith.constant 0 : index
    %get3A_2287 = vector.load %arg6[%get3A_2285, %get3A_2286] : memref<480x32xf32, #tpu.memory_space<vmem>>, vector<480x32xf32>
    %dot_general3A_2288 = arith.constant dense<0.000000e+00> : vector<400x32xf32>
    %dot_general3A_2289 = tpu.matmul %add3A_2269, %get3A_2287, %dot_general3A_2288 {dimension_numbers = #tpu.dot_dimension_numbers<[1], [0], [0], [1], [0, 0, 1, 1], [], []>, transpose_lhs_hint = false} : vector<400x480xf32>, vector<480x32xf32>, vector<400x32xf32> -> vector<400x32xf32>
    %div3A = vector.broadcast %max3A_2284 : vector<400x1xf32> to vector<400x32xf32>
    %div3A_2290 = arith.divf %dot_general3A_2289, %div3A : vector<400x32xf32>
    %get3A_2291 = arith.constant 0 : index
    %get3A_2292 = arith.constant 0 : index
    %get3A_2293 = vector.load %arg7[%get3A_2291, %get3A_2292] : memref<1x32xf32, #tpu.memory_space<vmem>>, vector<1x32xf32>
    %add3A_2294 = vector.broadcast %get3A_2293 : vector<1x32xf32> to vector<400x32xf32>
    %add3A_2295 = arith.addf %div3A_2290, %add3A_2294 : vector<400x32xf32>
    %swap3A = arith.constant 0 : index
    %swap3A_2296 = arith.constant 0 : index
    %swap3A_2297 = vector.load %arg8[%swap3A, %swap3A_2296] : memref<400x32xf32, #tpu.memory_space<vmem>>, vector<400x32xf32>
    tpu.vector_store %arg8[%swap3A, %swap3A_2296], %add3A_2295 {strides = array<i32>} : memref<400x32xf32, #tpu.memory_space<vmem>>, vector<400x32xf32>,
    return
  }
  func.func @transform_0(%arg0: i32) -> (i32, i32, i32) {
    %c0_i32 = arith.constant 0 : i32
    %c0_i32_0 = arith.constant 0 : i32
    %c0_i32_1 = arith.constant 0 : i32
    return %c0_i32, %arg0, %c0_i32_0 : i32, i32, i32
  }
  func.func @transform_1(%arg0: i32) -> (i32, i32) {
    %c0_i32 = arith.constant 0 : i32
    %c0_i32_0 = arith.constant 0 : i32
    return %arg0, %c0_i32 : i32, i32
  }
  func.func @transform_2(%arg0: i32) -> (i32, i32) {
    %c0_i32 = arith.constant 0 : i32
    %c0_i32_0 = arith.constant 0 : i32
    %c0_i32_1 = arith.constant 0 : i32
    return %c0_i32, %c0_i32_0 : i32, i32
  }
  func.func @transform_3(%arg0: i32) -> (i32, i32) {
    %c0_i32 = arith.constant 0 : i32
    %c0_i32_0 = arith.constant 0 : i32
    %c0_i32_1 = arith.constant 0 : i32
    return %c0_i32, %c0_i32_0 : i32, i32
  }
  func.func @transform_4(%arg0: i32) -> (i32, i32) {
    %c0_i32 = arith.constant 0 : i32
    %c0_i32_0 = arith.constant 0 : i32
    %c0_i32_1 = arith.constant 0 : i32
    return %c0_i32, %c0_i32_0 : i32, i32
  }
  func.func @transform_5(%arg0: i32) -> (i32, i32) {
    %c0_i32 = arith.constant 0 : i32
    %c0_i32_0 = arith.constant 0 : i32
    %c0_i32_1 = arith.constant 0 : i32
    return %c0_i32, %c0_i32_0 : i32, i32
  }
  func.func @transform_6(%arg0: i32) -> (i32, i32) {
    %c0_i32 = arith.constant 0 : i32
    %c0_i32_0 = arith.constant 0 : i32
    %c0_i32_1 = arith.constant 0 : i32
    return %c0_i32, %c0_i32_0 : i32, i32
  }
  func.func @transform_7(%arg0: i32) -> (i32, i32) {
    %c0_i32 = arith.constant 0 : i32
    %c0_i32_0 = arith.constant 0 : i32
    return %arg0, %c0_i32 : i32, i32
  }
}

module attributes {stable_mosaic.version = 14 : i64} {
  func.func @_k3_body(%arg0: memref<10000x32xf32, #tpu.memory_space<vmem>>, %arg1: memref<10000x128xf32, #tpu.memory_space<vmem>>, %arg2: memref<1x32xf32, #tpu.memory_space<vmem>>, %arg3: memref<1x32xf32, #tpu.memory_space<vmem>>, %arg4: memref<32x128xf32, #tpu.memory_space<vmem>>, %arg5: memref<1x128xf32, #tpu.memory_space<vmem>>, %arg6: memref<1x128xf32, #tpu.memory_space<vmem>>, %arg7: memref<1x128xf32, #tpu.memory_space<vmem>>, %arg8: memref<32x32xf32, #tpu.memory_space<vmem>>, %arg9: memref<128x128xf32, #tpu.memory_space<vmem>>, %arg10: memref<10000x128xf32, #tpu.memory_space<vmem>>) attributes {dimension_semantics = [], scalar_prefetch = 0 : i64, scratch_operands = 0 : i64, tpu.core_type = #tpu.core_type<tc>} {
    %get3A = arith.constant 0 : index
    %get3A_0 = arith.constant 0 : index
    %get3A_1 = vector.load %arg0[%get3A, %get3A_0] : memref<10000x32xf32, #tpu.memory_space<vmem>>, vector<10000x32xf32>
    %get3A_2 = arith.constant 0 : index
    %get3A_3 = arith.constant 0 : index
    %get3A_4 = vector.load %arg2[%get3A_2, %get3A_3] : memref<1x32xf32, #tpu.memory_space<vmem>>, vector<1x32xf32>
    %get3A_5 = arith.constant 0 : index
    %get3A_6 = arith.constant 0 : index
    %get3A_7 = vector.load %arg3[%get3A_5, %get3A_6] : memref<1x32xf32, #tpu.memory_space<vmem>>, vector<1x32xf32>
    %get3A_8 = arith.constant 0 : index
    %get3A_9 = arith.constant 0 : index
    %get3A_10 = vector.load %arg8[%get3A_8, %get3A_9] : memref<32x32xf32, #tpu.memory_space<vmem>>, vector<32x32xf32>
    %reduce_sum3A = arith.constant dense<0.000000e+00> : vector<32xf32>
    %reduce_sum3A_11 = vector.multi_reduction <add>, %get3A_1, %reduce_sum3A [0] : vector<10000x32xf32> to vector<32xf32>
    %broadcast_in_dim3A = vector.shape_cast %reduce_sum3A_11 : vector<32xf32> to vector<1x32xf32>
    %mul3A = arith.mulf %get3A_1, %get3A_1 : vector<10000x32xf32>
    %reduce_sum3A_12 = arith.constant dense<0.000000e+00> : vector<32xf32>
    %reduce_sum3A_13 = vector.multi_reduction <add>, %mul3A, %reduce_sum3A_12 [0] : vector<10000x32xf32> to vector<32xf32>
    %broadcast_in_dim3A_14 = vector.shape_cast %reduce_sum3A_13 : vector<32xf32> to vector<1x32xf32>
    %dot_general3A = arith.constant dense<0.000000e+00> : vector<1x32xf32>
    %dot_general3A_15 = tpu.matmul %broadcast_in_dim3A, %get3A_10, %dot_general3A {dimension_numbers = #tpu.dot_dimension_numbers<[1], [0], [0], [1], [0, 0, 1, 1], [], []>, transpose_lhs_hint = false} : vector<1x32xf32>, vector<32x32xf32>, vector<1x32xf32> -> vector<1x32xf32>
    %dot_general3A_16 = arith.constant dense<0.000000e+00> : vector<1x32xf32>
    %dot_general3A_17 = tpu.matmul %broadcast_in_dim3A_14, %get3A_10, %dot_general3A_16 {dimension_numbers = #tpu.dot_dimension_numbers<[1], [0], [0], [1], [0, 0, 1, 1], [], []>, transpose_lhs_hint = false} : vector<1x32xf32>, vector<32x32xf32>, vector<1x32xf32> -> vector<1x32xf32>
    %div3A = arith.constant 4.000000e+04 : f32
    %div3A_18 = vector.broadcast %div3A : f32 to vector<1x32xf32>
    %div3A_19 = arith.divf %dot_general3A_15, %div3A_18 : vector<1x32xf32>
    %div3A_20 = arith.constant 4.000000e+04 : f32
    %div3A_21 = vector.broadcast %div3A_20 : f32 to vector<1x32xf32>
    %div3A_22 = arith.divf %dot_general3A_17, %div3A_21 : vector<1x32xf32>
    %mul3A_23 = arith.mulf %div3A_19, %div3A_19 : vector<1x32xf32>
    %sub3A = arith.subf %div3A_22, %mul3A_23 : vector<1x32xf32>
    %add3A = arith.constant 9.99999974E-6 : f32
    %add3A_24 = vector.broadcast %add3A : f32 to vector<1x32xf32>
    %add3A_25 = arith.addf %sub3A, %add3A_24 : vector<1x32xf32>
    %rsqrt3A = math.rsqrt %add3A_25 : vector<1x32xf32>
    %sub3A_26 = vector.broadcast %div3A_19 : vector<1x32xf32> to vector<10000x32xf32>
    %sub3A_27 = arith.subf %get3A_1, %sub3A_26 : vector<10000x32xf32>
    %mul3A_28 = vector.broadcast %rsqrt3A : vector<1x32xf32> to vector<10000x32xf32>
    %mul3A_29 = arith.mulf %sub3A_27, %mul3A_28 : vector<10000x32xf32>
    %mul3A_30 = vector.broadcast %get3A_4 : vector<1x32xf32> to vector<10000x32xf32>
    %mul3A_31 = arith.mulf %mul3A_29, %mul3A_30 : vector<10000x32xf32>
    %add3A_32 = vector.broadcast %get3A_7 : vector<1x32xf32> to vector<10000x32xf32>
    %add3A_33 = arith.addf %mul3A_31, %add3A_32 : vector<10000x32xf32>
    %ge3A = arith.constant 0.000000e+00 : f32
    %ge3A_34 = vector.broadcast %ge3A : f32 to vector<10000x32xf32>
    %ge3A_35 = arith.cmpf oge, %add3A_33, %ge3A_34 : vector<10000x32xf32>
    %mul3A_36 = arith.constant 1.000000e-01 : f32
    %mul3A_37 = vector.broadcast %mul3A_36 : f32 to vector<10000x32xf32>
    %mul3A_38 = arith.mulf %mul3A_37, %add3A_33 : vector<10000x32xf32>
    %select_n3A = arith.select %ge3A_35, %add3A_33, %mul3A_38 : vector<10000x32xi1>, vector<10000x32xf32>
    %get3A_39 = arith.constant 0 : index
    %get3A_40 = arith.constant 0 : index
    %get3A_41 = vector.load %arg4[%get3A_39, %get3A_40] : memref<32x128xf32, #tpu.memory_space<vmem>>, vector<32x128xf32>
    %dot_general3A_42 = arith.constant dense<0.000000e+00> : vector<10000x128xf32>
    %dot_general3A_43 = tpu.matmul %select_n3A, %get3A_41, %dot_general3A_42 {dimension_numbers = #tpu.dot_dimension_numbers<[1], [0], [0], [1], [0, 0, 1, 1], [], []>, transpose_lhs_hint = false} : vector<10000x32xf32>, vector<32x128xf32>, vector<10000x128xf32> -> vector<10000x128xf32>
    %get3A_44 = arith.constant 0 : index
    %get3A_45 = arith.constant 0 : index
    %get3A_46 = vector.load %arg5[%get3A_44, %get3A_45] : memref<1x128xf32, #tpu.memory_space<vmem>>, vector<1x128xf32>
    %add3A_47 = vector.broadcast %get3A_46 : vector<1x128xf32> to vector<10000x128xf32>
    %add3A_48 = arith.addf %dot_general3A_43, %add3A_47 : vector<10000x128xf32>
    %get3A_49 = arith.constant 0 : index
    %get3A_50 = arith.constant 0 : index
    %get3A_51 = vector.load %arg6[%get3A_49, %get3A_50] : memref<1x128xf32, #tpu.memory_space<vmem>>, vector<1x128xf32>
    %get3A_52 = arith.constant 0 : index
    %get3A_53 = arith.constant 0 : index
    %get3A_54 = vector.load %arg7[%get3A_52, %get3A_53] : memref<1x128xf32, #tpu.memory_space<vmem>>, vector<1x128xf32>
    %get3A_55 = arith.constant 0 : index
    %get3A_56 = arith.constant 0 : index
    %get3A_57 = vector.load %arg9[%get3A_55, %get3A_56] : memref<128x128xf32, #tpu.memory_space<vmem>>, vector<128x128xf32>
    %reduce_sum3A_58 = arith.constant dense<0.000000e+00> : vector<128xf32>
    %reduce_sum3A_59 = vector.multi_reduction <add>, %add3A_48, %reduce_sum3A_58 [0] : vector<10000x128xf32> to vector<128xf32>
    %broadcast_in_dim3A_60 = vector.shape_cast %reduce_sum3A_59 : vector<128xf32> to vector<1x128xf32>
    %mul3A_61 = arith.mulf %add3A_48, %add3A_48 : vector<10000x128xf32>
    %reduce_sum3A_62 = arith.constant dense<0.000000e+00> : vector<128xf32>
    %reduce_sum3A_63 = vector.multi_reduction <add>, %mul3A_61, %reduce_sum3A_62 [0] : vector<10000x128xf32> to vector<128xf32>
    %broadcast_in_dim3A_64 = vector.shape_cast %reduce_sum3A_63 : vector<128xf32> to vector<1x128xf32>
    %dot_general3A_65 = arith.constant dense<0.000000e+00> : vector<1x128xf32>
    %dot_general3A_66 = tpu.matmul %broadcast_in_dim3A_60, %get3A_57, %dot_general3A_65 {dimension_numbers = #tpu.dot_dimension_numbers<[1], [0], [0], [1], [0, 0, 1, 1], [], []>, transpose_lhs_hint = false} : vector<1x128xf32>, vector<128x128xf32>, vector<1x128xf32> -> vector<1x128xf32>
    %dot_general3A_67 = arith.constant dense<0.000000e+00> : vector<1x128xf32>
    %dot_general3A_68 = tpu.matmul %broadcast_in_dim3A_64, %get3A_57, %dot_general3A_67 {dimension_numbers = #tpu.dot_dimension_numbers<[1], [0], [0], [1], [0, 0, 1, 1], [], []>, transpose_lhs_hint = false} : vector<1x128xf32>, vector<128x128xf32>, vector<1x128xf32> -> vector<1x128xf32>
    %div3A_69 = arith.constant 1.600000e+05 : f32
    %div3A_70 = vector.broadcast %div3A_69 : f32 to vector<1x128xf32>
    %div3A_71 = arith.divf %dot_general3A_66, %div3A_70 : vector<1x128xf32>
    %div3A_72 = arith.constant 1.600000e+05 : f32
    %div3A_73 = vector.broadcast %div3A_72 : f32 to vector<1x128xf32>
    %div3A_74 = arith.divf %dot_general3A_68, %div3A_73 : vector<1x128xf32>
    %mul3A_75 = arith.mulf %div3A_71, %div3A_71 : vector<1x128xf32>
    %sub3A_76 = arith.subf %div3A_74, %mul3A_75 : vector<1x128xf32>
    %add3A_77 = arith.constant 9.99999974E-6 : f32
    %add3A_78 = vector.broadcast %add3A_77 : f32 to vector<1x128xf32>
    %add3A_79 = arith.addf %sub3A_76, %add3A_78 : vector<1x128xf32>
    %rsqrt3A_80 = math.rsqrt %add3A_79 : vector<1x128xf32>
    %sub3A_81 = vector.broadcast %div3A_71 : vector<1x128xf32> to vector<10000x128xf32>
    %sub3A_82 = arith.subf %add3A_48, %sub3A_81 : vector<10000x128xf32>
    %mul3A_83 = vector.broadcast %rsqrt3A_80 : vector<1x128xf32> to vector<10000x128xf32>
    %mul3A_84 = arith.mulf %sub3A_82, %mul3A_83 : vector<10000x128xf32>
    %mul3A_85 = vector.broadcast %get3A_51 : vector<1x128xf32> to vector<10000x128xf32>
    %mul3A_86 = arith.mulf %mul3A_84, %mul3A_85 : vector<10000x128xf32>
    %add3A_87 = vector.broadcast %get3A_54 : vector<1x128xf32> to vector<10000x128xf32>
    %add3A_88 = arith.addf %mul3A_86, %add3A_87 : vector<10000x128xf32>
    %get3A_89 = arith.constant 0 : index
    %get3A_90 = arith.constant 0 : index
    %get3A_91 = vector.load %arg1[%get3A_89, %get3A_90] : memref<10000x128xf32, #tpu.memory_space<vmem>>, vector<10000x128xf32>
    %add3A_92 = arith.addf %add3A_88, %get3A_91 : vector<10000x128xf32>
    %ge3A_93 = arith.constant 0.000000e+00 : f32
    %ge3A_94 = vector.broadcast %ge3A_93 : f32 to vector<10000x128xf32>
    %ge3A_95 = arith.cmpf oge, %add3A_92, %ge3A_94 : vector<10000x128xf32>
    %mul3A_96 = arith.constant 1.000000e-01 : f32
    %mul3A_97 = vector.broadcast %mul3A_96 : f32 to vector<10000x128xf32>
    %mul3A_98 = arith.mulf %mul3A_97, %add3A_92 : vector<10000x128xf32>
    %select_n3A_99 = arith.select %ge3A_95, %add3A_92, %mul3A_98 : vector<10000x128xi1>, vector<10000x128xf32>
    %swap3A = arith.constant 0 : index
    %swap3A_100 = arith.constant 0 : index
    %swap3A_101 = vector.load %arg10[%swap3A, %swap3A_100] : memref<10000x128xf32, #tpu.memory_space<vmem>>, vector<10000x128xf32>
    tpu.vector_store %arg10[%swap3A, %swap3A_100], %select_n3A_99 {strides = array<i32>} : memref<10000x128xf32, #tpu.memory_space<vmem>>, vector<10000x128xf32>,
    return
  }
}

</mosaic_0001>

<sc_bundles>
// kernel: kernel.6.cloned.1.call-start
scs
__scs_entry_jumppad:
0x0: {  	(pc) =	sbr.rel $0x88, $3  }
0x1: {  	(tag) =	ssettag $0x0;
	lr =	simm.s32 $0x1  }
0x2: {  	[smem:$0x3F90] =	sst lr;
	_ =	strace $0xD0000000  }
0x3: {  	_ = 	snop  }
0x4: {  	_ = 	snop  }
0x5: {  	_ = 	snop  }
0x6: {  	_ = 	snop  }
0x7: {  	_ = 	snop  }
__scs_overlays_trampoline_lowered:
0x8: {  	[smem:$0x3F9F] =	sst s0  }
0x9: {  	[smem:$0x3FA0] =	sst s1  }
0xa: {  	[smem:$0x3FA1] =	sst s2  }
0xb: {  	[smem:$0x3FA2] =	sst s3  }
0xc: {  	[smem:$0x3FA3] =	sst s4  }
0xd: {  	[smem:$0x3FA4] =	sst s5  }
0xe: {  	[smem:$0x3FA5] =	sst s6  }
0xf: {  	[smem:$0x3FA6] =	sst s7  }
0x10: {  	[smem:$0x3FA7] =	sst s8  }
0x11: {  	[smem:$0x3FA8] =	sst s9;
	s0 =	simm.s32 @!p0 $0x0  }
0x12: {  	s1 =	sld [smem:$0x3F8E];
	s0 =	simm.s32 @p0 $0x1  }
0x13: {  	[smem:$0x3FA9] =	sst s0;
	s0 =	simm.s32 @!p1 $0x0  }
0x14: {  	s2 =	sld [smem:$0x3F8D];
	s0 =	simm.s32 @p1 $0x1  }
0x15: {  	[smem:$0x3FAA] =	sst s0;
	s0 =	simm.s32 @!p2 $0x0  }
0x16: {  	s3 =	sld [smem:$0x3FDB];
	s0 =	simm.s32 @p2 $0x1  }
0x17: {  	s4 =	simm.s32 $0x1BF5;
	[smem:$0x3FAC] =	sst s0  }
0x18: {  	s0 =	sld [smem:$0x3F8F];
	_ =	swait.ge [sflag:s4], $0x0  }
0x19: {  	s7 =	sld [smem:$0x3F90]  }
0x1a: {  	s8 =	sadd.s32 $0xFFFFE003, lr  }
0x1b: {  	s9 =	sadd.s32 $0xFFFFFEF7, lr;
	s5 =	simm.s32 $0xFFFFFFFF;
	p2 =	slt.u32 s8, $0xFFFFF086  }
0x1c: {  	p1 =	slt.u32 s9, $0xF7A;
	s5 =	simm.s32 @!p2 $0x0  }
0x1d: {  	s5 =	simm.s32 @p1 $0x1;
	p0 =	seq.s32 s7, s2  }
0x1e: {  	s7 =	smul.u32 @!p0 $0xF7A, s2;
	p2 =	seq.s32 @!p0 s5, $0x0  }
0x1f: {  	s9 =	smul.u32 $0xF7A, s1;
	s8 =	simm.s32 @!p0 $0x1BF5;
	p2 =	por !p2, p0  }
0x20: {  	[sflag:s8] =	ssyncset.s32 @!p0 $0xFFFFF086;
	s6 =	sadd.s32 @!p0 s3, s7;
	s7 =	simm.s32 @!p0 $0x108  }
0x21: {  	s3 =	sadd.s32 s3, s9;
	s6 =	sadd.s32 @!p0 $0x88, s6;
	s7 =	simm.s32 @p2 $0x1082  }
0x22: {  	[simem:s7], [sflag:s8] =	dma.local @!p0 [hbm:s6], $0xF7A  }
0x23: {  	s9 =	sor.u32 $0xD0000000, s2;
	s6 =	simm.s32 $0x108;
	_ =	swait.ge @!p0 [sflag:s8], $0x0  }
0x24: {  	s3 =	sadd.s32 $0x88, s3;
	s6 =	simm.s32 @!p1 $0x1082;
	[sflag:s4] =	ssyncset.s32 $0xFFFFF086  }
0x25: {  	[simem:s6], [sflag:s4] =	dma.local [hbm:s3], $0xF7A  }
0x26: {  	[smem:$0x3F90] =	sst s1;
	(tag) =	ssettag s2;
	_ =	strace s9  }
0x27: {  	s1 =	sld [smem:$0x3FA0]  }
0x28: {  	s2 =	sld [smem:$0x3FA1]  }
0x29: {  	s4 =	sld [smem:$0x3FA3]  }
0x2a: {  	p0 =	seq.s32 s5, $0x0;
	s5 =	sld [smem:$0x3FA4]  }
0x2b: {  	s6 =	sld [smem:$0x3FA5]  }
0x2c: {  	s7 =	sld [smem:$0x3FA6]  }
0x2d: {  	s3 =	simm.s32 $0x108;
	s8 =	sld [smem:$0x3FA7]  }
0x2e: {  	s3 =	simm.s32 @!p0 $0x1082;
	s9 =	sld [smem:$0x3FA8]  }
0x2f: {  	lr =	sadd.s32 s0, s3;
	s0 =	sld [smem:$0x3F9F]  }
0x30: {  	s3 =	sld [smem:$0x3FA2]  }
0x31: {  	[smem:$0x3FAB] =	sst s10  }
0x32: {  	s10 =	sld [smem:$0x3FA9];
	_ =	sdelay $0x3  }
0x33: {  	p0 =	seq.s32 s10, $0x1;
	s10 =	sld [smem:$0x3FAB];
	_ =	sdelay $0x3  }
0x34: {  	[smem:$0x3FAB] =	sst s10  }
0x35: {  	s10 =	sld [smem:$0x3FAA];
	_ =	sdelay $0x3  }
0x36: {  	p1 =	seq.s32 s10, $0x1;
	s10 =	sld [smem:$0x3FAB];
	_ =	sdelay $0x3  }
0x37: {  	[smem:$0x3FAB] =	sst s10  }
0x38: {  	s10 =	sld [smem:$0x3FAC]  }
0x39: {  	_ = 	snop;
	(pc) =	sbr.ind lr, $3  }
0x3a: {  	_ = 	snop  }
0x3b: {  	_ = 	snop  }
0x3c: {  	p2 =	seq.s32 s10, $0x1;
	s10 =	sld [smem:$0x3FAB]  }
0x3d: {  	_ =	shalt  }
0x3e: {  	_ =	shalt  }
0x3f: {  	_ =	shalt  }
0x40: {  	_ =	shalt  }
0x41: {  	_ =	shalt  }
0x42: {  	_ =	shalt  }
0x43: {  	_ =	shalt  }
0x44: {  	_ =	shalt  }
0x45: {  	_ =	shalt  }
0x46: {  	_ =	shalt  }
0x47: {  	_ =	shalt  }
0x48: {  	_ =	shalt  }
0x49: {  	_ =	shalt  }
0x4a: {  	_ =	shalt  }
0x4b: {  	_ =	shalt  }
0x4c: {  	_ =	shalt  }
0x4d: {  	_ =	shalt  }
0x4e: {  	_ =	shalt  }
0x4f: {  	_ =	shalt  }
0x50: {  	_ =	shalt  }
0x51: {  	_ =	shalt  }
0x52: {  	_ =	shalt  }
0x53: {  	_ =	shalt  }
0x54: {  	_ =	shalt  }
0x55: {  	_ =	shalt  }
0x56: {  	_ =	shalt  }
0x57: {  	_ =	shalt  }
0x58: {  	_ =	shalt  }
0x59: {  	_ =	shalt  }
0x5a: {  	_ =	shalt  }
0x5b: {  	_ =	shalt  }
0x5c: {  	_ =	shalt  }
0x5d: {  	_ =	shalt  }
0x5e: {  	_ =	shalt  }
0x5f: {  	_ =	shalt  }
0x60: {  	_ =	shalt  }
0x61: {  	_ =	shalt  }
0x62: {  	_ =	shalt  }
0x63: {  	_ =	shalt  }
0x64: {  	_ =	shalt  }
0x65: {  	_ =	shalt  }
0x66: {  	_ =	shalt  }
0x67: {  	_ =	shalt  }
0x68: {  	_ =	shalt  }
0x69: {  	_ =	shalt  }
0x6a: {  	_ =	shalt  }
0x6b: {  	_ =	shalt  }
0x6c: {  	_ =	shalt  }
0x6d: {  	_ =	shalt  }
0x6e: {  	_ =	shalt  }
0x6f: {  	_ =	shalt  }
0x70: {  	_ =	shalt  }
0x71: {  	_ =	shalt  }
0x72: {  	_ =	shalt  }
0x73: {  	_ =	shalt  }
0x74: {  	_ =	shalt  }
0x75: {  	_ =	shalt  }
0x76: {  	_ =	shalt  }
0x77: {  	_ =	shalt  }
0x78: {  	_ =	shalt  }
0x79: {  	_ =	shalt  }
0x7a: {  	_ =	shalt  }
0x7b: {  	_ =	shalt  }
0x7c: {  	_ =	shalt  }
0x7d: {  	_ =	shalt  }
0x7e: {  	_ =	shalt  }
0x7f: {  	_ =	shalt  }
0x80: {  	_ =	shalt  }
0x81: {  	_ =	shalt  }
0x82: {  	_ =	shalt  }
0x83: {  	_ =	shalt  }
0x84: {  	_ =	shalt  }
0x85: {  	_ =	shalt  }
0x86: {  	_ =	shalt  }
0x87: {  	_ =	shalt  }
.Lfunc_end0:
.L_simem_size_0:
called_computation_lowered:
.L_overlay_start_0:
0x88: {  	s2 =	sld [smem:$0x3FD9]  }
0x89: {  	s3 =	sld [smem:$0x3FFE];
	_ =	sdelay $0x1  }
0x8a: {  	s1 =	srdreg.scid  }
0x8b: {  	s0 =	sand.u32 $0x1, s1  }
0x8c: {  	s17 =	sshll.u32 s0, $0xA;
	s2 =	sadd.s32 s3, s2  }
0x8d: {  	s2 =	sadd.s32 s2, s17  }
0x8e: {  	[smem:$0x3FB7] =	sst s2  }
0x8f: {  	_ = 	snop  }
0x90: {  	s2 =	sld [smem:$0x3FD0];
	(tm) =	ssettm $0x1  }
0x91: {  	s18 =	sld [smem:$0x3FFB];
	_ =	sdelay $0x3  }
0x92: {  	_ =	strace s18  }
0x93: {  	s3 =	sld [smem:$0x3FFC];
	_ =	sdelay $0x3  }
0x94: {  	_ =	strace s3  }
0x95: {  	s3 =	sld [smem:$0x3FFD];
	_ =	sdelay $0x3  }
0x96: {  	_ =	strace s3  }
0x97: {  	_ =	strace $0x8FFFFFFF  }
0x98: {  	s19 =	sld [smem:$0x3FDB];
	_ =	sdelay $0x1  }
0x99: {  	s4 =	simm.s32 $_scs_section_size  }
0x9a: {  	s5 =	simm.s32 $_size__tile_overlayer_lowered;
	s6 =	simm.s32 $_tile_overlayer_lowered  }
0x9b: {  	s22 =	simm.s32 $0x1BFF;
	s21 =	sshll.u32 s6, $0x1;
	s3 =	sadd.s32 s4, s19  }
0x9c: {  	s7 =	simm.s32 $0x0;
	s20 =	sshll.u32 s5, $0x1;
	s5 =	sadd.s32 s21, s3  }
0x9d: {  	[timem:s7], [sflag:s22] =	dma.local [hbm:s5], s20  }
0x9e: {  	_ =	swait.ge [sflag:s22], s20  }
0x9f: {  	s4 =	ssub.s32 $0x0, s20;
	[sflag:s22] =	ssyncset.done $0x0  }
0xa0: {  	[sflag:s22] =	ssyncadd.s32 s4;
	_ =	sdelay $0x1  }
0xa1: {  	s23 =	simm.s32 $0x1B8B  }
0xa2: {  	_ =	swait.ge [sflag:s23], $0x1  }
0xa3: {  	[sflag:s23] =	ssyncset.done $0x0  }
0xa4: {  	s25 =	simm.s32 $0x1B8E;
	s24 =	sld [smem:$0x3FFE];
	[sflag:s23] =	ssyncadd.s32 $0xFFFFFFFF  }
0xa5: {  	s26 =	simm.s32 $execute0_lowered;
	[smem:$0x3FD2] =	sst s25  }
0xa6: {  	s5 =	sshll.u32 s26, $0x1;
	_ =	strace $0x80000046;
	[dreg:$0x1] =	wrdreg $0xFFFFFFFF  }
0xa7: {  	s28 =	simm.s32 $_size_execute0_lowered;
	s3 =	sadd.s32 s3, s5;
	[dreg:$0x0] =	wrdreg $0x0  }
0xa8: {  	s5 =	sshll.u32 s28, $0x1;
	[dreg:$0x2] =	wrdreg s3  }
0xa9: {  	[dreg:$0x3] =	wrdreg s5  }
0xaa: {  	[dreg:$0x4] =	wrdreg $0xC0  }
0xab: {  	_ =	task [dreg:s7], $0x5FFFF  }
0xac: {  	[dreg:$0x1] =	wrdreg $0xFFFFFFFF  }
0xad: {  	[dreg:$0x0] =	wrdreg $0x60  }
0xae: {  	[dreg:$0x2] =	wrdreg s2  }
0xaf: {  	[dreg:$0x3] =	wrdreg s24  }
0xb0: {  	[dreg:$0x4] =	wrdreg $0x9  }
0xb1: {  	_ =	task.clear_ibuf [dreg:s7], $0x5FFFF;
	_ =	strace $0x90000046  }
0xb2: {  	s29 =	simm.s32 $0x9;
	_ =	strace $0x80000048  }
0xb3: {  	_ =	swait.ge [sflag:s29], $0x1  }
0xb4: {  	[sflag:s29] =	ssyncadd.s32 $0xFFFFFFFF  }
0xb5: {  	_ =	strace $0x90000048  }
0xb6: {  	_ =	sfence  }
0xb7: {  	s30 =	sld [smem:$0x0];
	_ =	sdelay $0x2  }
0xb8: {  	s31 =	sshll.u32 s1, $0xD;
	s1 =	sshrl.u32 s1, $0x2  }
0xb9: {  	s3 =	sand.u32 $0x4000, s31;
	s1 =	sadd.s32 s1, s30  }
0xba: {  	s0 =	sor.u32 s3, s0;
	s1 =	sshll.u32 s1, $0x11  }
0xbb: {  	s0 =	sor.u32 s1, s0  }
0xbc: {  	s0 =	sadd.s32 $0x8F2B, s0  }
0xbd: {  	[sflag:s0] =	ssyncadd.remote.s32 $0x1  }
0xbe: {  	_ =	sfence.sel $0xFFFF  }
0xbf: {  	[dreg:$0x0] =	wrdreg $0xFFFFFFFF;
	(pc) =	sbr.abs _section_cstart, $3  }
0xc0: {  	[dreg:$0x1] =	wrdreg $0xFFFFFFFF  }
0xc1: {  	_ =	task.clear_ibuf [dreg:s7], $0x2FFFF;
	_ =	strace $0x9FFFFFFF  }
0xc2: {  	(tm) =	ssettm $0x7FFFFFFF  }
0xc3: {  	_ =	shalt  }
tec
execute0_lowered:
.L_overlay_start_1:
0x0: {  	(tag) =	ssettag $0x1  }
0x1: {  	s2 =	rddreg [dreg:$0x0]  }
0x2: {  	s4 =	rddreg [dreg:$0x1]  }
0x3: {  	s0 =	rddreg [dreg:$0x2];
	s3 =	srdreg.scid  }
0x4: {  	s1 =	stileid.u32;
	s9 =	simm.s32 $0x2710;
	s10 =	simm.s32 $0x1  }
0x5: {  	s11 =	simm.s32 $0x30;
	s12 =	simm.s32 $0x80;
	s13 =	simm.s32 $0x0  }
0x6: {  	s5 =	sand.u32 $0x1, s3;
	s6 =	sshll.u32 s1, $0x1;
	s7 =	smul.u32 $0x271000, s1  }
0x7: {  	s3 =	simm.s32 $0x0;
	s6 =	sor.u32 s5, s6;
	s8 =	smul.u32 $0x138800, s5  }
0x8: {  	[smem:$0x7FF] =	sst s3;
	s5 =	ssub.s32 $0x2, s5;
	s6 =	smul.u32 $0x4E2, s6  }
0x9: {  	_ =	strace $0x80000047;
	s31 =	sshrl.u32 s5, $0x1;
	s7 =	sadd.s32 s8, s7  }
0xa: {  	s5 =	ssub.s32 s5, s31;
	s8 =	simm.s32 $0x50;
	s7 =	sshrl.u32 s7, $0x3  }
0xb: {  	s6 =	sadd.s32 s6, s4;
	s5 =	smax.u32 s5, $0x1;
	s7 =	sadd.s32 s7, s4  }
0xc: {  	s4 =	sadd.s32 $0x3200, s6;
	s6 =	sadd.s32 $0xD000, s7;
	s7 =	simm.s32 $0x2  }
.LBB2_1:
0xd: {  	[tilespmem:s3], [sflag:$0x2] =	stream.linear.gather [hbm4b:s4+s3], $0x2710, $0x38;
	[tilespmem:$0x3610] =	vst v63  }
0xe: {  	_ =	swait.ge [sflag:s7], $0x2710  }
0xf: {  	[sflag:s7] =	ssyncset.done $0x0  }
0x10: {  	s14 =	simm.s32 $0x0;
	[sflag:s7] =	ssyncadd.s32 $0xFFFFD8F0  }
0x11: {  	[tilespmem:s9], [sflag:$0x1] =	stream.indirect.gather [hbm4b:s2+s8], $0x30, s14, s8, $0xb8;
	[tilespmem:$0x3610] =	vst v63  }
0x12: {  	_ =	swait.ge [sflag:s10], $0xF00  }
0x13: {  	[sflag:s10] =	ssyncset.done $0x0  }
0x14: {  	[sflag:s10] =	ssyncadd.s32 $0xFFFFF100  }
0x15: {  	[hbm4b:s6+s11] =	stream.strided.scatter [tilespmem:s9], [sflag:$0x2], $0xF00, s12, s11, $0x38;
	[tilespmem:$0x3610] =	vst v63  }
0x16: {  	s15 =	simm.s32 $0x140;
	_ =	swait.ge [sflag:s7], $0xF00  }
0x17: {  	s16 =	simm.s32 $0x280;
	s14 =	sadd.s32 $0x500, s6;
	[sflag:s7] =	ssyncset.done $0x0  }
.LBB2_2:
0x18: {  	s17 =	sshra.s32 s15, $0x2  }
0x19: {  	[sflag:s7] =	ssyncadd.s32 $0xFFFFF100;
	s15 =	smov.u32 s16;
	s18 =	sadd.s32 $0x140, s16  }
0x1a: {  	[tilespmem:s9], [sflag:$0x1] =	stream.indirect.gather [hbm4b:s2+s8], $0x30, s17, s8, $0xb8;
	[tilespmem:$0x3610] =	vst v63  }
0x1b: {  	p0 =	sne.s32 s16, $0x9B00;
	_ =	swait.ge [sflag:s10], $0xF00  }
.Ltmp0:
0x1c: {  	[sflag:s10] =	ssyncset.done $0x0;
	(pc) =	sbr.rel @p0 .LBB2_2-.Ltmp0, $4  }
0x1d: {  	[sflag:s10] =	ssyncadd.s32 $0xFFFFF100  }
0x1e: {  	[hbm4b:s14+s11] =	stream.strided.scatter [tilespmem:s9], [sflag:$0x2], $0xF00, s12, s11, $0x38;
	[tilespmem:$0x3610] =	vst v63  }
0x1f: {  	_ =	swait.ge [sflag:s7], $0xF00  }
0x20: {  	s16 =	smov.u32 s18;
	s14 =	sadd.s32 $0x500, s14;
	[sflag:s7] =	ssyncset.done $0x0  }
0x21: {  	s15 =	sshra.s32 s15, $0x2;
	[sflag:s7] =	ssyncadd.s32 $0xFFFFF100  }
0x22: {  	[tilespmem:s9], [sflag:$0x1] =	stream.indirect.gather [hbm4b:s2+s8], $0x30, s15, s8, $0xb8;
	[tilespmem:$0x3610] =	vst v63  }
0x23: {  	s13 =	sadd.s32 $0x1, s13;
	_ =	swait.ge [sflag:s10], $0xF00  }
0x24: {  	p0 =	sne.s32 s13, s5;
	[sflag:s10] =	ssyncset.done $0x0  }
.Ltmp1:
0x25: {  	[sflag:s10] =	ssyncadd.s32 $0xFFFFF100;
	(pc) =	sbr.rel @p0 .LBB2_1-.Ltmp1, $4  }
0x26: {  	[hbm4b:s14+s11] =	stream.strided.scatter [tilespmem:s9], [sflag:$0x2], $0xF00, s12, s11, $0x38;
	[tilespmem:$0x3610] =	vst v63  }
0x27: {  	_ =	swait.ge [sflag:s7], $0xF00  }
0x28: {  	[sflag:s7] =	ssyncset.done $0x0  }
0x29: {  	[sflag:s7] =	ssyncadd.s32 $0xFFFFF100  }
0x2a: {  	_ =	sfence.sel $0x180000  }
0x2b: {  	[bflag:$0x0] =	sbarrier.arrive $0xFFFF  }
0x2c: {  	p0 =	sne.s32 s1, $0x0;
	_ =	strace $0x90000047  }
0x2d: {  	s0 =	sadd.s32 @!p0 $0x100000, s0;
	[bflag:$0x2] =	sbarrier.arrive $0xFFFF  }
0x2e: {  	[sflag:s0] =	ssyncadd.tile.s32 @!p0 $0x1;
	_ =	shalt  }
.Lfunc_end2:
_tile_overlayer_lowered:
.L_overlay_start_2:
0x2f: {  	(tag) =	ssettag $0x2  }
0x30: {  	s0 =	rddreg [dreg:$0x0];
	s2 =	stileid.u32  }
0x31: {  	s1 =	rddreg [dreg:$0x1];
	p0 =	sne.s32 s2, $0x0  }
0x32: {  	s3 =	rddreg [dreg:$0x2];
	[bflag:$0x3] =	sbarrier.arrive $0xFFFF;
	s2 =	simm.s32 @!p0 $0x1C02  }
0x33: {  	[timem:s3], [sflag:s2] =	dma.local @!p0 [hbm:s0], s1  }
0x34: {  	s0 =	simm.s32 @!p0 $0x2  }
0x35: {  	_ =	swait.ge @!p0 [sflag:s0], s1  }
0x36: {  	s1 =	ssub.s32 @!p0 $0x0, s1;
	[sflag:s0] =	ssyncset.done @!p0 $0x0  }
0x37: {  	[sflag:s0] =	ssyncadd.s32 @!p0 s1  }
0x38: {  	[bflag:$0x3] =	sbarrier.arrive $0xFFFF  }
0x39: {  	_ =	shalt  }

</sc_bundles>
